<compile_context>
chip_gen: v7x
topology: tpu7x:2x2x1
jax: 0.10.2.dev20260603
libtpu: 0.0.44.dev20260713+nightly
codegen_flags: <defaults>
</compile_context>

<pallas_src>
import functools

import jax
import jax.numpy as jnp
from jax import lax
from jax.experimental import pallas as pl
from jax.experimental.pallas import tpu as pltpu
from jax.experimental.pallas import tpu_sc as plsc

N = 10000
E = 320000
D = 128
NS = 16
C = 128
NCH = 158
NPAIR = NCH // 2
EPT = NCH * C
EP = EPT * NS
NP = 10240
DSL = NP // NS
RSL = NP // NS

def _deg_body(sd3, ones_hbm, out_ref, acc_sh, idx_v, ones_v, s):
    slab = pl.ds(s * DSL, DSL)
    pltpu.sync_copy(ones_hbm.at[slab], acc_sh.at[slab])
    pltpu.sync_copy(ones_hbm.at[pl.ds(0, C)], ones_v)
    plsc.subcore_barrier()

    def body(i, carry):
        pltpu.sync_copy(sd3.at[s, i, 1], idx_v)
        pltpu.sync_copy(ones_v, acc_sh.at[idx_v], add=True)
        return carry

    lax.fori_loop(0, NCH, body, 0)
    plsc.subcore_barrier()
    pltpu.sync_copy(acc_sh.at[slab], out_ref.at[slab])


def _prop_body(sd3, u_hbm, out_ref, acc_sh,
               sidx_a, didx_a, sidx_b, didx_b, rows_a, rows_b,
               sem_a, sem_b, s):
    slab = pl.ds(s * RSL, RSL)
    pltpu.sync_copy(u_hbm.at[slab], acc_sh.at[slab])
    plsc.subcore_barrier()

    def body(j, carry):
        i0 = 2 * j
        pltpu.sync_copy(sd3.at[s, i0, 0], sidx_a)
        pltpu.sync_copy(sd3.at[s, i0, 1], didx_a)
        da = pltpu.async_copy(u_hbm.at[sidx_a], rows_a, sem_a)
        pltpu.sync_copy(sd3.at[s, i0 + 1, 0], sidx_b)
        pltpu.sync_copy(sd3.at[s, i0 + 1, 1], didx_b)
        db = pltpu.async_copy(u_hbm.at[sidx_b], rows_b, sem_b)
        da.wait()
        pltpu.sync_copy(rows_a, acc_sh.at[didx_a], add=True)
        db.wait()
        pltpu.sync_copy(rows_b, acc_sh.at[didx_b], add=True)
        return carry

    lax.fori_loop(0, NPAIR, body, 0)
    plsc.subcore_barrier()
    pltpu.sync_copy(acc_sh.at[slab], out_ref.at[slab])


@functools.cache
def _sc_kernels():
    mesh = plsc.VectorSubcoreMesh(core_axis_name="c", subcore_axis_name="s",
                                  num_cores=2, num_subcores=NS)

    @functools.partial(
        pl.kernel,
        out_type=(
            jax.ShapeDtypeStruct((NP, 1), jnp.float32),
            jax.ShapeDtypeStruct((NP, 1), jnp.float32),
        ),
        mesh=mesh,
        scratch_types=[
            pltpu.VMEM_SHARED((NP, 1), jnp.float32),
            pltpu.VMEM((C,), jnp.int32),
            pltpu.VMEM((C, 1), jnp.float32),
        ],
    )
    def deg_kernel(sd_ex, sd_im, ones_hbm, out_ex, out_im,
                   acc_sh, idx_v, ones_v):
        c = lax.axis_index("c")
        s = lax.axis_index("s")

        @pl.when(c == 0)
        def _():
            _deg_body(sd_ex, ones_hbm, out_ex, acc_sh, idx_v, ones_v, s)

        @pl.when(c == 1)
        def _():
            _deg_body(sd_im, ones_hbm, out_im, acc_sh, idx_v, ones_v, s)

    @functools.partial(
        pl.kernel,
        out_type=(
            jax.ShapeDtypeStruct((NP, D), jnp.float32),
            jax.ShapeDtypeStruct((NP, D), jnp.float32),
        ),
        mesh=mesh,
        scratch_types=[
            pltpu.VMEM_SHARED((NP, D), jnp.float32),
            pltpu.VMEM((C,), jnp.int32),
            pltpu.VMEM((C,), jnp.int32),
            pltpu.VMEM((C,), jnp.int32),
            pltpu.VMEM((C,), jnp.int32),
            pltpu.VMEM((C, D), jnp.float32),
            pltpu.VMEM((C, D), jnp.float32),
            pltpu.SemaphoreType.DMA,
            pltpu.SemaphoreType.DMA,
        ],
    )
    def prop_kernel(sd_ex, sd_im, u_ex, u_im, out_ex, out_im,
                    acc_sh, sidx_a, didx_a, sidx_b, didx_b,
                    rows_a, rows_b, sem_a, sem_b):
        c = lax.axis_index("c")
        s = lax.axis_index("s")

        @pl.when(c == 0)
        def _():
            _prop_body(sd_ex, u_ex, out_ex, acc_sh, sidx_a, didx_a,
                       sidx_b, didx_b, rows_a, rows_b, sem_a, sem_b, s)

        @pl.when(c == 1)
        def _():
            _prop_body(sd_im, u_im, out_im, acc_sh, sidx_a, didx_a,
                       sidx_b, didx_b, rows_a, rows_b, sem_a, sem_b, s)

    return deg_kernel, prop_kernel


R = 1024


def _tc1_body(deg_e, deg_i, xe, xi, we, wi, dbe_o, dbi_o, ue_o, ui_o):
    dbe = jnp.broadcast_to(lax.rsqrt(deg_e[...]), (R, D))
    dbi = jnp.broadcast_to(lax.rsqrt(deg_i[...]), (R, D))
    dbe_o[...] = dbe
    dbi_o[...] = dbi
    ue_o[...] = dbe * jnp.dot(xe[...], we[...], preferred_element_type=jnp.float32)
    ui_o[...] = dbi * jnp.dot(xi[...], wi[...], preferred_element_type=jnp.float32)


def _tc1(deg_e, deg_i, emb_ex, emb_im, W_ex1, W_im1):
    nd = jax.ShapeDtypeStruct((NP, D), jnp.float32)
    col = pl.BlockSpec((R, 1), lambda i: (i, 0))
    row = pl.BlockSpec((R, D), lambda i: (i, 0))
    w = pl.BlockSpec((D, D), lambda i: (0, 0))
    return pl.pallas_call(
        _tc1_body,
        grid=(NP // R,),
        in_specs=[col, col, row, row, w, w],
        out_specs=[row, row, row, row],
        out_shape=[nd, nd, nd, nd],
    )(deg_e, deg_i, emb_ex, emb_im, W_ex1, W_im1)


def _sigmoid(z):
    return 1.0 / (1.0 + jnp.exp(-z))


def _tc2_body(spu_e, spu_i, dbe_r, dbi_r, be1, bi1,
              tm1w, tm1b, tm2w, tm2b, g1w, g1b, g2w, g2b, we2, wi2,
              u2e_o, u2i_o, acc1_o):
    f32 = jnp.float32
    dbe = dbe_r[...]
    dbi = dbi_r[...]
    x1e = dbe * spu_e[...] + be1[...]
    x1i = dbi * spu_i[...] + bi1[...]
    e2t = jnp.dot(x1i, tm1w[...], preferred_element_type=f32) + tm1b[...]
    e1t = jnp.dot(x1e, tm2w[...], preferred_element_type=f32) + tm2b[...]
    g1wv = g1w[...]
    g2wv = g2w[...]
    g1 = _sigmoid(jnp.dot(x1e, g1wv[:D, :], preferred_element_type=f32)
                  + jnp.dot(e2t, g1wv[D:, :], preferred_element_type=f32)
                  + g1b[...])
    g2 = _sigmoid(jnp.dot(x1i, g2wv[:D, :], preferred_element_type=f32)
                  + jnp.dot(e1t, g2wv[D:, :], preferred_element_type=f32)
                  + g2b[...])
    te = g1 * e2t + x1e
    ti = g2 * e1t + x1i
    u2e_o[...] = dbe * jnp.dot(te, we2[...], preferred_element_type=f32)
    u2i_o[...] = dbi * jnp.dot(ti, wi2[...], preferred_element_type=f32)
    acc1_o[...] = x1e + x1i


def _tc2(spu_e, spu_i, dbe, dbi, b_ex1, b_im1,
         tm1_W, tm1_b, tm2_W, tm2_b, g1_W, g1_b, g2_W, g2_b, W_ex2, W_im2):
    nd = jax.ShapeDtypeStruct((NP, D), jnp.float32)
    row = pl.BlockSpec((R, D), lambda i: (i, 0))
    w = pl.BlockSpec((D, D), lambda i: (0, 0))
    w2 = pl.BlockSpec((2 * D, D), lambda i: (0, 0))
    b = pl.BlockSpec((1, D), lambda i: (0, 0))
    return pl.pallas_call(
        _tc2_body,
        grid=(NP // R,),
        in_specs=[row, row, row, row, b, b, w, b, w, b, w2, b, w2, b, w, w],
        out_specs=[row, row, row],
        out_shape=[nd, nd, nd],
    )(spu_e, spu_i, dbe, dbi, b_ex1.reshape(1, D), b_im1.reshape(1, D),
      tm1_W, tm1_b.reshape(1, D), tm2_W, tm2_b.reshape(1, D),
      g1_W, g1_b.reshape(1, D), g2_W, g2_b.reshape(1, D), W_ex2, W_im2)


def _tc3_body(acc1, spu2_e, spu2_i, dbe, dbi, be2, bi2, out_o):
    out_o[...] = (acc1[...]
                  + dbe[...] * spu2_e[...] + be2[...]
                  + dbi[...] * spu2_i[...] + bi2[...])


def _tc3(acc1, spu2_e, spu2_i, dbe, dbi, b_ex2, b_im2):
    nd = jax.ShapeDtypeStruct((NP, D), jnp.float32)
    row = pl.BlockSpec((R, D), lambda i: (i, 0))
    b = pl.BlockSpec((1, D), lambda i: (0, 0))
    return pl.pallas_call(
        _tc3_body,
        grid=(NP // R,),
        in_specs=[row, row, row, row, row, b, b],
        out_specs=row,
        out_shape=nd,
    )(acc1, spu2_e, spu2_i, dbe, dbi, b_ex2.reshape(1, D), b_im2.reshape(1, D))


def kernel(edge_index_ex, edge_type_ex, edge_index_im, edge_type_im,
           emb_ex, emb_im,
           W_ex1, W_ex2, W_im1, W_im2,
           b_ex1, b_ex2, b_im1, b_im2,
           tm1_W, tm1_b, tm2_W, tm2_b,
           g1_W, g1_b, g2_W, g2_b):
    deg_kernel, prop_kernel = _sc_kernels()

    def prep(ei):
        src = jnp.pad(ei[0], (0, EP - E)).reshape(NS, NCH, C)
        dst = jnp.pad(ei[1], (0, EP - E), constant_values=N).reshape(NS, NCH, C)
        return jnp.stack([src, dst], axis=2)

    sd_ex = prep(edge_index_ex)
    sd_im = prep(edge_index_im)
    ones = jnp.ones((NP, 1), jnp.float32)
    pad = ((0, NP - N), (0, 0))
    emb_ex_p = jnp.pad(emb_ex, pad)
    emb_im_p = jnp.pad(emb_im, pad)
    deg_e, deg_i = deg_kernel(sd_ex, sd_im, ones)
    dbe, dbi, u1e, u1i = _tc1(deg_e, deg_i, emb_ex_p, emb_im_p, W_ex1, W_im1)
    spu1e, spu1i = prop_kernel(sd_ex, sd_im, u1e, u1i)
    u2e, u2i, acc1 = _tc2(spu1e, spu1i, dbe, dbi, b_ex1, b_im1,
                          tm1_W, tm1_b, tm2_W, tm2_b,
                          g1_W, g1_b, g2_W, g2_b, W_ex2, W_im2)
    spu2e, spu2i = prop_kernel(sd_ex, sd_im, u2e, u2i)
    return _tc3(acc1, spu2e, spu2i, dbe, dbi, b_ex2, b_im2)[:N]

# --- scband reference (transcript-rebuilt; emitter-appended) ---
"""Pipeline reference for scband-gnn-passing-48266842472727 (READ-ONLY COPY).

The authoritative reference and input builder live on the scoring server;
editing this copy changes nothing except your own understanding.
"""

import jax, jax.numpy as jnp
import numpy as np

N = 10000
E = 320000
D = 128


def setup_inputs(seed: int = 0) -> dict:
    key = jax.random.key(seed)
    ks = jax.random.split(key, 24)

    def nrm(k, shape, scale=0.05):
        return jax.random.normal(k, shape, dtype=jnp.float32) * scale

    inp = {}
    inp["edge_index_ex"] = jax.random.randint(ks[0], (2, E), 0, N, dtype=jnp.int32)
    inp["edge_type_ex"] = jax.random.randint(ks[1], (E,), 0, 4, dtype=jnp.int32)
    inp["edge_index_im"] = jax.random.randint(ks[2], (2, E), 0, N, dtype=jnp.int32)
    inp["edge_type_im"] = jax.random.randint(ks[3], (E,), 0, 4, dtype=jnp.int32)
    inp["emb_ex"] = nrm(ks[4], (N, D))
    inp["emb_im"] = nrm(ks[5], (N, D))
    inp["W_ex1"] = nrm(ks[6], (D, D))
    inp["W_ex2"] = nrm(ks[7], (D, D))
    inp["W_im1"] = nrm(ks[8], (D, D))
    inp["W_im2"] = nrm(ks[9], (D, D))
    inp["b_ex1"] = jnp.zeros((D,), dtype=jnp.float32)
    inp["b_ex2"] = jnp.zeros((D,), dtype=jnp.float32)
    inp["b_im1"] = jnp.zeros((D,), dtype=jnp.float32)
    inp["b_im2"] = jnp.zeros((D,), dtype=jnp.float32)
    inp["tm1_W"] = nrm(ks[10], (D, D))
    inp["tm1_b"] = jnp.zeros((D,), dtype=jnp.float32)
    inp["tm2_W"] = nrm(ks[11], (D, D))
    inp["tm2_b"] = jnp.zeros((D,), dtype=jnp.float32)
    inp["g1_W"] = nrm(ks[12], (2 * D, D))
    inp["g1_b"] = jnp.zeros((D,), dtype=jnp.float32)
    inp["g2_W"] = nrm(ks[13], (2 * D, D))
    inp["g2_b"] = jnp.zeros((D,), dtype=jnp.float32)
    return inp


def gcn_conv(x, edge_index, W, b):
    # PyG GCNConv: add self-loops, symmetric normalization, x @ W, scatter-add at dst, + bias
    src = edge_index[0]
    dst = edge_index[1]
    loop = jnp.arange(N, dtype=edge_index.dtype)
    src = jnp.concatenate([src, loop])
    dst = jnp.concatenate([dst, loop])
    xw = x @ W
    deg = jnp.zeros((N,), dtype=x.dtype).at[dst].add(1.0)
    dinv = jnp.where(deg > 0, 1.0 / jnp.sqrt(deg), 0.0)
    norm = dinv[src] * dinv[dst]
    msgs = xw[src] * norm[:, None]
    out = jnp.zeros((N, xw.shape[1]), dtype=x.dtype).at[dst].add(msgs)
    return out + b


def gateitu(emb1, emb2, tm1_W, tm1_b, tm2_W, tm2_b, g1_W, g1_b, g2_W, g2_b):
    emb2_t = emb2 @ tm1_W + tm1_b
    emb1_t = emb1 @ tm2_W + tm2_b
    cat1 = jnp.concatenate([emb1, emb2_t], axis=1)
    cat2 = jnp.concatenate([emb2, emb1_t], axis=1)
    gate1 = jax.nn.sigmoid(cat1 @ g1_W + g1_b)
    gate2 = jax.nn.sigmoid(cat2 @ g2_W + g2_b)
    final1 = gate1 * emb2_t + emb1
    final2 = gate2 * emb1_t + emb2
    return final1, final2


def reference(edge_index_ex, edge_type_ex, edge_index_im, edge_type_im,
              emb_ex, emb_im,
              W_ex1, W_ex2, W_im1, W_im2,
              b_ex1, b_ex2, b_im1, b_im2,
              tm1_W, tm1_b, tm2_W, tm2_b,
              g1_W, g1_b, g2_W, g2_b):
    # GNN_type == 'GCN'; edge_type_* unused by GCNConv (kept for signature fidelity)
    ex_x1 = gcn_conv(emb_ex, edge_index_ex, W_ex1, b_ex1)
    im_x1 = gcn_conv(emb_im, edge_index_im, W_im1, b_im1)
    t_ex_x1, t_im_x1 = gateitu(ex_x1, im_x1, tm1_W, tm1_b, tm2_W, tm2_b, g1_W, g1_b, g2_W, g2_b)
    ex_x2 = gcn_conv(t_ex_x1, edge_index_ex, W_ex2, b_ex2)
    im_x2 = gcn_conv(t_im_x1, edge_index_im, W_im2, b_im2)
    # agg_layer_type == 'sum'
    x = ex_x1 + ex_x2 + im_x1 + im_x2
    return x

if __name__ == "__main__":
    import jax
    _d = setup_inputs()
    print(jax.jit(kernel)(*tuple(_d.values())))

</pallas_src>

<mosaic_0001>
#map = affine_map<(d0, d1) -> (0, 0, 0, 0)>
#map1 = affine_map<(d0, d1) -> (0, 0)>
module attributes {stable_mosaic.version = 14 : i64} {
  func.func @deg_kernel(%arg0: i32, %arg1: i32, %arg2: memref<16x158x2x128xi32, #tpu.memory_space<hbm>>, %arg3: memref<16x158x2x128xi32, #tpu.memory_space<hbm>>, %arg4: memref<10240x1xf32, #tpu.memory_space<hbm>>, %arg5: memref<10240x1xf32, #tpu.memory_space<hbm>>, %arg6: memref<10240x1xf32, #tpu.memory_space<hbm>>, %arg7: memref<10240x1xf32, #tpu.memory_space<vmem_shared>>, %arg8: memref<128xi32, #tpu.memory_space<vmem>>, %arg9: memref<128x1xf32, #tpu.memory_space<vmem>>) attributes {dimension_semantics = [#tpu.dimension_semantics<core_parallel>, #tpu.dimension_semantics<subcore_parallel>], iteration_bounds = array<i64: 2, 16>, scalar_prefetch = 0 : i64, scratch_operands = 3 : i64, tpu.core_type = #tpu.core_type<sc_vector_subcore>, window_params = [{transform_indices = #map}, {transform_indices = #map}, {transform_indices = #map1}, {transform_indices = #map1}, {transform_indices = #map1}]} {
    %eq3A = arith.constant 0 : i32
    %eq3A_0 = arith.cmpi eq, %arg0, %eq3A : i32
    %convert_element_type3A = arith.extui %eq3A_0 : i1 to i32
    %cond3A = arith.constant 0 : i32
    %cond3A_1 = arith.cmpi ne, %convert_element_type3A, %cond3A : i32
    scf.if %cond3A_1 {
      %mul3A = arith.constant 640 : i32
      %mul3A_7 = arith.muli %arg1, %mul3A : i32
      "tpu.region"() ({
        %run_scoped3A = tpu.sem_alloc : memref<!tpu.dma_semaphore, #tpu.memory_space<semaphore_mem>>
        %dma_start3A = arith.constant 0 : i32
        %dma_start3A_14 = tpu.memref_slice %arg7[%mul3A_7, %dma_start3A] : memref<10240x1xf32, #tpu.memory_space<vmem_shared>> -> memref<640x1xf32, #tpu.memory_space<vmem_shared>>
        %dma_start3A_15 = arith.constant 0 : i32
        %dma_start3A_16 = tpu.memref_slice %arg4[%mul3A_7, %dma_start3A_15] : memref<10240x1xf32, #tpu.memory_space<hbm>> -> memref<640x1xf32, #tpu.memory_space<hbm>>
        tpu.enqueue_dma source(%dma_start3A_16 : memref<640x1xf32, #tpu.memory_space<hbm>>) target(%dma_start3A_14 : memref<640x1xf32, #tpu.memory_space<vmem_shared>>) target_semaphore(%run_scoped3A : memref<!tpu.dma_semaphore, #tpu.memory_space<semaphore_mem>>)
        %dma_wait3A = arith.constant 0 : i32
        %dma_wait3A_17 = tpu.memref_slice %arg7[%mul3A_7, %dma_wait3A] : memref<10240x1xf32, #tpu.memory_space<vmem_shared>> -> memref<640x1xf32, #tpu.memory_space<vmem_shared>>
        %dma_wait3A_18 = arith.constant 0 : i32
        %dma_wait3A_19 = tpu.memref_slice %arg4[%mul3A_7, %dma_wait3A_18] : memref<10240x1xf32, #tpu.memory_space<hbm>> -> memref<640x1xf32, #tpu.memory_space<hbm>>
        tpu.wait_dma2 semaphore(%run_scoped3A : memref<!tpu.dma_semaphore, #tpu.memory_space<semaphore_mem>>) src(%dma_wait3A_19 : memref<640x1xf32, #tpu.memory_space<hbm>>) dst(%dma_wait3A_17 : memref<640x1xf32, #tpu.memory_space<vmem_shared>>)
        tpu.yield
      }) : () -> ()
      "tpu.region"() ({
        %run_scoped3A = tpu.sem_alloc : memref<!tpu.dma_semaphore, #tpu.memory_space<semaphore_mem>>
        %dma_start3A = arith.constant 0 : i32
        %dma_start3A_14 = arith.constant 0 : i32
        %dma_start3A_15 = tpu.memref_slice %arg4[%dma_start3A, %dma_start3A_14] : memref<10240x1xf32, #tpu.memory_space<hbm>> -> memref<128x1xf32, #tpu.memory_space<hbm>>
        %dma_start3A_16 = arith.constant 0 : i32
        %dma_start3A_17 = arith.constant 0 : i32
        %dma_start3A_18 = tpu.memref_slice %arg4[%dma_start3A_16, %dma_start3A_17] : memref<10240x1xf32, #tpu.memory_space<hbm>> -> memref<128x1xf32, #tpu.memory_space<hbm>>
        tpu.enqueue_dma source(%dma_start3A_18 : memref<128x1xf32, #tpu.memory_space<hbm>>) target(%arg9 : memref<128x1xf32, #tpu.memory_space<vmem>>) target_semaphore(%run_scoped3A : memref<!tpu.dma_semaphore, #tpu.memory_space<semaphore_mem>>)
        %dma_wait3A = arith.constant 0 : i32
        %dma_wait3A_19 = arith.constant 0 : i32
        %dma_wait3A_20 = tpu.memref_slice %arg4[%dma_wait3A, %dma_wait3A_19] : memref<10240x1xf32, #tpu.memory_space<hbm>> -> memref<128x1xf32, #tpu.memory_space<hbm>>
        %dma_wait3A_21 = arith.constant 0 : i32
        %dma_wait3A_22 = arith.constant 0 : i32
        %dma_wait3A_23 = tpu.memref_slice %arg4[%dma_wait3A_21, %dma_wait3A_22] : memref<10240x1xf32, #tpu.memory_space<hbm>> -> memref<128x1xf32, #tpu.memory_space<hbm>>
        tpu.wait_dma2 semaphore(%run_scoped3A : memref<!tpu.dma_semaphore, #tpu.memory_space<semaphore_mem>>) src(%dma_wait3A_23 : memref<128x1xf32, #tpu.memory_space<hbm>>) dst(%arg9 : memref<128x1xf32, #tpu.memory_space<vmem>>)
        tpu.yield
      }) : () -> ()
      %barrier3A = arith.constant 0 : index
      tpu.barrier barrier_id(%barrier3A)
      %scan3A = arith.constant 0 : i32
      %scan3A_8 = arith.constant 0 : i32
      %scan3A_9 = arith.constant 158 : i32
      %scan3A_10 = arith.addi %scan3A_8, %scan3A_9 : i32
      %scan3A_11 = arith.constant 1 : i32
      scf.for %scan3A_14 = %scan3A_8 to %scan3A_10 step %scan3A_11  : i32 {
        %run_scoped3A = arith.constant 1 : i32
        "tpu.region"() ({
          %run_scoped3A_15 = tpu.sem_alloc : memref<!tpu.dma_semaphore, #tpu.memory_space<semaphore_mem>>
          %dma_start3A = arith.constant 0 : i32
          %dma_start3A_16 = tpu.memref_slice %arg2[%arg1, %scan3A_14, %run_scoped3A, %dma_start3A] : memref<16x158x2x128xi32, #tpu.memory_space<hbm>> -> memref<1x1x1x128xi32, #tpu.memory_space<hbm>>
          %dma_start3A_17 = tpu.memref_squeeze %dma_start3A_16 : memref<1x1x1x128xi32, #tpu.memory_space<hbm>> -> memref<128xi32, #tpu.memory_space<hbm>>
          %dma_start3A_18 = arith.constant 0 : i32
          %dma_start3A_19 = tpu.memref_slice %arg2[%arg1, %scan3A_14, %run_scoped3A, %dma_start3A_18] : memref<16x158x2x128xi32, #tpu.memory_space<hbm>> -> memref<1x1x1x128xi32, #tpu.memory_space<hbm>>
          %dma_start3A_20 = tpu.memref_squeeze %dma_start3A_19 : memref<1x1x1x128xi32, #tpu.memory_space<hbm>> -> memref<128xi32, #tpu.memory_space<hbm>>
          tpu.enqueue_dma source(%dma_start3A_20 : memref<128xi32, #tpu.memory_space<hbm>>) target(%arg8 : memref<128xi32, #tpu.memory_space<vmem>>) target_semaphore(%run_scoped3A_15 : memref<!tpu.dma_semaphore, #tpu.memory_space<semaphore_mem>>)
          %dma_wait3A = arith.constant 0 : i32
          %dma_wait3A_21 = tpu.memref_slice %arg2[%arg1, %scan3A_14, %run_scoped3A, %dma_wait3A] : memref<16x158x2x128xi32, #tpu.memory_space<hbm>> -> memref<1x1x1x128xi32, #tpu.memory_space<hbm>>
          %dma_wait3A_22 = tpu.memref_squeeze %dma_wait3A_21 : memref<1x1x1x128xi32, #tpu.memory_space<hbm>> -> memref<128xi32, #tpu.memory_space<hbm>>
          %dma_wait3A_23 = arith.constant 0 : i32
          %dma_wait3A_24 = tpu.memref_slice %arg2[%arg1, %scan3A_14, %run_scoped3A, %dma_wait3A_23] : memref<16x158x2x128xi32, #tpu.memory_space<hbm>> -> memref<1x1x1x128xi32, #tpu.memory_space<hbm>>
          %dma_wait3A_25 = tpu.memref_squeeze %dma_wait3A_24 : memref<1x1x1x128xi32, #tpu.memory_space<hbm>> -> memref<128xi32, #tpu.memory_space<hbm>>
          tpu.wait_dma2 semaphore(%run_scoped3A_15 : memref<!tpu.dma_semaphore, #tpu.memory_space<semaphore_mem>>) src(%dma_wait3A_25 : memref<128xi32, #tpu.memory_space<hbm>>) dst(%arg8 : memref<128xi32, #tpu.memory_space<vmem>>)
          tpu.yield
        }) : () -> ()
        "tpu.region"() ({
          %run_scoped3A_15 = tpu.sem_alloc : memref<!tpu.dma_semaphore, #tpu.memory_space<semaphore_mem>>
          %dma_start3A = arith.constant 0 : i32
          %dma_start3A_16 = arith.constant 0 : i32
          %dma_start3A_17 = tpu.memref_slice %arg7[%dma_start3A, %dma_start3A_16] : memref<10240x1xf32, #tpu.memory_space<vmem_shared>> -> memref<10240x1xf32, #tpu.memory_space<vmem_shared>>
          tpu.enqueue_indirect_dma source(%arg9 : memref<128x1xf32, #tpu.memory_space<vmem>>) target(%dma_start3A_17 : memref<10240x1xf32, #tpu.memory_space<vmem_shared>>) offsets(%arg8 : memref<128xi32, #tpu.memory_space<vmem>>) semaphore(%run_scoped3A_15 : memref<!tpu.dma_semaphore, #tpu.memory_space<semaphore_mem>>) {add = true}
          %dma_wait3A = arith.constant 0 : i32
          %dma_wait3A_18 = arith.constant 0 : i32
          %dma_wait3A_19 = tpu.memref_slice %arg7[%dma_wait3A, %dma_wait3A_18] : memref<10240x1xf32, #tpu.memory_space<vmem_shared>> -> memref<10240x1xf32, #tpu.memory_space<vmem_shared>>
          tpu.wait_indirect_dma semaphore(%run_scoped3A_15 : memref<!tpu.dma_semaphore, #tpu.memory_space<semaphore_mem>>) src(%arg9 : memref<128x1xf32, #tpu.memory_space<vmem>>) dst(%dma_wait3A_19 : memref<10240x1xf32, #tpu.memory_space<vmem_shared>>)
          tpu.yield
        }) : () -> ()
      }
      %scan3A_12 = arith.constant 158 : i32
      %barrier3A_13 = arith.constant 0 : index
      tpu.barrier barrier_id(%barrier3A_13)
      "tpu.region"() ({
        %run_scoped3A = tpu.sem_alloc : memref<!tpu.dma_semaphore, #tpu.memory_space<semaphore_mem>>
        %dma_start3A = arith.constant 0 : i32
        %dma_start3A_14 = tpu.memref_slice %arg5[%mul3A_7, %dma_start3A] : memref<10240x1xf32, #tpu.memory_space<hbm>> -> memref<640x1xf32, #tpu.memory_space<hbm>>
        %dma_start3A_15 = arith.constant 0 : i32
        %dma_start3A_16 = tpu.memref_slice %arg7[%mul3A_7, %dma_start3A_15] : memref<10240x1xf32, #tpu.memory_space<vmem_shared>> -> memref<640x1xf32, #tpu.memory_space<vmem_shared>>
        tpu.enqueue_dma source(%dma_start3A_16 : memref<640x1xf32, #tpu.memory_space<vmem_shared>>) target(%dma_start3A_14 : memref<640x1xf32, #tpu.memory_space<hbm>>) target_semaphore(%run_scoped3A : memref<!tpu.dma_semaphore, #tpu.memory_space<semaphore_mem>>)
        %dma_wait3A = arith.constant 0 : i32
        %dma_wait3A_17 = tpu.memref_slice %arg5[%mul3A_7, %dma_wait3A] : memref<10240x1xf32, #tpu.memory_space<hbm>> -> memref<640x1xf32, #tpu.memory_space<hbm>>
        %dma_wait3A_18 = arith.constant 0 : i32
        %dma_wait3A_19 = tpu.memref_slice %arg7[%mul3A_7, %dma_wait3A_18] : memref<10240x1xf32, #tpu.memory_space<vmem_shared>> -> memref<640x1xf32, #tpu.memory_space<vmem_shared>>
        tpu.wait_dma2 semaphore(%run_scoped3A : memref<!tpu.dma_semaphore, #tpu.memory_space<semaphore_mem>>) src(%dma_wait3A_19 : memref<640x1xf32, #tpu.memory_space<vmem_shared>>) dst(%dma_wait3A_17 : memref<640x1xf32, #tpu.memory_space<hbm>>)
        tpu.yield
      }) : () -> ()
    } else {
    }
    %eq3A_2 = arith.constant 1 : i32
    %eq3A_3 = arith.cmpi eq, %arg0, %eq3A_2 : i32
    %convert_element_type3A_4 = arith.extui %eq3A_3 : i1 to i32
    %cond3A_5 = arith.constant 0 : i32
    %cond3A_6 = arith.cmpi ne, %convert_element_type3A_4, %cond3A_5 : i32
    scf.if %cond3A_6 {
      %mul3A = arith.constant 640 : i32
      %mul3A_7 = arith.muli %arg1, %mul3A : i32
      "tpu.region"() ({
        %run_scoped3A = tpu.sem_alloc : memref<!tpu.dma_semaphore, #tpu.memory_space<semaphore_mem>>
        %dma_start3A = arith.constant 0 : i32
        %dma_start3A_14 = tpu.memref_slice %arg7[%mul3A_7, %dma_start3A] : memref<10240x1xf32, #tpu.memory_space<vmem_shared>> -> memref<640x1xf32, #tpu.memory_space<vmem_shared>>
        %dma_start3A_15 = arith.constant 0 : i32
        %dma_start3A_16 = tpu.memref_slice %arg4[%mul3A_7, %dma_start3A_15] : memref<10240x1xf32, #tpu.memory_space<hbm>> -> memref<640x1xf32, #tpu.memory_space<hbm>>
        tpu.enqueue_dma source(%dma_start3A_16 : memref<640x1xf32, #tpu.memory_space<hbm>>) target(%dma_start3A_14 : memref<640x1xf32, #tpu.memory_space<vmem_shared>>) target_semaphore(%run_scoped3A : memref<!tpu.dma_semaphore, #tpu.memory_space<semaphore_mem>>)
        %dma_wait3A = arith.constant 0 : i32
        %dma_wait3A_17 = tpu.memref_slice %arg7[%mul3A_7, %dma_wait3A] : memref<10240x1xf32, #tpu.memory_space<vmem_shared>> -> memref<640x1xf32, #tpu.memory_space<vmem_shared>>
        %dma_wait3A_18 = arith.constant 0 : i32
        %dma_wait3A_19 = tpu.memref_slice %arg4[%mul3A_7, %dma_wait3A_18] : memref<10240x1xf32, #tpu.memory_space<hbm>> -> memref<640x1xf32, #tpu.memory_space<hbm>>
        tpu.wait_dma2 semaphore(%run_scoped3A : memref<!tpu.dma_semaphore, #tpu.memory_space<semaphore_mem>>) src(%dma_wait3A_19 : memref<640x1xf32, #tpu.memory_space<hbm>>) dst(%dma_wait3A_17 : memref<640x1xf32, #tpu.memory_space<vmem_shared>>)
        tpu.yield
      }) : () -> ()
      "tpu.region"() ({
        %run_scoped3A = tpu.sem_alloc : memref<!tpu.dma_semaphore, #tpu.memory_space<semaphore_mem>>
        %dma_start3A = arith.constant 0 : i32
        %dma_start3A_14 = arith.constant 0 : i32
        %dma_start3A_15 = tpu.memref_slice %arg4[%dma_start3A, %dma_start3A_14] : memref<10240x1xf32, #tpu.memory_space<hbm>> -> memref<128x1xf32, #tpu.memory_space<hbm>>
        %dma_start3A_16 = arith.constant 0 : i32
        %dma_start3A_17 = arith.constant 0 : i32
        %dma_start3A_18 = tpu.memref_slice %arg4[%dma_start3A_16, %dma_start3A_17] : memref<10240x1xf32, #tpu.memory_space<hbm>> -> memref<128x1xf32, #tpu.memory_space<hbm>>
        tpu.enqueue_dma source(%dma_start3A_18 : memref<128x1xf32, #tpu.memory_space<hbm>>) target(%arg9 : memref<128x1xf32, #tpu.memory_space<vmem>>) target_semaphore(%run_scoped3A : memref<!tpu.dma_semaphore, #tpu.memory_space<semaphore_mem>>)
        %dma_wait3A = arith.constant 0 : i32
        %dma_wait3A_19 = arith.constant 0 : i32
        %dma_wait3A_20 = tpu.memref_slice %arg4[%dma_wait3A, %dma_wait3A_19] : memref<10240x1xf32, #tpu.memory_space<hbm>> -> memref<128x1xf32, #tpu.memory_space<hbm>>
        %dma_wait3A_21 = arith.constant 0 : i32
        %dma_wait3A_22 = arith.constant 0 : i32
        %dma_wait3A_23 = tpu.memref_slice %arg4[%dma_wait3A_21, %dma_wait3A_22] : memref<10240x1xf32, #tpu.memory_space<hbm>> -> memref<128x1xf32, #tpu.memory_space<hbm>>
        tpu.wait_dma2 semaphore(%run_scoped3A : memref<!tpu.dma_semaphore, #tpu.memory_space<semaphore_mem>>) src(%dma_wait3A_23 : memref<128x1xf32, #tpu.memory_space<hbm>>) dst(%arg9 : memref<128x1xf32, #tpu.memory_space<vmem>>)
        tpu.yield
      }) : () -> ()
      %barrier3A = arith.constant 0 : index
      tpu.barrier barrier_id(%barrier3A)
      %scan3A = arith.constant 0 : i32
      %scan3A_8 = arith.constant 0 : i32
      %scan3A_9 = arith.constant 158 : i32
      %scan3A_10 = arith.addi %scan3A_8, %scan3A_9 : i32
      %scan3A_11 = arith.constant 1 : i32
      scf.for %scan3A_14 = %scan3A_8 to %scan3A_10 step %scan3A_11  : i32 {
        %run_scoped3A = arith.constant 1 : i32
        "tpu.region"() ({
          %run_scoped3A_15 = tpu.sem_alloc : memref<!tpu.dma_semaphore, #tpu.memory_space<semaphore_mem>>
          %dma_start3A = arith.constant 0 : i32
          %dma_start3A_16 = tpu.memref_slice %arg3[%arg1, %scan3A_14, %run_scoped3A, %dma_start3A] : memref<16x158x2x128xi32, #tpu.memory_space<hbm>> -> memref<1x1x1x128xi32, #tpu.memory_space<hbm>>
          %dma_start3A_17 = tpu.memref_squeeze %dma_start3A_16 : memref<1x1x1x128xi32, #tpu.memory_space<hbm>> -> memref<128xi32, #tpu.memory_space<hbm>>
          %dma_start3A_18 = arith.constant 0 : i32
          %dma_start3A_19 = tpu.memref_slice %arg3[%arg1, %scan3A_14, %run_scoped3A, %dma_start3A_18] : memref<16x158x2x128xi32, #tpu.memory_space<hbm>> -> memref<1x1x1x128xi32, #tpu.memory_space<hbm>>
          %dma_start3A_20 = tpu.memref_squeeze %dma_start3A_19 : memref<1x1x1x128xi32, #tpu.memory_space<hbm>> -> memref<128xi32, #tpu.memory_space<hbm>>
          tpu.enqueue_dma source(%dma_start3A_20 : memref<128xi32, #tpu.memory_space<hbm>>) target(%arg8 : memref<128xi32, #tpu.memory_space<vmem>>) target_semaphore(%run_scoped3A_15 : memref<!tpu.dma_semaphore, #tpu.memory_space<semaphore_mem>>)
          %dma_wait3A = arith.constant 0 : i32
          %dma_wait3A_21 = tpu.memref_slice %arg3[%arg1, %scan3A_14, %run_scoped3A, %dma_wait3A] : memref<16x158x2x128xi32, #tpu.memory_space<hbm>> -> memref<1x1x1x128xi32, #tpu.memory_space<hbm>>
          %dma_wait3A_22 = tpu.memref_squeeze %dma_wait3A_21 : memref<1x1x1x128xi32, #tpu.memory_space<hbm>> -> memref<128xi32, #tpu.memory_space<hbm>>
          %dma_wait3A_23 = arith.constant 0 : i32
          %dma_wait3A_24 = tpu.memref_slice %arg3[%arg1, %scan3A_14, %run_scoped3A, %dma_wait3A_23] : memref<16x158x2x128xi32, #tpu.memory_space<hbm>> -> memref<1x1x1x128xi32, #tpu.memory_space<hbm>>
          %dma_wait3A_25 = tpu.memref_squeeze %dma_wait3A_24 : memref<1x1x1x128xi32, #tpu.memory_space<hbm>> -> memref<128xi32, #tpu.memory_space<hbm>>
          tpu.wait_dma2 semaphore(%run_scoped3A_15 : memref<!tpu.dma_semaphore, #tpu.memory_space<semaphore_mem>>) src(%dma_wait3A_25 : memref<128xi32, #tpu.memory_space<hbm>>) dst(%arg8 : memref<128xi32, #tpu.memory_space<vmem>>)
          tpu.yield
        }) : () -> ()
        "tpu.region"() ({
          %run_scoped3A_15 = tpu.sem_alloc : memref<!tpu.dma_semaphore, #tpu.memory_space<semaphore_mem>>
          %dma_start3A = arith.constant 0 : i32
          %dma_start3A_16 = arith.constant 0 : i32
          %dma_start3A_17 = tpu.memref_slice %arg7[%dma_start3A, %dma_start3A_16] : memref<10240x1xf32, #tpu.memory_space<vmem_shared>> -> memref<10240x1xf32, #tpu.memory_space<vmem_shared>>
          tpu.enqueue_indirect_dma source(%arg9 : memref<128x1xf32, #tpu.memory_space<vmem>>) target(%dma_start3A_17 : memref<10240x1xf32, #tpu.memory_space<vmem_shared>>) offsets(%arg8 : memref<128xi32, #tpu.memory_space<vmem>>) semaphore(%run_scoped3A_15 : memref<!tpu.dma_semaphore, #tpu.memory_space<semaphore_mem>>) {add = true}
          %dma_wait3A = arith.constant 0 : i32
          %dma_wait3A_18 = arith.constant 0 : i32
          %dma_wait3A_19 = tpu.memref_slice %arg7[%dma_wait3A, %dma_wait3A_18] : memref<10240x1xf32, #tpu.memory_space<vmem_shared>> -> memref<10240x1xf32, #tpu.memory_space<vmem_shared>>
          tpu.wait_indirect_dma semaphore(%run_scoped3A_15 : memref<!tpu.dma_semaphore, #tpu.memory_space<semaphore_mem>>) src(%arg9 : memref<128x1xf32, #tpu.memory_space<vmem>>) dst(%dma_wait3A_19 : memref<10240x1xf32, #tpu.memory_space<vmem_shared>>)
          tpu.yield
        }) : () -> ()
      }
      %scan3A_12 = arith.constant 158 : i32
      %barrier3A_13 = arith.constant 0 : index
      tpu.barrier barrier_id(%barrier3A_13)
      "tpu.region"() ({
        %run_scoped3A = tpu.sem_alloc : memref<!tpu.dma_semaphore, #tpu.memory_space<semaphore_mem>>
        %dma_start3A = arith.constant 0 : i32
        %dma_start3A_14 = tpu.memref_slice %arg6[%mul3A_7, %dma_start3A] : memref<10240x1xf32, #tpu.memory_space<hbm>> -> memref<640x1xf32, #tpu.memory_space<hbm>>
        %dma_start3A_15 = arith.constant 0 : i32
        %dma_start3A_16 = tpu.memref_slice %arg7[%mul3A_7, %dma_start3A_15] : memref<10240x1xf32, #tpu.memory_space<vmem_shared>> -> memref<640x1xf32, #tpu.memory_space<vmem_shared>>
        tpu.enqueue_dma source(%dma_start3A_16 : memref<640x1xf32, #tpu.memory_space<vmem_shared>>) target(%dma_start3A_14 : memref<640x1xf32, #tpu.memory_space<hbm>>) target_semaphore(%run_scoped3A : memref<!tpu.dma_semaphore, #tpu.memory_space<semaphore_mem>>)
        %dma_wait3A = arith.constant 0 : i32
        %dma_wait3A_17 = tpu.memref_slice %arg6[%mul3A_7, %dma_wait3A] : memref<10240x1xf32, #tpu.memory_space<hbm>> -> memref<640x1xf32, #tpu.memory_space<hbm>>
        %dma_wait3A_18 = arith.constant 0 : i32
        %dma_wait3A_19 = tpu.memref_slice %arg7[%mul3A_7, %dma_wait3A_18] : memref<10240x1xf32, #tpu.memory_space<vmem_shared>> -> memref<640x1xf32, #tpu.memory_space<vmem_shared>>
        tpu.wait_dma2 semaphore(%run_scoped3A : memref<!tpu.dma_semaphore, #tpu.memory_space<semaphore_mem>>) src(%dma_wait3A_19 : memref<640x1xf32, #tpu.memory_space<vmem_shared>>) dst(%dma_wait3A_17 : memref<640x1xf32, #tpu.memory_space<hbm>>)
        tpu.yield
      }) : () -> ()
    } else {
    }
    return
  }
}

#map = affine_map<(d0, d1) -> (0, 0, 0, 0)>
#map1 = affine_map<(d0, d1) -> (0, 0)>
module attributes {stable_mosaic.version = 14 : i64} {
  func.func @prop_kernel(%arg0: i32, %arg1: i32, %arg2: memref<16x158x2x128xi32, #tpu.memory_space<hbm>>, %arg3: memref<16x158x2x128xi32, #tpu.memory_space<hbm>>, %arg4: memref<10240x128xf32, #tpu.memory_space<hbm>>, %arg5: memref<10240x128xf32, #tpu.memory_space<hbm>>, %arg6: memref<10240x128xf32, #tpu.memory_space<hbm>>, %arg7: memref<10240x128xf32, #tpu.memory_space<hbm>>, %arg8: memref<10240x128xf32, #tpu.memory_space<vmem_shared>>, %arg9: memref<128xi32, #tpu.memory_space<vmem>>, %arg10: memref<128xi32, #tpu.memory_space<vmem>>, %arg11: memref<128xi32, #tpu.memory_space<vmem>>, %arg12: memref<128xi32, #tpu.memory_space<vmem>>, %arg13: memref<128x128xf32, #tpu.memory_space<vmem>>, %arg14: memref<128x128xf32, #tpu.memory_space<vmem>>, %arg15: memref<!tpu.dma_semaphore, #tpu.memory_space<semaphore_mem>>, %arg16: memref<!tpu.dma_semaphore, #tpu.memory_space<semaphore_mem>>) attributes {dimension_semantics = [#tpu.dimension_semantics<core_parallel>, #tpu.dimension_semantics<subcore_parallel>], iteration_bounds = array<i64: 2, 16>, scalar_prefetch = 0 : i64, scratch_operands = 9 : i64, tpu.core_type = #tpu.core_type<sc_vector_subcore>, window_params = [{transform_indices = #map}, {transform_indices = #map}, {transform_indices = #map1}, {transform_indices = #map1}, {transform_indices = #map1}, {transform_indices = #map1}]} {
    %eq3A = arith.constant 0 : i32
    %eq3A_0 = arith.cmpi eq, %arg0, %eq3A : i32
    %convert_element_type3A = arith.extui %eq3A_0 : i1 to i32
    %cond3A = arith.constant 0 : i32
    %cond3A_1 = arith.cmpi ne, %convert_element_type3A, %cond3A : i32
    scf.if %cond3A_1 {
      %mul3A = arith.constant 640 : i32
      %mul3A_7 = arith.muli %arg1, %mul3A : i32
      "tpu.region"() ({
        %run_scoped3A = tpu.sem_alloc : memref<!tpu.dma_semaphore, #tpu.memory_space<semaphore_mem>>
        %dma_start3A = arith.constant 0 : i32
        %dma_start3A_14 = tpu.memref_slice %arg8[%mul3A_7, %dma_start3A] : memref<10240x128xf32, #tpu.memory_space<vmem_shared>> -> memref<640x128xf32, #tpu.memory_space<vmem_shared>>
        %dma_start3A_15 = arith.constant 0 : i32
        %dma_start3A_16 = tpu.memref_slice %arg4[%mul3A_7, %dma_start3A_15] : memref<10240x128xf32, #tpu.memory_space<hbm>> -> memref<640x128xf32, #tpu.memory_space<hbm>>
        tpu.enqueue_dma source(%dma_start3A_16 : memref<640x128xf32, #tpu.memory_space<hbm>>) target(%dma_start3A_14 : memref<640x128xf32, #tpu.memory_space<vmem_shared>>) target_semaphore(%run_scoped3A : memref<!tpu.dma_semaphore, #tpu.memory_space<semaphore_mem>>)
        %dma_wait3A = arith.constant 0 : i32
        %dma_wait3A_17 = tpu.memref_slice %arg8[%mul3A_7, %dma_wait3A] : memref<10240x128xf32, #tpu.memory_space<vmem_shared>> -> memref<640x128xf32, #tpu.memory_space<vmem_shared>>
        %dma_wait3A_18 = arith.constant 0 : i32
        %dma_wait3A_19 = tpu.memref_slice %arg4[%mul3A_7, %dma_wait3A_18] : memref<10240x128xf32, #tpu.memory_space<hbm>> -> memref<640x128xf32, #tpu.memory_space<hbm>>
        tpu.wait_dma2 semaphore(%run_scoped3A : memref<!tpu.dma_semaphore, #tpu.memory_space<semaphore_mem>>) src(%dma_wait3A_19 : memref<640x128xf32, #tpu.memory_space<hbm>>) dst(%dma_wait3A_17 : memref<640x128xf32, #tpu.memory_space<vmem_shared>>)
        tpu.yield
      }) : () -> ()
      %barrier3A = arith.constant 0 : index
      tpu.barrier barrier_id(%barrier3A)
      %scan3A = arith.constant 0 : i32
      %scan3A_8 = arith.constant 0 : i32
      %scan3A_9 = arith.constant 79 : i32
      %scan3A_10 = arith.addi %scan3A_8, %scan3A_9 : i32
      %scan3A_11 = arith.constant 1 : i32
      scf.for %scan3A_14 = %scan3A_8 to %scan3A_10 step %scan3A_11  : i32 {
        %mul3A_15 = arith.constant 2 : i32
        %mul3A_16 = arith.muli %mul3A_15, %scan3A_14 : i32
        %run_scoped3A = arith.constant 0 : i32
        "tpu.region"() ({
          %run_scoped3A_33 = tpu.sem_alloc : memref<!tpu.dma_semaphore, #tpu.memory_space<semaphore_mem>>
          %dma_start3A_34 = arith.constant 0 : i32
          %dma_start3A_35 = tpu.memref_slice %arg2[%arg1, %mul3A_16, %run_scoped3A, %dma_start3A_34] : memref<16x158x2x128xi32, #tpu.memory_space<hbm>> -> memref<1x1x1x128xi32, #tpu.memory_space<hbm>>
          %dma_start3A_36 = tpu.memref_squeeze %dma_start3A_35 : memref<1x1x1x128xi32, #tpu.memory_space<hbm>> -> memref<128xi32, #tpu.memory_space<hbm>>
          %dma_start3A_37 = arith.constant 0 : i32
          %dma_start3A_38 = tpu.memref_slice %arg2[%arg1, %mul3A_16, %run_scoped3A, %dma_start3A_37] : memref<16x158x2x128xi32, #tpu.memory_space<hbm>> -> memref<1x1x1x128xi32, #tpu.memory_space<hbm>>
          %dma_start3A_39 = tpu.memref_squeeze %dma_start3A_38 : memref<1x1x1x128xi32, #tpu.memory_space<hbm>> -> memref<128xi32, #tpu.memory_space<hbm>>
          tpu.enqueue_dma source(%dma_start3A_39 : memref<128xi32, #tpu.memory_space<hbm>>) target(%arg9 : memref<128xi32, #tpu.memory_space<vmem>>) target_semaphore(%run_scoped3A_33 : memref<!tpu.dma_semaphore, #tpu.memory_space<semaphore_mem>>)
          %dma_wait3A_40 = arith.constant 0 : i32
          %dma_wait3A_41 = tpu.memref_slice %arg2[%arg1, %mul3A_16, %run_scoped3A, %dma_wait3A_40] : memref<16x158x2x128xi32, #tpu.memory_space<hbm>> -> memref<1x1x1x128xi32, #tpu.memory_space<hbm>>
          %dma_wait3A_42 = tpu.memref_squeeze %dma_wait3A_41 : memref<1x1x1x128xi32, #tpu.memory_space<hbm>> -> memref<128xi32, #tpu.memory_space<hbm>>
          %dma_wait3A_43 = arith.constant 0 : i32
          %dma_wait3A_44 = tpu.memref_slice %arg2[%arg1, %mul3A_16, %run_scoped3A, %dma_wait3A_43] : memref<16x158x2x128xi32, #tpu.memory_space<hbm>> -> memref<1x1x1x128xi32, #tpu.memory_space<hbm>>
          %dma_wait3A_45 = tpu.memref_squeeze %dma_wait3A_44 : memref<1x1x1x128xi32, #tpu.memory_space<hbm>> -> memref<128xi32, #tpu.memory_space<hbm>>
          tpu.wait_dma2 semaphore(%run_scoped3A_33 : memref<!tpu.dma_semaphore, #tpu.memory_space<semaphore_mem>>) src(%dma_wait3A_45 : memref<128xi32, #tpu.memory_space<hbm>>) dst(%arg9 : memref<128xi32, #tpu.memory_space<vmem>>)
          tpu.yield
        }) : () -> ()
        %run_scoped3A_17 = arith.constant 1 : i32
        "tpu.region"() ({
          %run_scoped3A_33 = tpu.sem_alloc : memref<!tpu.dma_semaphore, #tpu.memory_space<semaphore_mem>>
          %dma_start3A_34 = arith.constant 0 : i32
          %dma_start3A_35 = tpu.memref_slice %arg2[%arg1, %mul3A_16, %run_scoped3A_17, %dma_start3A_34] : memref<16x158x2x128xi32, #tpu.memory_space<hbm>> -> memref<1x1x1x128xi32, #tpu.memory_space<hbm>>
          %dma_start3A_36 = tpu.memref_squeeze %dma_start3A_35 : memref<1x1x1x128xi32, #tpu.memory_space<hbm>> -> memref<128xi32, #tpu.memory_space<hbm>>
          %dma_start3A_37 = arith.constant 0 : i32
          %dma_start3A_38 = tpu.memref_slice %arg2[%arg1, %mul3A_16, %run_scoped3A_17, %dma_start3A_37] : memref<16x158x2x128xi32, #tpu.memory_space<hbm>> -> memref<1x1x1x128xi32, #tpu.memory_space<hbm>>
          %dma_start3A_39 = tpu.memref_squeeze %dma_start3A_38 : memref<1x1x1x128xi32, #tpu.memory_space<hbm>> -> memref<128xi32, #tpu.memory_space<hbm>>
          tpu.enqueue_dma source(%dma_start3A_39 : memref<128xi32, #tpu.memory_space<hbm>>) target(%arg10 : memref<128xi32, #tpu.memory_space<vmem>>) target_semaphore(%run_scoped3A_33 : memref<!tpu.dma_semaphore, #tpu.memory_space<semaphore_mem>>)
          %dma_wait3A_40 = arith.constant 0 : i32
          %dma_wait3A_41 = tpu.memref_slice %arg2[%arg1, %mul3A_16, %run_scoped3A_17, %dma_wait3A_40] : memref<16x158x2x128xi32, #tpu.memory_space<hbm>> -> memref<1x1x1x128xi32, #tpu.memory_space<hbm>>
          %dma_wait3A_42 = tpu.memref_squeeze %dma_wait3A_41 : memref<1x1x1x128xi32, #tpu.memory_space<hbm>> -> memref<128xi32, #tpu.memory_space<hbm>>
          %dma_wait3A_43 = arith.constant 0 : i32
          %dma_wait3A_44 = tpu.memref_slice %arg2[%arg1, %mul3A_16, %run_scoped3A_17, %dma_wait3A_43] : memref<16x158x2x128xi32, #tpu.memory_space<hbm>> -> memref<1x1x1x128xi32, #tpu.memory_space<hbm>>
          %dma_wait3A_45 = tpu.memref_squeeze %dma_wait3A_44 : memref<1x1x1x128xi32, #tpu.memory_space<hbm>> -> memref<128xi32, #tpu.memory_space<hbm>>
          tpu.wait_dma2 semaphore(%run_scoped3A_33 : memref<!tpu.dma_semaphore, #tpu.memory_space<semaphore_mem>>) src(%dma_wait3A_45 : memref<128xi32, #tpu.memory_space<hbm>>) dst(%arg10 : memref<128xi32, #tpu.memory_space<vmem>>)
          tpu.yield
        }) : () -> ()
        %dma_start3A = arith.constant 0 : i32
        %dma_start3A_18 = arith.constant 0 : i32
        %dma_start3A_19 = tpu.memref_slice %arg4[%dma_start3A, %dma_start3A_18] : memref<10240x128xf32, #tpu.memory_space<hbm>> -> memref<10240x128xf32, #tpu.memory_space<hbm>>
        tpu.enqueue_indirect_dma source(%dma_start3A_19 : memref<10240x128xf32, #tpu.memory_space<hbm>>) target(%arg13 : memref<128x128xf32, #tpu.memory_space<vmem>>) offsets(%arg9 : memref<128xi32, #tpu.memory_space<vmem>>) semaphore(%arg15 : memref<!tpu.dma_semaphore, #tpu.memory_space<semaphore_mem>>)
        %add3A = arith.constant 1 : i32
        %add3A_20 = arith.addi %mul3A_16, %add3A : i32
        %run_scoped3A_21 = arith.constant 0 : i32
        "tpu.region"() ({
          %run_scoped3A_33 = tpu.sem_alloc : memref<!tpu.dma_semaphore, #tpu.memory_space<semaphore_mem>>
          %dma_start3A_34 = arith.constant 0 : i32
          %dma_start3A_35 = tpu.memref_slice %arg2[%arg1, %add3A_20, %run_scoped3A_21, %dma_start3A_34] : memref<16x158x2x128xi32, #tpu.memory_space<hbm>> -> memref<1x1x1x128xi32, #tpu.memory_space<hbm>>
          %dma_start3A_36 = tpu.memref_squeeze %dma_start3A_35 : memref<1x1x1x128xi32, #tpu.memory_space<hbm>> -> memref<128xi32, #tpu.memory_space<hbm>>
          %dma_start3A_37 = arith.constant 0 : i32
          %dma_start3A_38 = tpu.memref_slice %arg2[%arg1, %add3A_20, %run_scoped3A_21, %dma_start3A_37] : memref<16x158x2x128xi32, #tpu.memory_space<hbm>> -> memref<1x1x1x128xi32, #tpu.memory_space<hbm>>
          %dma_start3A_39 = tpu.memref_squeeze %dma_start3A_38 : memref<1x1x1x128xi32, #tpu.memory_space<hbm>> -> memref<128xi32, #tpu.memory_space<hbm>>
          tpu.enqueue_dma source(%dma_start3A_39 : memref<128xi32, #tpu.memory_space<hbm>>) target(%arg11 : memref<128xi32, #tpu.memory_space<vmem>>) target_semaphore(%run_scoped3A_33 : memref<!tpu.dma_semaphore, #tpu.memory_space<semaphore_mem>>)
          %dma_wait3A_40 = arith.constant 0 : i32
          %dma_wait3A_41 = tpu.memref_slice %arg2[%arg1, %add3A_20, %run_scoped3A_21, %dma_wait3A_40] : memref<16x158x2x128xi32, #tpu.memory_space<hbm>> -> memref<1x1x1x128xi32, #tpu.memory_space<hbm>>
          %dma_wait3A_42 = tpu.memref_squeeze %dma_wait3A_41 : memref<1x1x1x128xi32, #tpu.memory_space<hbm>> -> memref<128xi32, #tpu.memory_space<hbm>>
          %dma_wait3A_43 = arith.constant 0 : i32
          %dma_wait3A_44 = tpu.memref_slice %arg2[%arg1, %add3A_20, %run_scoped3A_21, %dma_wait3A_43] : memref<16x158x2x128xi32, #tpu.memory_space<hbm>> -> memref<1x1x1x128xi32, #tpu.memory_space<hbm>>
          %dma_wait3A_45 = tpu.memref_squeeze %dma_wait3A_44 : memref<1x1x1x128xi32, #tpu.memory_space<hbm>> -> memref<128xi32, #tpu.memory_space<hbm>>
          tpu.wait_dma2 semaphore(%run_scoped3A_33 : memref<!tpu.dma_semaphore, #tpu.memory_space<semaphore_mem>>) src(%dma_wait3A_45 : memref<128xi32, #tpu.memory_space<hbm>>) dst(%arg11 : memref<128xi32, #tpu.memory_space<vmem>>)
          tpu.yield
        }) : () -> ()
        %add3A_22 = arith.constant 1 : i32
        %add3A_23 = arith.addi %mul3A_16, %add3A_22 : i32
        %run_scoped3A_24 = arith.constant 1 : i32
        "tpu.region"() ({
          %run_scoped3A_33 = tpu.sem_alloc : memref<!tpu.dma_semaphore, #tpu.memory_space<semaphore_mem>>
          %dma_start3A_34 = arith.constant 0 : i32
          %dma_start3A_35 = tpu.memref_slice %arg2[%arg1, %add3A_23, %run_scoped3A_24, %dma_start3A_34] : memref<16x158x2x128xi32, #tpu.memory_space<hbm>> -> memref<1x1x1x128xi32, #tpu.memory_space<hbm>>
          %dma_start3A_36 = tpu.memref_squeeze %dma_start3A_35 : memref<1x1x1x128xi32, #tpu.memory_space<hbm>> -> memref<128xi32, #tpu.memory_space<hbm>>
          %dma_start3A_37 = arith.constant 0 : i32
          %dma_start3A_38 = tpu.memref_slice %arg2[%arg1, %add3A_23, %run_scoped3A_24, %dma_start3A_37] : memref<16x158x2x128xi32, #tpu.memory_space<hbm>> -> memref<1x1x1x128xi32, #tpu.memory_space<hbm>>
          %dma_start3A_39 = tpu.memref_squeeze %dma_start3A_38 : memref<1x1x1x128xi32, #tpu.memory_space<hbm>> -> memref<128xi32, #tpu.memory_space<hbm>>
          tpu.enqueue_dma source(%dma_start3A_39 : memref<128xi32, #tpu.memory_space<hbm>>) target(%arg12 : memref<128xi32, #tpu.memory_space<vmem>>) target_semaphore(%run_scoped3A_33 : memref<!tpu.dma_semaphore, #tpu.memory_space<semaphore_mem>>)
          %dma_wait3A_40 = arith.constant 0 : i32
          %dma_wait3A_41 = tpu.memref_slice %arg2[%arg1, %add3A_23, %run_scoped3A_24, %dma_wait3A_40] : memref<16x158x2x128xi32, #tpu.memory_space<hbm>> -> memref<1x1x1x128xi32, #tpu.memory_space<hbm>>
          %dma_wait3A_42 = tpu.memref_squeeze %dma_wait3A_41 : memref<1x1x1x128xi32, #tpu.memory_space<hbm>> -> memref<128xi32, #tpu.memory_space<hbm>>
          %dma_wait3A_43 = arith.constant 0 : i32
          %dma_wait3A_44 = tpu.memref_slice %arg2[%arg1, %add3A_23, %run_scoped3A_24, %dma_wait3A_43] : memref<16x158x2x128xi32, #tpu.memory_space<hbm>> -> memref<1x1x1x128xi32, #tpu.memory_space<hbm>>
          %dma_wait3A_45 = tpu.memref_squeeze %dma_wait3A_44 : memref<1x1x1x128xi32, #tpu.memory_space<hbm>> -> memref<128xi32, #tpu.memory_space<hbm>>
          tpu.wait_dma2 semaphore(%run_scoped3A_33 : memref<!tpu.dma_semaphore, #tpu.memory_space<semaphore_mem>>) src(%dma_wait3A_45 : memref<128xi32, #tpu.memory_space<hbm>>) dst(%arg12 : memref<128xi32, #tpu.memory_space<vmem>>)
          tpu.yield
        }) : () -> ()
        %dma_start3A_25 = arith.constant 0 : i32
        %dma_start3A_26 = arith.constant 0 : i32
        %dma_start3A_27 = tpu.memref_slice %arg4[%dma_start3A_25, %dma_start3A_26] : memref<10240x128xf32, #tpu.memory_space<hbm>> -> memref<10240x128xf32, #tpu.memory_space<hbm>>
        tpu.enqueue_indirect_dma source(%dma_start3A_27 : memref<10240x128xf32, #tpu.memory_space<hbm>>) target(%arg14 : memref<128x128xf32, #tpu.memory_space<vmem>>) offsets(%arg11 : memref<128xi32, #tpu.memory_space<vmem>>) semaphore(%arg16 : memref<!tpu.dma_semaphore, #tpu.memory_space<semaphore_mem>>)
        %dma_wait3A = arith.constant 0 : i32
        %dma_wait3A_28 = arith.constant 0 : i32
        %dma_wait3A_29 = tpu.memref_slice %arg4[%dma_wait3A, %dma_wait3A_28] : memref<10240x128xf32, #tpu.memory_space<hbm>> -> memref<10240x128xf32, #tpu.memory_space<hbm>>
        tpu.wait_indirect_dma semaphore(%arg15 : memref<!tpu.dma_semaphore, #tpu.memory_space<semaphore_mem>>) src(%dma_wait3A_29 : memref<10240x128xf32, #tpu.memory_space<hbm>>) dst(%arg13 : memref<128x128xf32, #tpu.memory_space<vmem>>)
        "tpu.region"() ({
          %run_scoped3A_33 = tpu.sem_alloc : memref<!tpu.dma_semaphore, #tpu.memory_space<semaphore_mem>>
          %dma_start3A_34 = arith.constant 0 : i32
          %dma_start3A_35 = arith.constant 0 : i32
          %dma_start3A_36 = tpu.memref_slice %arg8[%dma_start3A_34, %dma_start3A_35] : memref<10240x128xf32, #tpu.memory_space<vmem_shared>> -> memref<10240x128xf32, #tpu.memory_space<vmem_shared>>
          tpu.enqueue_indirect_dma source(%arg13 : memref<128x128xf32, #tpu.memory_space<vmem>>) target(%dma_start3A_36 : memref<10240x128xf32, #tpu.memory_space<vmem_shared>>) offsets(%arg10 : memref<128xi32, #tpu.memory_space<vmem>>) semaphore(%run_scoped3A_33 : memref<!tpu.dma_semaphore, #tpu.memory_space<semaphore_mem>>) {add = true}
          %dma_wait3A_37 = arith.constant 0 : i32
          %dma_wait3A_38 = arith.constant 0 : i32
          %dma_wait3A_39 = tpu.memref_slice %arg8[%dma_wait3A_37, %dma_wait3A_38] : memref<10240x128xf32, #tpu.memory_space<vmem_shared>> -> memref<10240x128xf32, #tpu.memory_space<vmem_shared>>
          tpu.wait_indirect_dma semaphore(%run_scoped3A_33 : memref<!tpu.dma_semaphore, #tpu.memory_space<semaphore_mem>>) src(%arg13 : memref<128x128xf32, #tpu.memory_space<vmem>>) dst(%dma_wait3A_39 : memref<10240x128xf32, #tpu.memory_space<vmem_shared>>)
          tpu.yield
        }) : () -> ()
        %dma_wait3A_30 = arith.constant 0 : i32
        %dma_wait3A_31 = arith.constant 0 : i32
        %dma_wait3A_32 = tpu.memref_slice %arg4[%dma_wait3A_30, %dma_wait3A_31] : memref<10240x128xf32, #tpu.memory_space<hbm>> -> memref<10240x128xf32, #tpu.memory_space<hbm>>
        tpu.wait_indirect_dma semaphore(%arg16 : memref<!tpu.dma_semaphore, #tpu.memory_space<semaphore_mem>>) src(%dma_wait3A_32 : memref<10240x128xf32, #tpu.memory_space<hbm>>) dst(%arg14 : memref<128x128xf32, #tpu.memory_space<vmem>>)
        "tpu.region"() ({
          %run_scoped3A_33 = tpu.sem_alloc : memref<!tpu.dma_semaphore, #tpu.memory_space<semaphore_mem>>
          %dma_start3A_34 = arith.constant 0 : i32
          %dma_start3A_35 = arith.constant 0 : i32
          %dma_start3A_36 = tpu.memref_slice %arg8[%dma_start3A_34, %dma_start3A_35] : memref<10240x128xf32, #tpu.memory_space<vmem_shared>> -> memref<10240x128xf32, #tpu.memory_space<vmem_shared>>
          tpu.enqueue_indirect_dma source(%arg14 : memref<128x128xf32, #tpu.memory_space<vmem>>) target(%dma_start3A_36 : memref<10240x128xf32, #tpu.memory_space<vmem_shared>>) offsets(%arg12 : memref<128xi32, #tpu.memory_space<vmem>>) semaphore(%run_scoped3A_33 : memref<!tpu.dma_semaphore, #tpu.memory_space<semaphore_mem>>) {add = true}
          %dma_wait3A_37 = arith.constant 0 : i32
          %dma_wait3A_38 = arith.constant 0 : i32
          %dma_wait3A_39 = tpu.memref_slice %arg8[%dma_wait3A_37, %dma_wait3A_38] : memref<10240x128xf32, #tpu.memory_space<vmem_shared>> -> memref<10240x128xf32, #tpu.memory_space<vmem_shared>>
          tpu.wait_indirect_dma semaphore(%run_scoped3A_33 : memref<!tpu.dma_semaphore, #tpu.memory_space<semaphore_mem>>) src(%arg14 : memref<128x128xf32, #tpu.memory_space<vmem>>) dst(%dma_wait3A_39 : memref<10240x128xf32, #tpu.memory_space<vmem_shared>>)
          tpu.yield
        }) : () -> ()
      }
      %scan3A_12 = arith.constant 79 : i32
      %barrier3A_13 = arith.constant 0 : index
      tpu.barrier barrier_id(%barrier3A_13)
      "tpu.region"() ({
        %run_scoped3A = tpu.sem_alloc : memref<!tpu.dma_semaphore, #tpu.memory_space<semaphore_mem>>
        %dma_start3A = arith.constant 0 : i32
        %dma_start3A_14 = tpu.memref_slice %arg6[%mul3A_7, %dma_start3A] : memref<10240x128xf32, #tpu.memory_space<hbm>> -> memref<640x128xf32, #tpu.memory_space<hbm>>
        %dma_start3A_15 = arith.constant 0 : i32
        %dma_start3A_16 = tpu.memref_slice %arg8[%mul3A_7, %dma_start3A_15] : memref<10240x128xf32, #tpu.memory_space<vmem_shared>> -> memref<640x128xf32, #tpu.memory_space<vmem_shared>>
        tpu.enqueue_dma source(%dma_start3A_16 : memref<640x128xf32, #tpu.memory_space<vmem_shared>>) target(%dma_start3A_14 : memref<640x128xf32, #tpu.memory_space<hbm>>) target_semaphore(%run_scoped3A : memref<!tpu.dma_semaphore, #tpu.memory_space<semaphore_mem>>)
        %dma_wait3A = arith.constant 0 : i32
        %dma_wait3A_17 = tpu.memref_slice %arg6[%mul3A_7, %dma_wait3A] : memref<10240x128xf32, #tpu.memory_space<hbm>> -> memref<640x128xf32, #tpu.memory_space<hbm>>
        %dma_wait3A_18 = arith.constant 0 : i32
        %dma_wait3A_19 = tpu.memref_slice %arg8[%mul3A_7, %dma_wait3A_18] : memref<10240x128xf32, #tpu.memory_space<vmem_shared>> -> memref<640x128xf32, #tpu.memory_space<vmem_shared>>
        tpu.wait_dma2 semaphore(%run_scoped3A : memref<!tpu.dma_semaphore, #tpu.memory_space<semaphore_mem>>) src(%dma_wait3A_19 : memref<640x128xf32, #tpu.memory_space<vmem_shared>>) dst(%dma_wait3A_17 : memref<640x128xf32, #tpu.memory_space<hbm>>)
        tpu.yield
      }) : () -> ()
    } else {
    }
    %eq3A_2 = arith.constant 1 : i32
    %eq3A_3 = arith.cmpi eq, %arg0, %eq3A_2 : i32
    %convert_element_type3A_4 = arith.extui %eq3A_3 : i1 to i32
    %cond3A_5 = arith.constant 0 : i32
    %cond3A_6 = arith.cmpi ne, %convert_element_type3A_4, %cond3A_5 : i32
    scf.if %cond3A_6 {
      %mul3A = arith.constant 640 : i32
      %mul3A_7 = arith.muli %arg1, %mul3A : i32
      "tpu.region"() ({
        %run_scoped3A = tpu.sem_alloc : memref<!tpu.dma_semaphore, #tpu.memory_space<semaphore_mem>>
        %dma_start3A = arith.constant 0 : i32
        %dma_start3A_14 = tpu.memref_slice %arg8[%mul3A_7, %dma_start3A] : memref<10240x128xf32, #tpu.memory_space<vmem_shared>> -> memref<640x128xf32, #tpu.memory_space<vmem_shared>>
        %dma_start3A_15 = arith.constant 0 : i32
        %dma_start3A_16 = tpu.memref_slice %arg5[%mul3A_7, %dma_start3A_15] : memref<10240x128xf32, #tpu.memory_space<hbm>> -> memref<640x128xf32, #tpu.memory_space<hbm>>
        tpu.enqueue_dma source(%dma_start3A_16 : memref<640x128xf32, #tpu.memory_space<hbm>>) target(%dma_start3A_14 : memref<640x128xf32, #tpu.memory_space<vmem_shared>>) target_semaphore(%run_scoped3A : memref<!tpu.dma_semaphore, #tpu.memory_space<semaphore_mem>>)
        %dma_wait3A = arith.constant 0 : i32
        %dma_wait3A_17 = tpu.memref_slice %arg8[%mul3A_7, %dma_wait3A] : memref<10240x128xf32, #tpu.memory_space<vmem_shared>> -> memref<640x128xf32, #tpu.memory_space<vmem_shared>>
        %dma_wait3A_18 = arith.constant 0 : i32
        %dma_wait3A_19 = tpu.memref_slice %arg5[%mul3A_7, %dma_wait3A_18] : memref<10240x128xf32, #tpu.memory_space<hbm>> -> memref<640x128xf32, #tpu.memory_space<hbm>>
        tpu.wait_dma2 semaphore(%run_scoped3A : memref<!tpu.dma_semaphore, #tpu.memory_space<semaphore_mem>>) src(%dma_wait3A_19 : memref<640x128xf32, #tpu.memory_space<hbm>>) dst(%dma_wait3A_17 : memref<640x128xf32, #tpu.memory_space<vmem_shared>>)
        tpu.yield
      }) : () -> ()
      %barrier3A = arith.constant 0 : index
      tpu.barrier barrier_id(%barrier3A)
      %scan3A = arith.constant 0 : i32
      %scan3A_8 = arith.constant 0 : i32
      %scan3A_9 = arith.constant 79 : i32
      %scan3A_10 = arith.addi %scan3A_8, %scan3A_9 : i32
      %scan3A_11 = arith.constant 1 : i32
      scf.for %scan3A_14 = %scan3A_8 to %scan3A_10 step %scan3A_11  : i32 {
        %mul3A_15 = arith.constant 2 : i32
        %mul3A_16 = arith.muli %mul3A_15, %scan3A_14 : i32
        %run_scoped3A = arith.constant 0 : i32
        "tpu.region"() ({
          %run_scoped3A_33 = tpu.sem_alloc : memref<!tpu.dma_semaphore, #tpu.memory_space<semaphore_mem>>
          %dma_start3A_34 = arith.constant 0 : i32
          %dma_start3A_35 = tpu.memref_slice %arg3[%arg1, %mul3A_16, %run_scoped3A, %dma_start3A_34] : memref<16x158x2x128xi32, #tpu.memory_space<hbm>> -> memref<1x1x1x128xi32, #tpu.memory_space<hbm>>
          %dma_start3A_36 = tpu.memref_squeeze %dma_start3A_35 : memref<1x1x1x128xi32, #tpu.memory_space<hbm>> -> memref<128xi32, #tpu.memory_space<hbm>>
          %dma_start3A_37 = arith.constant 0 : i32
          %dma_start3A_38 = tpu.memref_slice %arg3[%arg1, %mul3A_16, %run_scoped3A, %dma_start3A_37] : memref<16x158x2x128xi32, #tpu.memory_space<hbm>> -> memref<1x1x1x128xi32, #tpu.memory_space<hbm>>
          %dma_start3A_39 = tpu.memref_squeeze %dma_start3A_38 : memref<1x1x1x128xi32, #tpu.memory_space<hbm>> -> memref<128xi32, #tpu.memory_space<hbm>>
          tpu.enqueue_dma source(%dma_start3A_39 : memref<128xi32, #tpu.memory_space<hbm>>) target(%arg9 : memref<128xi32, #tpu.memory_space<vmem>>) target_semaphore(%run_scoped3A_33 : memref<!tpu.dma_semaphore, #tpu.memory_space<semaphore_mem>>)
          %dma_wait3A_40 = arith.constant 0 : i32
          %dma_wait3A_41 = tpu.memref_slice %arg3[%arg1, %mul3A_16, %run_scoped3A, %dma_wait3A_40] : memref<16x158x2x128xi32, #tpu.memory_space<hbm>> -> memref<1x1x1x128xi32, #tpu.memory_space<hbm>>
          %dma_wait3A_42 = tpu.memref_squeeze %dma_wait3A_41 : memref<1x1x1x128xi32, #tpu.memory_space<hbm>> -> memref<128xi32, #tpu.memory_space<hbm>>
          %dma_wait3A_43 = arith.constant 0 : i32
          %dma_wait3A_44 = tpu.memref_slice %arg3[%arg1, %mul3A_16, %run_scoped3A, %dma_wait3A_43] : memref<16x158x2x128xi32, #tpu.memory_space<hbm>> -> memref<1x1x1x128xi32, #tpu.memory_space<hbm>>
          %dma_wait3A_45 = tpu.memref_squeeze %dma_wait3A_44 : memref<1x1x1x128xi32, #tpu.memory_space<hbm>> -> memref<128xi32, #tpu.memory_space<hbm>>
          tpu.wait_dma2 semaphore(%run_scoped3A_33 : memref<!tpu.dma_semaphore, #tpu.memory_space<semaphore_mem>>) src(%dma_wait3A_45 : memref<128xi32, #tpu.memory_space<hbm>>) dst(%arg9 : memref<128xi32, #tpu.memory_space<vmem>>)
          tpu.yield
        }) : () -> ()
        %run_scoped3A_17 = arith.constant 1 : i32
        "tpu.region"() ({
          %run_scoped3A_33 = tpu.sem_alloc : memref<!tpu.dma_semaphore, #tpu.memory_space<semaphore_mem>>
          %dma_start3A_34 = arith.constant 0 : i32
          %dma_start3A_35 = tpu.memref_slice %arg3[%arg1, %mul3A_16, %run_scoped3A_17, %dma_start3A_34] : memref<16x158x2x128xi32, #tpu.memory_space<hbm>> -> memref<1x1x1x128xi32, #tpu.memory_space<hbm>>
          %dma_start3A_36 = tpu.memref_squeeze %dma_start3A_35 : memref<1x1x1x128xi32, #tpu.memory_space<hbm>> -> memref<128xi32, #tpu.memory_space<hbm>>
          %dma_start3A_37 = arith.constant 0 : i32
          %dma_start3A_38 = tpu.memref_slice %arg3[%arg1, %mul3A_16, %run_scoped3A_17, %dma_start3A_37] : memref<16x158x2x128xi32, #tpu.memory_space<hbm>> -> memref<1x1x1x128xi32, #tpu.memory_space<hbm>>
          %dma_start3A_39 = tpu.memref_squeeze %dma_start3A_38 : memref<1x1x1x128xi32, #tpu.memory_space<hbm>> -> memref<128xi32, #tpu.memory_space<hbm>>
          tpu.enqueue_dma source(%dma_start3A_39 : memref<128xi32, #tpu.memory_space<hbm>>) target(%arg10 : memref<128xi32, #tpu.memory_space<vmem>>) target_semaphore(%run_scoped3A_33 : memref<!tpu.dma_semaphore, #tpu.memory_space<semaphore_mem>>)
          %dma_wait3A_40 = arith.constant 0 : i32
          %dma_wait3A_41 = tpu.memref_slice %arg3[%arg1, %mul3A_16, %run_scoped3A_17, %dma_wait3A_40] : memref<16x158x2x128xi32, #tpu.memory_space<hbm>> -> memref<1x1x1x128xi32, #tpu.memory_space<hbm>>
          %dma_wait3A_42 = tpu.memref_squeeze %dma_wait3A_41 : memref<1x1x1x128xi32, #tpu.memory_space<hbm>> -> memref<128xi32, #tpu.memory_space<hbm>>
          %dma_wait3A_43 = arith.constant 0 : i32
          %dma_wait3A_44 = tpu.memref_slice %arg3[%arg1, %mul3A_16, %run_scoped3A_17, %dma_wait3A_43] : memref<16x158x2x128xi32, #tpu.memory_space<hbm>> -> memref<1x1x1x128xi32, #tpu.memory_space<hbm>>
          %dma_wait3A_45 = tpu.memref_squeeze %dma_wait3A_44 : memref<1x1x1x128xi32, #tpu.memory_space<hbm>> -> memref<128xi32, #tpu.memory_space<hbm>>
          tpu.wait_dma2 semaphore(%run_scoped3A_33 : memref<!tpu.dma_semaphore, #tpu.memory_space<semaphore_mem>>) src(%dma_wait3A_45 : memref<128xi32, #tpu.memory_space<hbm>>) dst(%arg10 : memref<128xi32, #tpu.memory_space<vmem>>)
          tpu.yield
        }) : () -> ()
        %dma_start3A = arith.constant 0 : i32
        %dma_start3A_18 = arith.constant 0 : i32
        %dma_start3A_19 = tpu.memref_slice %arg5[%dma_start3A, %dma_start3A_18] : memref<10240x128xf32, #tpu.memory_space<hbm>> -> memref<10240x128xf32, #tpu.memory_space<hbm>>
        tpu.enqueue_indirect_dma source(%dma_start3A_19 : memref<10240x128xf32, #tpu.memory_space<hbm>>) target(%arg13 : memref<128x128xf32, #tpu.memory_space<vmem>>) offsets(%arg9 : memref<128xi32, #tpu.memory_space<vmem>>) semaphore(%arg15 : memref<!tpu.dma_semaphore, #tpu.memory_space<semaphore_mem>>)
        %add3A = arith.constant 1 : i32
        %add3A_20 = arith.addi %mul3A_16, %add3A : i32
        %run_scoped3A_21 = arith.constant 0 : i32
        "tpu.region"() ({
          %run_scoped3A_33 = tpu.sem_alloc : memref<!tpu.dma_semaphore, #tpu.memory_space<semaphore_mem>>
          %dma_start3A_34 = arith.constant 0 : i32
          %dma_start3A_35 = tpu.memref_slice %arg3[%arg1, %add3A_20, %run_scoped3A_21, %dma_start3A_34] : memref<16x158x2x128xi32, #tpu.memory_space<hbm>> -> memref<1x1x1x128xi32, #tpu.memory_space<hbm>>
          %dma_start3A_36 = tpu.memref_squeeze %dma_start3A_35 : memref<1x1x1x128xi32, #tpu.memory_space<hbm>> -> memref<128xi32, #tpu.memory_space<hbm>>
          %dma_start3A_37 = arith.constant 0 : i32
          %dma_start3A_38 = tpu.memref_slice %arg3[%arg1, %add3A_20, %run_scoped3A_21, %dma_start3A_37] : memref<16x158x2x128xi32, #tpu.memory_space<hbm>> -> memref<1x1x1x128xi32, #tpu.memory_space<hbm>>
          %dma_start3A_39 = tpu.memref_squeeze %dma_start3A_38 : memref<1x1x1x128xi32, #tpu.memory_space<hbm>> -> memref<128xi32, #tpu.memory_space<hbm>>
          tpu.enqueue_dma source(%dma_start3A_39 : memref<128xi32, #tpu.memory_space<hbm>>) target(%arg11 : memref<128xi32, #tpu.memory_space<vmem>>) target_semaphore(%run_scoped3A_33 : memref<!tpu.dma_semaphore, #tpu.memory_space<semaphore_mem>>)
          %dma_wait3A_40 = arith.constant 0 : i32
          %dma_wait3A_41 = tpu.memref_slice %arg3[%arg1, %add3A_20, %run_scoped3A_21, %dma_wait3A_40] : memref<16x158x2x128xi32, #tpu.memory_space<hbm>> -> memref<1x1x1x128xi32, #tpu.memory_space<hbm>>
          %dma_wait3A_42 = tpu.memref_squeeze %dma_wait3A_41 : memref<1x1x1x128xi32, #tpu.memory_space<hbm>> -> memref<128xi32, #tpu.memory_space<hbm>>
          %dma_wait3A_43 = arith.constant 0 : i32
          %dma_wait3A_44 = tpu.memref_slice %arg3[%arg1, %add3A_20, %run_scoped3A_21, %dma_wait3A_43] : memref<16x158x2x128xi32, #tpu.memory_space<hbm>> -> memref<1x1x1x128xi32, #tpu.memory_space<hbm>>
          %dma_wait3A_45 = tpu.memref_squeeze %dma_wait3A_44 : memref<1x1x1x128xi32, #tpu.memory_space<hbm>> -> memref<128xi32, #tpu.memory_space<hbm>>
          tpu.wait_dma2 semaphore(%run_scoped3A_33 : memref<!tpu.dma_semaphore, #tpu.memory_space<semaphore_mem>>) src(%dma_wait3A_45 : memref<128xi32, #tpu.memory_space<hbm>>) dst(%arg11 : memref<128xi32, #tpu.memory_space<vmem>>)
          tpu.yield
        }) : () -> ()
        %add3A_22 = arith.constant 1 : i32
        %add3A_23 = arith.addi %mul3A_16, %add3A_22 : i32
        %run_scoped3A_24 = arith.constant 1 : i32
        "tpu.region"() ({
          %run_scoped3A_33 = tpu.sem_alloc : memref<!tpu.dma_semaphore, #tpu.memory_space<semaphore_mem>>
          %dma_start3A_34 = arith.constant 0 : i32
          %dma_start3A_35 = tpu.memref_slice %arg3[%arg1, %add3A_23, %run_scoped3A_24, %dma_start3A_34] : memref<16x158x2x128xi32, #tpu.memory_space<hbm>> -> memref<1x1x1x128xi32, #tpu.memory_space<hbm>>
          %dma_start3A_36 = tpu.memref_squeeze %dma_start3A_35 : memref<1x1x1x128xi32, #tpu.memory_space<hbm>> -> memref<128xi32, #tpu.memory_space<hbm>>
          %dma_start3A_37 = arith.constant 0 : i32
          %dma_start3A_38 = tpu.memref_slice %arg3[%arg1, %add3A_23, %run_scoped3A_24, %dma_start3A_37] : memref<16x158x2x128xi32, #tpu.memory_space<hbm>> -> memref<1x1x1x128xi32, #tpu.memory_space<hbm>>
          %dma_start3A_39 = tpu.memref_squeeze %dma_start3A_38 : memref<1x1x1x128xi32, #tpu.memory_space<hbm>> -> memref<128xi32, #tpu.memory_space<hbm>>
          tpu.enqueue_dma source(%dma_start3A_39 : memref<128xi32, #tpu.memory_space<hbm>>) target(%arg12 : memref<128xi32, #tpu.memory_space<vmem>>) target_semaphore(%run_scoped3A_33 : memref<!tpu.dma_semaphore, #tpu.memory_space<semaphore_mem>>)
          %dma_wait3A_40 = arith.constant 0 : i32
          %dma_wait3A_41 = tpu.memref_slice %arg3[%arg1, %add3A_23, %run_scoped3A_24, %dma_wait3A_40] : memref<16x158x2x128xi32, #tpu.memory_space<hbm>> -> memref<1x1x1x128xi32, #tpu.memory_space<hbm>>
          %dma_wait3A_42 = tpu.memref_squeeze %dma_wait3A_41 : memref<1x1x1x128xi32, #tpu.memory_space<hbm>> -> memref<128xi32, #tpu.memory_space<hbm>>
          %dma_wait3A_43 = arith.constant 0 : i32
          %dma_wait3A_44 = tpu.memref_slice %arg3[%arg1, %add3A_23, %run_scoped3A_24, %dma_wait3A_43] : memref<16x158x2x128xi32, #tpu.memory_space<hbm>> -> memref<1x1x1x128xi32, #tpu.memory_space<hbm>>
          %dma_wait3A_45 = tpu.memref_squeeze %dma_wait3A_44 : memref<1x1x1x128xi32, #tpu.memory_space<hbm>> -> memref<128xi32, #tpu.memory_space<hbm>>
          tpu.wait_dma2 semaphore(%run_scoped3A_33 : memref<!tpu.dma_semaphore, #tpu.memory_space<semaphore_mem>>) src(%dma_wait3A_45 : memref<128xi32, #tpu.memory_space<hbm>>) dst(%arg12 : memref<128xi32, #tpu.memory_space<vmem>>)
          tpu.yield
        }) : () -> ()
        %dma_start3A_25 = arith.constant 0 : i32
        %dma_start3A_26 = arith.constant 0 : i32
        %dma_start3A_27 = tpu.memref_slice %arg5[%dma_start3A_25, %dma_start3A_26] : memref<10240x128xf32, #tpu.memory_space<hbm>> -> memref<10240x128xf32, #tpu.memory_space<hbm>>
        tpu.enqueue_indirect_dma source(%dma_start3A_27 : memref<10240x128xf32, #tpu.memory_space<hbm>>) target(%arg14 : memref<128x128xf32, #tpu.memory_space<vmem>>) offsets(%arg11 : memref<128xi32, #tpu.memory_space<vmem>>) semaphore(%arg16 : memref<!tpu.dma_semaphore, #tpu.memory_space<semaphore_mem>>)
        %dma_wait3A = arith.constant 0 : i32
        %dma_wait3A_28 = arith.constant 0 : i32
        %dma_wait3A_29 = tpu.memref_slice %arg5[%dma_wait3A, %dma_wait3A_28] : memref<10240x128xf32, #tpu.memory_space<hbm>> -> memref<10240x128xf32, #tpu.memory_space<hbm>>
        tpu.wait_indirect_dma semaphore(%arg15 : memref<!tpu.dma_semaphore, #tpu.memory_space<semaphore_mem>>) src(%dma_wait3A_29 : memref<10240x128xf32, #tpu.memory_space<hbm>>) dst(%arg13 : memref<128x128xf32, #tpu.memory_space<vmem>>)
        "tpu.region"() ({
          %run_scoped3A_33 = tpu.sem_alloc : memref<!tpu.dma_semaphore, #tpu.memory_space<semaphore_mem>>
          %dma_start3A_34 = arith.constant 0 : i32
          %dma_start3A_35 = arith.constant 0 : i32
          %dma_start3A_36 = tpu.memref_slice %arg8[%dma_start3A_34, %dma_start3A_35] : memref<10240x128xf32, #tpu.memory_space<vmem_shared>> -> memref<10240x128xf32, #tpu.memory_space<vmem_shared>>
          tpu.enqueue_indirect_dma source(%arg13 : memref<128x128xf32, #tpu.memory_space<vmem>>) target(%dma_start3A_36 : memref<10240x128xf32, #tpu.memory_space<vmem_shared>>) offsets(%arg10 : memref<128xi32, #tpu.memory_space<vmem>>) semaphore(%run_scoped3A_33 : memref<!tpu.dma_semaphore, #tpu.memory_space<semaphore_mem>>) {add = true}
          %dma_wait3A_37 = arith.constant 0 : i32
          %dma_wait3A_38 = arith.constant 0 : i32
          %dma_wait3A_39 = tpu.memref_slice %arg8[%dma_wait3A_37, %dma_wait3A_38] : memref<10240x128xf32, #tpu.memory_space<vmem_shared>> -> memref<10240x128xf32, #tpu.memory_space<vmem_shared>>
          tpu.wait_indirect_dma semaphore(%run_scoped3A_33 : memref<!tpu.dma_semaphore, #tpu.memory_space<semaphore_mem>>) src(%arg13 : memref<128x128xf32, #tpu.memory_space<vmem>>) dst(%dma_wait3A_39 : memref<10240x128xf32, #tpu.memory_space<vmem_shared>>)
          tpu.yield
        }) : () -> ()
        %dma_wait3A_30 = arith.constant 0 : i32
        %dma_wait3A_31 = arith.constant 0 : i32
        %dma_wait3A_32 = tpu.memref_slice %arg5[%dma_wait3A_30, %dma_wait3A_31] : memref<10240x128xf32, #tpu.memory_space<hbm>> -> memref<10240x128xf32, #tpu.memory_space<hbm>>
        tpu.wait_indirect_dma semaphore(%arg16 : memref<!tpu.dma_semaphore, #tpu.memory_space<semaphore_mem>>) src(%dma_wait3A_32 : memref<10240x128xf32, #tpu.memory_space<hbm>>) dst(%arg14 : memref<128x128xf32, #tpu.memory_space<vmem>>)
        "tpu.region"() ({
          %run_scoped3A_33 = tpu.sem_alloc : memref<!tpu.dma_semaphore, #tpu.memory_space<semaphore_mem>>
          %dma_start3A_34 = arith.constant 0 : i32
          %dma_start3A_35 = arith.constant 0 : i32
          %dma_start3A_36 = tpu.memref_slice %arg8[%dma_start3A_34, %dma_start3A_35] : memref<10240x128xf32, #tpu.memory_space<vmem_shared>> -> memref<10240x128xf32, #tpu.memory_space<vmem_shared>>
          tpu.enqueue_indirect_dma source(%arg14 : memref<128x128xf32, #tpu.memory_space<vmem>>) target(%dma_start3A_36 : memref<10240x128xf32, #tpu.memory_space<vmem_shared>>) offsets(%arg12 : memref<128xi32, #tpu.memory_space<vmem>>) semaphore(%run_scoped3A_33 : memref<!tpu.dma_semaphore, #tpu.memory_space<semaphore_mem>>) {add = true}
          %dma_wait3A_37 = arith.constant 0 : i32
          %dma_wait3A_38 = arith.constant 0 : i32
          %dma_wait3A_39 = tpu.memref_slice %arg8[%dma_wait3A_37, %dma_wait3A_38] : memref<10240x128xf32, #tpu.memory_space<vmem_shared>> -> memref<10240x128xf32, #tpu.memory_space<vmem_shared>>
          tpu.wait_indirect_dma semaphore(%run_scoped3A_33 : memref<!tpu.dma_semaphore, #tpu.memory_space<semaphore_mem>>) src(%arg14 : memref<128x128xf32, #tpu.memory_space<vmem>>) dst(%dma_wait3A_39 : memref<10240x128xf32, #tpu.memory_space<vmem_shared>>)
          tpu.yield
        }) : () -> ()
      }
      %scan3A_12 = arith.constant 79 : i32
      %barrier3A_13 = arith.constant 0 : index
      tpu.barrier barrier_id(%barrier3A_13)
      "tpu.region"() ({
        %run_scoped3A = tpu.sem_alloc : memref<!tpu.dma_semaphore, #tpu.memory_space<semaphore_mem>>
        %dma_start3A = arith.constant 0 : i32
        %dma_start3A_14 = tpu.memref_slice %arg7[%mul3A_7, %dma_start3A] : memref<10240x128xf32, #tpu.memory_space<hbm>> -> memref<640x128xf32, #tpu.memory_space<hbm>>
        %dma_start3A_15 = arith.constant 0 : i32
        %dma_start3A_16 = tpu.memref_slice %arg8[%mul3A_7, %dma_start3A_15] : memref<10240x128xf32, #tpu.memory_space<vmem_shared>> -> memref<640x128xf32, #tpu.memory_space<vmem_shared>>
        tpu.enqueue_dma source(%dma_start3A_16 : memref<640x128xf32, #tpu.memory_space<vmem_shared>>) target(%dma_start3A_14 : memref<640x128xf32, #tpu.memory_space<hbm>>) target_semaphore(%run_scoped3A : memref<!tpu.dma_semaphore, #tpu.memory_space<semaphore_mem>>)
        %dma_wait3A = arith.constant 0 : i32
        %dma_wait3A_17 = tpu.memref_slice %arg7[%mul3A_7, %dma_wait3A] : memref<10240x128xf32, #tpu.memory_space<hbm>> -> memref<640x128xf32, #tpu.memory_space<hbm>>
        %dma_wait3A_18 = arith.constant 0 : i32
        %dma_wait3A_19 = tpu.memref_slice %arg8[%mul3A_7, %dma_wait3A_18] : memref<10240x128xf32, #tpu.memory_space<vmem_shared>> -> memref<640x128xf32, #tpu.memory_space<vmem_shared>>
        tpu.wait_dma2 semaphore(%run_scoped3A : memref<!tpu.dma_semaphore, #tpu.memory_space<semaphore_mem>>) src(%dma_wait3A_19 : memref<640x128xf32, #tpu.memory_space<vmem_shared>>) dst(%dma_wait3A_17 : memref<640x128xf32, #tpu.memory_space<hbm>>)
        tpu.yield
      }) : () -> ()
    } else {
    }
    return
  }
}

#map = affine_map<(d0, d1) -> (0, 0, 0, 0)>
#map1 = affine_map<(d0, d1) -> (0, 0)>
module attributes {stable_mosaic.version = 14 : i64} {
  func.func @prop_kernel(%arg0: i32, %arg1: i32, %arg2: memref<16x158x2x128xi32, #tpu.memory_space<hbm>>, %arg3: memref<16x158x2x128xi32, #tpu.memory_space<hbm>>, %arg4: memref<10240x128xf32, #tpu.memory_space<hbm>>, %arg5: memref<10240x128xf32, #tpu.memory_space<hbm>>, %arg6: memref<10240x128xf32, #tpu.memory_space<hbm>>, %arg7: memref<10240x128xf32, #tpu.memory_space<hbm>>, %arg8: memref<10240x128xf32, #tpu.memory_space<vmem_shared>>, %arg9: memref<128xi32, #tpu.memory_space<vmem>>, %arg10: memref<128xi32, #tpu.memory_space<vmem>>, %arg11: memref<128xi32, #tpu.memory_space<vmem>>, %arg12: memref<128xi32, #tpu.memory_space<vmem>>, %arg13: memref<128x128xf32, #tpu.memory_space<vmem>>, %arg14: memref<128x128xf32, #tpu.memory_space<vmem>>, %arg15: memref<!tpu.dma_semaphore, #tpu.memory_space<semaphore_mem>>, %arg16: memref<!tpu.dma_semaphore, #tpu.memory_space<semaphore_mem>>) attributes {dimension_semantics = [#tpu.dimension_semantics<core_parallel>, #tpu.dimension_semantics<subcore_parallel>], iteration_bounds = array<i64: 2, 16>, scalar_prefetch = 0 : i64, scratch_operands = 9 : i64, tpu.core_type = #tpu.core_type<sc_vector_subcore>, window_params = [{transform_indices = #map}, {transform_indices = #map}, {transform_indices = #map1}, {transform_indices = #map1}, {transform_indices = #map1}, {transform_indices = #map1}]} {
    %eq3A = arith.constant 0 : i32
    %eq3A_0 = arith.cmpi eq, %arg0, %eq3A : i32
    %convert_element_type3A = arith.extui %eq3A_0 : i1 to i32
    %cond3A = arith.constant 0 : i32
    %cond3A_1 = arith.cmpi ne, %convert_element_type3A, %cond3A : i32
    scf.if %cond3A_1 {
      %mul3A = arith.constant 640 : i32
      %mul3A_7 = arith.muli %arg1, %mul3A : i32
      "tpu.region"() ({
        %run_scoped3A = tpu.sem_alloc : memref<!tpu.dma_semaphore, #tpu.memory_space<semaphore_mem>>
        %dma_start3A = arith.constant 0 : i32
        %dma_start3A_14 = tpu.memref_slice %arg8[%mul3A_7, %dma_start3A] : memref<10240x128xf32, #tpu.memory_space<vmem_shared>> -> memref<640x128xf32, #tpu.memory_space<vmem_shared>>
        %dma_start3A_15 = arith.constant 0 : i32
        %dma_start3A_16 = tpu.memref_slice %arg4[%mul3A_7, %dma_start3A_15] : memref<10240x128xf32, #tpu.memory_space<hbm>> -> memref<640x128xf32, #tpu.memory_space<hbm>>
        tpu.enqueue_dma source(%dma_start3A_16 : memref<640x128xf32, #tpu.memory_space<hbm>>) target(%dma_start3A_14 : memref<640x128xf32, #tpu.memory_space<vmem_shared>>) target_semaphore(%run_scoped3A : memref<!tpu.dma_semaphore, #tpu.memory_space<semaphore_mem>>)
        %dma_wait3A = arith.constant 0 : i32
        %dma_wait3A_17 = tpu.memref_slice %arg8[%mul3A_7, %dma_wait3A] : memref<10240x128xf32, #tpu.memory_space<vmem_shared>> -> memref<640x128xf32, #tpu.memory_space<vmem_shared>>
        %dma_wait3A_18 = arith.constant 0 : i32
        %dma_wait3A_19 = tpu.memref_slice %arg4[%mul3A_7, %dma_wait3A_18] : memref<10240x128xf32, #tpu.memory_space<hbm>> -> memref<640x128xf32, #tpu.memory_space<hbm>>
        tpu.wait_dma2 semaphore(%run_scoped3A : memref<!tpu.dma_semaphore, #tpu.memory_space<semaphore_mem>>) src(%dma_wait3A_19 : memref<640x128xf32, #tpu.memory_space<hbm>>) dst(%dma_wait3A_17 : memref<640x128xf32, #tpu.memory_space<vmem_shared>>)
        tpu.yield
      }) : () -> ()
      %barrier3A = arith.constant 0 : index
      tpu.barrier barrier_id(%barrier3A)
      %scan3A = arith.constant 0 : i32
      %scan3A_8 = arith.constant 0 : i32
      %scan3A_9 = arith.constant 79 : i32
      %scan3A_10 = arith.addi %scan3A_8, %scan3A_9 : i32
      %scan3A_11 = arith.constant 1 : i32
      scf.for %scan3A_14 = %scan3A_8 to %scan3A_10 step %scan3A_11  : i32 {
        %mul3A_15 = arith.constant 2 : i32
        %mul3A_16 = arith.muli %mul3A_15, %scan3A_14 : i32
        %run_scoped3A = arith.constant 0 : i32
        "tpu.region"() ({
          %run_scoped3A_33 = tpu.sem_alloc : memref<!tpu.dma_semaphore, #tpu.memory_space<semaphore_mem>>
          %dma_start3A_34 = arith.constant 0 : i32
          %dma_start3A_35 = tpu.memref_slice %arg2[%arg1, %mul3A_16, %run_scoped3A, %dma_start3A_34] : memref<16x158x2x128xi32, #tpu.memory_space<hbm>> -> memref<1x1x1x128xi32, #tpu.memory_space<hbm>>
          %dma_start3A_36 = tpu.memref_squeeze %dma_start3A_35 : memref<1x1x1x128xi32, #tpu.memory_space<hbm>> -> memref<128xi32, #tpu.memory_space<hbm>>
          %dma_start3A_37 = arith.constant 0 : i32
          %dma_start3A_38 = tpu.memref_slice %arg2[%arg1, %mul3A_16, %run_scoped3A, %dma_start3A_37] : memref<16x158x2x128xi32, #tpu.memory_space<hbm>> -> memref<1x1x1x128xi32, #tpu.memory_space<hbm>>
          %dma_start3A_39 = tpu.memref_squeeze %dma_start3A_38 : memref<1x1x1x128xi32, #tpu.memory_space<hbm>> -> memref<128xi32, #tpu.memory_space<hbm>>
          tpu.enqueue_dma source(%dma_start3A_39 : memref<128xi32, #tpu.memory_space<hbm>>) target(%arg9 : memref<128xi32, #tpu.memory_space<vmem>>) target_semaphore(%run_scoped3A_33 : memref<!tpu.dma_semaphore, #tpu.memory_space<semaphore_mem>>)
          %dma_wait3A_40 = arith.constant 0 : i32
          %dma_wait3A_41 = tpu.memref_slice %arg2[%arg1, %mul3A_16, %run_scoped3A, %dma_wait3A_40] : memref<16x158x2x128xi32, #tpu.memory_space<hbm>> -> memref<1x1x1x128xi32, #tpu.memory_space<hbm>>
          %dma_wait3A_42 = tpu.memref_squeeze %dma_wait3A_41 : memref<1x1x1x128xi32, #tpu.memory_space<hbm>> -> memref<128xi32, #tpu.memory_space<hbm>>
          %dma_wait3A_43 = arith.constant 0 : i32
          %dma_wait3A_44 = tpu.memref_slice %arg2[%arg1, %mul3A_16, %run_scoped3A, %dma_wait3A_43] : memref<16x158x2x128xi32, #tpu.memory_space<hbm>> -> memref<1x1x1x128xi32, #tpu.memory_space<hbm>>
          %dma_wait3A_45 = tpu.memref_squeeze %dma_wait3A_44 : memref<1x1x1x128xi32, #tpu.memory_space<hbm>> -> memref<128xi32, #tpu.memory_space<hbm>>
          tpu.wait_dma2 semaphore(%run_scoped3A_33 : memref<!tpu.dma_semaphore, #tpu.memory_space<semaphore_mem>>) src(%dma_wait3A_45 : memref<128xi32, #tpu.memory_space<hbm>>) dst(%arg9 : memref<128xi32, #tpu.memory_space<vmem>>)
          tpu.yield
        }) : () -> ()
        %run_scoped3A_17 = arith.constant 1 : i32
        "tpu.region"() ({
          %run_scoped3A_33 = tpu.sem_alloc : memref<!tpu.dma_semaphore, #tpu.memory_space<semaphore_mem>>
          %dma_start3A_34 = arith.constant 0 : i32
          %dma_start3A_35 = tpu.memref_slice %arg2[%arg1, %mul3A_16, %run_scoped3A_17, %dma_start3A_34] : memref<16x158x2x128xi32, #tpu.memory_space<hbm>> -> memref<1x1x1x128xi32, #tpu.memory_space<hbm>>
          %dma_start3A_36 = tpu.memref_squeeze %dma_start3A_35 : memref<1x1x1x128xi32, #tpu.memory_space<hbm>> -> memref<128xi32, #tpu.memory_space<hbm>>
          %dma_start3A_37 = arith.constant 0 : i32
          %dma_start3A_38 = tpu.memref_slice %arg2[%arg1, %mul3A_16, %run_scoped3A_17, %dma_start3A_37] : memref<16x158x2x128xi32, #tpu.memory_space<hbm>> -> memref<1x1x1x128xi32, #tpu.memory_space<hbm>>
          %dma_start3A_39 = tpu.memref_squeeze %dma_start3A_38 : memref<1x1x1x128xi32, #tpu.memory_space<hbm>> -> memref<128xi32, #tpu.memory_space<hbm>>
          tpu.enqueue_dma source(%dma_start3A_39 : memref<128xi32, #tpu.memory_space<hbm>>) target(%arg10 : memref<128xi32, #tpu.memory_space<vmem>>) target_semaphore(%run_scoped3A_33 : memref<!tpu.dma_semaphore, #tpu.memory_space<semaphore_mem>>)
          %dma_wait3A_40 = arith.constant 0 : i32
          %dma_wait3A_41 = tpu.memref_slice %arg2[%arg1, %mul3A_16, %run_scoped3A_17, %dma_wait3A_40] : memref<16x158x2x128xi32, #tpu.memory_space<hbm>> -> memref<1x1x1x128xi32, #tpu.memory_space<hbm>>
          %dma_wait3A_42 = tpu.memref_squeeze %dma_wait3A_41 : memref<1x1x1x128xi32, #tpu.memory_space<hbm>> -> memref<128xi32, #tpu.memory_space<hbm>>
          %dma_wait3A_43 = arith.constant 0 : i32
          %dma_wait3A_44 = tpu.memref_slice %arg2[%arg1, %mul3A_16, %run_scoped3A_17, %dma_wait3A_43] : memref<16x158x2x128xi32, #tpu.memory_space<hbm>> -> memref<1x1x1x128xi32, #tpu.memory_space<hbm>>
          %dma_wait3A_45 = tpu.memref_squeeze %dma_wait3A_44 : memref<1x1x1x128xi32, #tpu.memory_space<hbm>> -> memref<128xi32, #tpu.memory_space<hbm>>
          tpu.wait_dma2 semaphore(%run_scoped3A_33 : memref<!tpu.dma_semaphore, #tpu.memory_space<semaphore_mem>>) src(%dma_wait3A_45 : memref<128xi32, #tpu.memory_space<hbm>>) dst(%arg10 : memref<128xi32, #tpu.memory_space<vmem>>)
          tpu.yield
        }) : () -> ()
        %dma_start3A = arith.constant 0 : i32
        %dma_start3A_18 = arith.constant 0 : i32
        %dma_start3A_19 = tpu.memref_slice %arg4[%dma_start3A, %dma_start3A_18] : memref<10240x128xf32, #tpu.memory_space<hbm>> -> memref<10240x128xf32, #tpu.memory_space<hbm>>
        tpu.enqueue_indirect_dma source(%dma_start3A_19 : memref<10240x128xf32, #tpu.memory_space<hbm>>) target(%arg13 : memref<128x128xf32, #tpu.memory_space<vmem>>) offsets(%arg9 : memref<128xi32, #tpu.memory_space<vmem>>) semaphore(%arg15 : memref<!tpu.dma_semaphore, #tpu.memory_space<semaphore_mem>>)
        %add3A = arith.constant 1 : i32
        %add3A_20 = arith.addi %mul3A_16, %add3A : i32
        %run_scoped3A_21 = arith.constant 0 : i32
        "tpu.region"() ({
          %run_scoped3A_33 = tpu.sem_alloc : memref<!tpu.dma_semaphore, #tpu.memory_space<semaphore_mem>>
          %dma_start3A_34 = arith.constant 0 : i32
          %dma_start3A_35 = tpu.memref_slice %arg2[%arg1, %add3A_20, %run_scoped3A_21, %dma_start3A_34] : memref<16x158x2x128xi32, #tpu.memory_space<hbm>> -> memref<1x1x1x128xi32, #tpu.memory_space<hbm>>
          %dma_start3A_36 = tpu.memref_squeeze %dma_start3A_35 : memref<1x1x1x128xi32, #tpu.memory_space<hbm>> -> memref<128xi32, #tpu.memory_space<hbm>>
          %dma_start3A_37 = arith.constant 0 : i32
          %dma_start3A_38 = tpu.memref_slice %arg2[%arg1, %add3A_20, %run_scoped3A_21, %dma_start3A_37] : memref<16x158x2x128xi32, #tpu.memory_space<hbm>> -> memref<1x1x1x128xi32, #tpu.memory_space<hbm>>
          %dma_start3A_39 = tpu.memref_squeeze %dma_start3A_38 : memref<1x1x1x128xi32, #tpu.memory_space<hbm>> -> memref<128xi32, #tpu.memory_space<hbm>>
          tpu.enqueue_dma source(%dma_start3A_39 : memref<128xi32, #tpu.memory_space<hbm>>) target(%arg11 : memref<128xi32, #tpu.memory_space<vmem>>) target_semaphore(%run_scoped3A_33 : memref<!tpu.dma_semaphore, #tpu.memory_space<semaphore_mem>>)
          %dma_wait3A_40 = arith.constant 0 : i32
          %dma_wait3A_41 = tpu.memref_slice %arg2[%arg1, %add3A_20, %run_scoped3A_21, %dma_wait3A_40] : memref<16x158x2x128xi32, #tpu.memory_space<hbm>> -> memref<1x1x1x128xi32, #tpu.memory_space<hbm>>
          %dma_wait3A_42 = tpu.memref_squeeze %dma_wait3A_41 : memref<1x1x1x128xi32, #tpu.memory_space<hbm>> -> memref<128xi32, #tpu.memory_space<hbm>>
          %dma_wait3A_43 = arith.constant 0 : i32
          %dma_wait3A_44 = tpu.memref_slice %arg2[%arg1, %add3A_20, %run_scoped3A_21, %dma_wait3A_43] : memref<16x158x2x128xi32, #tpu.memory_space<hbm>> -> memref<1x1x1x128xi32, #tpu.memory_space<hbm>>
          %dma_wait3A_45 = tpu.memref_squeeze %dma_wait3A_44 : memref<1x1x1x128xi32, #tpu.memory_space<hbm>> -> memref<128xi32, #tpu.memory_space<hbm>>
          tpu.wait_dma2 semaphore(%run_scoped3A_33 : memref<!tpu.dma_semaphore, #tpu.memory_space<semaphore_mem>>) src(%dma_wait3A_45 : memref<128xi32, #tpu.memory_space<hbm>>) dst(%arg11 : memref<128xi32, #tpu.memory_space<vmem>>)
          tpu.yield
        }) : () -> ()
        %add3A_22 = arith.constant 1 : i32
        %add3A_23 = arith.addi %mul3A_16, %add3A_22 : i32
        %run_scoped3A_24 = arith.constant 1 : i32
        "tpu.region"() ({
          %run_scoped3A_33 = tpu.sem_alloc : memref<!tpu.dma_semaphore, #tpu.memory_space<semaphore_mem>>
          %dma_start3A_34 = arith.constant 0 : i32
          %dma_start3A_35 = tpu.memref_slice %arg2[%arg1, %add3A_23, %run_scoped3A_24, %dma_start3A_34] : memref<16x158x2x128xi32, #tpu.memory_space<hbm>> -> memref<1x1x1x128xi32, #tpu.memory_space<hbm>>
          %dma_start3A_36 = tpu.memref_squeeze %dma_start3A_35 : memref<1x1x1x128xi32, #tpu.memory_space<hbm>> -> memref<128xi32, #tpu.memory_space<hbm>>
          %dma_start3A_37 = arith.constant 0 : i32
          %dma_start3A_38 = tpu.memref_slice %arg2[%arg1, %add3A_23, %run_scoped3A_24, %dma_start3A_37] : memref<16x158x2x128xi32, #tpu.memory_space<hbm>> -> memref<1x1x1x128xi32, #tpu.memory_space<hbm>>
          %dma_start3A_39 = tpu.memref_squeeze %dma_start3A_38 : memref<1x1x1x128xi32, #tpu.memory_space<hbm>> -> memref<128xi32, #tpu.memory_space<hbm>>
          tpu.enqueue_dma source(%dma_start3A_39 : memref<128xi32, #tpu.memory_space<hbm>>) target(%arg12 : memref<128xi32, #tpu.memory_space<vmem>>) target_semaphore(%run_scoped3A_33 : memref<!tpu.dma_semaphore, #tpu.memory_space<semaphore_mem>>)
          %dma_wait3A_40 = arith.constant 0 : i32
          %dma_wait3A_41 = tpu.memref_slice %arg2[%arg1, %add3A_23, %run_scoped3A_24, %dma_wait3A_40] : memref<16x158x2x128xi32, #tpu.memory_space<hbm>> -> memref<1x1x1x128xi32, #tpu.memory_space<hbm>>
          %dma_wait3A_42 = tpu.memref_squeeze %dma_wait3A_41 : memref<1x1x1x128xi32, #tpu.memory_space<hbm>> -> memref<128xi32, #tpu.memory_space<hbm>>
          %dma_wait3A_43 = arith.constant 0 : i32
          %dma_wait3A_44 = tpu.memref_slice %arg2[%arg1, %add3A_23, %run_scoped3A_24, %dma_wait3A_43] : memref<16x158x2x128xi32, #tpu.memory_space<hbm>> -> memref<1x1x1x128xi32, #tpu.memory_space<hbm>>
          %dma_wait3A_45 = tpu.memref_squeeze %dma_wait3A_44 : memref<1x1x1x128xi32, #tpu.memory_space<hbm>> -> memref<128xi32, #tpu.memory_space<hbm>>
          tpu.wait_dma2 semaphore(%run_scoped3A_33 : memref<!tpu.dma_semaphore, #tpu.memory_space<semaphore_mem>>) src(%dma_wait3A_45 : memref<128xi32, #tpu.memory_space<hbm>>) dst(%arg12 : memref<128xi32, #tpu.memory_space<vmem>>)
          tpu.yield
        }) : () -> ()
        %dma_start3A_25 = arith.constant 0 : i32
        %dma_start3A_26 = arith.constant 0 : i32
        %dma_start3A_27 = tpu.memref_slice %arg4[%dma_start3A_25, %dma_start3A_26] : memref<10240x128xf32, #tpu.memory_space<hbm>> -> memref<10240x128xf32, #tpu.memory_space<hbm>>
        tpu.enqueue_indirect_dma source(%dma_start3A_27 : memref<10240x128xf32, #tpu.memory_space<hbm>>) target(%arg14 : memref<128x128xf32, #tpu.memory_space<vmem>>) offsets(%arg11 : memref<128xi32, #tpu.memory_space<vmem>>) semaphore(%arg16 : memref<!tpu.dma_semaphore, #tpu.memory_space<semaphore_mem>>)
        %dma_wait3A = arith.constant 0 : i32
        %dma_wait3A_28 = arith.constant 0 : i32
        %dma_wait3A_29 = tpu.memref_slice %arg4[%dma_wait3A, %dma_wait3A_28] : memref<10240x128xf32, #tpu.memory_space<hbm>> -> memref<10240x128xf32, #tpu.memory_space<hbm>>
        tpu.wait_indirect_dma semaphore(%arg15 : memref<!tpu.dma_semaphore, #tpu.memory_space<semaphore_mem>>) src(%dma_wait3A_29 : memref<10240x128xf32, #tpu.memory_space<hbm>>) dst(%arg13 : memref<128x128xf32, #tpu.memory_space<vmem>>)
        "tpu.region"() ({
          %run_scoped3A_33 = tpu.sem_alloc : memref<!tpu.dma_semaphore, #tpu.memory_space<semaphore_mem>>
          %dma_start3A_34 = arith.constant 0 : i32
          %dma_start3A_35 = arith.constant 0 : i32
          %dma_start3A_36 = tpu.memref_slice %arg8[%dma_start3A_34, %dma_start3A_35] : memref<10240x128xf32, #tpu.memory_space<vmem_shared>> -> memref<10240x128xf32, #tpu.memory_space<vmem_shared>>
          tpu.enqueue_indirect_dma source(%arg13 : memref<128x128xf32, #tpu.memory_space<vmem>>) target(%dma_start3A_36 : memref<10240x128xf32, #tpu.memory_space<vmem_shared>>) offsets(%arg10 : memref<128xi32, #tpu.memory_space<vmem>>) semaphore(%run_scoped3A_33 : memref<!tpu.dma_semaphore, #tpu.memory_space<semaphore_mem>>) {add = true}
          %dma_wait3A_37 = arith.constant 0 : i32
          %dma_wait3A_38 = arith.constant 0 : i32
          %dma_wait3A_39 = tpu.memref_slice %arg8[%dma_wait3A_37, %dma_wait3A_38] : memref<10240x128xf32, #tpu.memory_space<vmem_shared>> -> memref<10240x128xf32, #tpu.memory_space<vmem_shared>>
          tpu.wait_indirect_dma semaphore(%run_scoped3A_33 : memref<!tpu.dma_semaphore, #tpu.memory_space<semaphore_mem>>) src(%arg13 : memref<128x128xf32, #tpu.memory_space<vmem>>) dst(%dma_wait3A_39 : memref<10240x128xf32, #tpu.memory_space<vmem_shared>>)
          tpu.yield
        }) : () -> ()
        %dma_wait3A_30 = arith.constant 0 : i32
        %dma_wait3A_31 = arith.constant 0 : i32
        %dma_wait3A_32 = tpu.memref_slice %arg4[%dma_wait3A_30, %dma_wait3A_31] : memref<10240x128xf32, #tpu.memory_space<hbm>> -> memref<10240x128xf32, #tpu.memory_space<hbm>>
        tpu.wait_indirect_dma semaphore(%arg16 : memref<!tpu.dma_semaphore, #tpu.memory_space<semaphore_mem>>) src(%dma_wait3A_32 : memref<10240x128xf32, #tpu.memory_space<hbm>>) dst(%arg14 : memref<128x128xf32, #tpu.memory_space<vmem>>)
        "tpu.region"() ({
          %run_scoped3A_33 = tpu.sem_alloc : memref<!tpu.dma_semaphore, #tpu.memory_space<semaphore_mem>>
          %dma_start3A_34 = arith.constant 0 : i32
          %dma_start3A_35 = arith.constant 0 : i32
          %dma_start3A_36 = tpu.memref_slice %arg8[%dma_start3A_34, %dma_start3A_35] : memref<10240x128xf32, #tpu.memory_space<vmem_shared>> -> memref<10240x128xf32, #tpu.memory_space<vmem_shared>>
          tpu.enqueue_indirect_dma source(%arg14 : memref<128x128xf32, #tpu.memory_space<vmem>>) target(%dma_start3A_36 : memref<10240x128xf32, #tpu.memory_space<vmem_shared>>) offsets(%arg12 : memref<128xi32, #tpu.memory_space<vmem>>) semaphore(%run_scoped3A_33 : memref<!tpu.dma_semaphore, #tpu.memory_space<semaphore_mem>>) {add = true}
          %dma_wait3A_37 = arith.constant 0 : i32
          %dma_wait3A_38 = arith.constant 0 : i32
          %dma_wait3A_39 = tpu.memref_slice %arg8[%dma_wait3A_37, %dma_wait3A_38] : memref<10240x128xf32, #tpu.memory_space<vmem_shared>> -> memref<10240x128xf32, #tpu.memory_space<vmem_shared>>
          tpu.wait_indirect_dma semaphore(%run_scoped3A_33 : memref<!tpu.dma_semaphore, #tpu.memory_space<semaphore_mem>>) src(%arg14 : memref<128x128xf32, #tpu.memory_space<vmem>>) dst(%dma_wait3A_39 : memref<10240x128xf32, #tpu.memory_space<vmem_shared>>)
          tpu.yield
        }) : () -> ()
      }
      %scan3A_12 = arith.constant 79 : i32
      %barrier3A_13 = arith.constant 0 : index
      tpu.barrier barrier_id(%barrier3A_13)
      "tpu.region"() ({
        %run_scoped3A = tpu.sem_alloc : memref<!tpu.dma_semaphore, #tpu.memory_space<semaphore_mem>>
        %dma_start3A = arith.constant 0 : i32
        %dma_start3A_14 = tpu.memref_slice %arg6[%mul3A_7, %dma_start3A] : memref<10240x128xf32, #tpu.memory_space<hbm>> -> memref<640x128xf32, #tpu.memory_space<hbm>>
        %dma_start3A_15 = arith.constant 0 : i32
        %dma_start3A_16 = tpu.memref_slice %arg8[%mul3A_7, %dma_start3A_15] : memref<10240x128xf32, #tpu.memory_space<vmem_shared>> -> memref<640x128xf32, #tpu.memory_space<vmem_shared>>
        tpu.enqueue_dma source(%dma_start3A_16 : memref<640x128xf32, #tpu.memory_space<vmem_shared>>) target(%dma_start3A_14 : memref<640x128xf32, #tpu.memory_space<hbm>>) target_semaphore(%run_scoped3A : memref<!tpu.dma_semaphore, #tpu.memory_space<semaphore_mem>>)
        %dma_wait3A = arith.constant 0 : i32
        %dma_wait3A_17 = tpu.memref_slice %arg6[%mul3A_7, %dma_wait3A] : memref<10240x128xf32, #tpu.memory_space<hbm>> -> memref<640x128xf32, #tpu.memory_space<hbm>>
        %dma_wait3A_18 = arith.constant 0 : i32
        %dma_wait3A_19 = tpu.memref_slice %arg8[%mul3A_7, %dma_wait3A_18] : memref<10240x128xf32, #tpu.memory_space<vmem_shared>> -> memref<640x128xf32, #tpu.memory_space<vmem_shared>>
        tpu.wait_dma2 semaphore(%run_scoped3A : memref<!tpu.dma_semaphore, #tpu.memory_space<semaphore_mem>>) src(%dma_wait3A_19 : memref<640x128xf32, #tpu.memory_space<vmem_shared>>) dst(%dma_wait3A_17 : memref<640x128xf32, #tpu.memory_space<hbm>>)
        tpu.yield
      }) : () -> ()
    } else {
    }
    %eq3A_2 = arith.constant 1 : i32
    %eq3A_3 = arith.cmpi eq, %arg0, %eq3A_2 : i32
    %convert_element_type3A_4 = arith.extui %eq3A_3 : i1 to i32
    %cond3A_5 = arith.constant 0 : i32
    %cond3A_6 = arith.cmpi ne, %convert_element_type3A_4, %cond3A_5 : i32
    scf.if %cond3A_6 {
      %mul3A = arith.constant 640 : i32
      %mul3A_7 = arith.muli %arg1, %mul3A : i32
      "tpu.region"() ({
        %run_scoped3A = tpu.sem_alloc : memref<!tpu.dma_semaphore, #tpu.memory_space<semaphore_mem>>
        %dma_start3A = arith.constant 0 : i32
        %dma_start3A_14 = tpu.memref_slice %arg8[%mul3A_7, %dma_start3A] : memref<10240x128xf32, #tpu.memory_space<vmem_shared>> -> memref<640x128xf32, #tpu.memory_space<vmem_shared>>
        %dma_start3A_15 = arith.constant 0 : i32
        %dma_start3A_16 = tpu.memref_slice %arg5[%mul3A_7, %dma_start3A_15] : memref<10240x128xf32, #tpu.memory_space<hbm>> -> memref<640x128xf32, #tpu.memory_space<hbm>>
        tpu.enqueue_dma source(%dma_start3A_16 : memref<640x128xf32, #tpu.memory_space<hbm>>) target(%dma_start3A_14 : memref<640x128xf32, #tpu.memory_space<vmem_shared>>) target_semaphore(%run_scoped3A : memref<!tpu.dma_semaphore, #tpu.memory_space<semaphore_mem>>)
        %dma_wait3A = arith.constant 0 : i32
        %dma_wait3A_17 = tpu.memref_slice %arg8[%mul3A_7, %dma_wait3A] : memref<10240x128xf32, #tpu.memory_space<vmem_shared>> -> memref<640x128xf32, #tpu.memory_space<vmem_shared>>
        %dma_wait3A_18 = arith.constant 0 : i32
        %dma_wait3A_19 = tpu.memref_slice %arg5[%mul3A_7, %dma_wait3A_18] : memref<10240x128xf32, #tpu.memory_space<hbm>> -> memref<640x128xf32, #tpu.memory_space<hbm>>
        tpu.wait_dma2 semaphore(%run_scoped3A : memref<!tpu.dma_semaphore, #tpu.memory_space<semaphore_mem>>) src(%dma_wait3A_19 : memref<640x128xf32, #tpu.memory_space<hbm>>) dst(%dma_wait3A_17 : memref<640x128xf32, #tpu.memory_space<vmem_shared>>)
        tpu.yield
      }) : () -> ()
      %barrier3A = arith.constant 0 : index
      tpu.barrier barrier_id(%barrier3A)
      %scan3A = arith.constant 0 : i32
      %scan3A_8 = arith.constant 0 : i32
      %scan3A_9 = arith.constant 79 : i32
      %scan3A_10 = arith.addi %scan3A_8, %scan3A_9 : i32
      %scan3A_11 = arith.constant 1 : i32
      scf.for %scan3A_14 = %scan3A_8 to %scan3A_10 step %scan3A_11  : i32 {
        %mul3A_15 = arith.constant 2 : i32
        %mul3A_16 = arith.muli %mul3A_15, %scan3A_14 : i32
        %run_scoped3A = arith.constant 0 : i32
        "tpu.region"() ({
          %run_scoped3A_33 = tpu.sem_alloc : memref<!tpu.dma_semaphore, #tpu.memory_space<semaphore_mem>>
          %dma_start3A_34 = arith.constant 0 : i32
          %dma_start3A_35 = tpu.memref_slice %arg3[%arg1, %mul3A_16, %run_scoped3A, %dma_start3A_34] : memref<16x158x2x128xi32, #tpu.memory_space<hbm>> -> memref<1x1x1x128xi32, #tpu.memory_space<hbm>>
          %dma_start3A_36 = tpu.memref_squeeze %dma_start3A_35 : memref<1x1x1x128xi32, #tpu.memory_space<hbm>> -> memref<128xi32, #tpu.memory_space<hbm>>
          %dma_start3A_37 = arith.constant 0 : i32
          %dma_start3A_38 = tpu.memref_slice %arg3[%arg1, %mul3A_16, %run_scoped3A, %dma_start3A_37] : memref<16x158x2x128xi32, #tpu.memory_space<hbm>> -> memref<1x1x1x128xi32, #tpu.memory_space<hbm>>
          %dma_start3A_39 = tpu.memref_squeeze %dma_start3A_38 : memref<1x1x1x128xi32, #tpu.memory_space<hbm>> -> memref<128xi32, #tpu.memory_space<hbm>>
          tpu.enqueue_dma source(%dma_start3A_39 : memref<128xi32, #tpu.memory_space<hbm>>) target(%arg9 : memref<128xi32, #tpu.memory_space<vmem>>) target_semaphore(%run_scoped3A_33 : memref<!tpu.dma_semaphore, #tpu.memory_space<semaphore_mem>>)
          %dma_wait3A_40 = arith.constant 0 : i32
          %dma_wait3A_41 = tpu.memref_slice %arg3[%arg1, %mul3A_16, %run_scoped3A, %dma_wait3A_40] : memref<16x158x2x128xi32, #tpu.memory_space<hbm>> -> memref<1x1x1x128xi32, #tpu.memory_space<hbm>>
          %dma_wait3A_42 = tpu.memref_squeeze %dma_wait3A_41 : memref<1x1x1x128xi32, #tpu.memory_space<hbm>> -> memref<128xi32, #tpu.memory_space<hbm>>
          %dma_wait3A_43 = arith.constant 0 : i32
          %dma_wait3A_44 = tpu.memref_slice %arg3[%arg1, %mul3A_16, %run_scoped3A, %dma_wait3A_43] : memref<16x158x2x128xi32, #tpu.memory_space<hbm>> -> memref<1x1x1x128xi32, #tpu.memory_space<hbm>>
          %dma_wait3A_45 = tpu.memref_squeeze %dma_wait3A_44 : memref<1x1x1x128xi32, #tpu.memory_space<hbm>> -> memref<128xi32, #tpu.memory_space<hbm>>
          tpu.wait_dma2 semaphore(%run_scoped3A_33 : memref<!tpu.dma_semaphore, #tpu.memory_space<semaphore_mem>>) src(%dma_wait3A_45 : memref<128xi32, #tpu.memory_space<hbm>>) dst(%arg9 : memref<128xi32, #tpu.memory_space<vmem>>)
          tpu.yield
        }) : () -> ()
        %run_scoped3A_17 = arith.constant 1 : i32
        "tpu.region"() ({
          %run_scoped3A_33 = tpu.sem_alloc : memref<!tpu.dma_semaphore, #tpu.memory_space<semaphore_mem>>
          %dma_start3A_34 = arith.constant 0 : i32
          %dma_start3A_35 = tpu.memref_slice %arg3[%arg1, %mul3A_16, %run_scoped3A_17, %dma_start3A_34] : memref<16x158x2x128xi32, #tpu.memory_space<hbm>> -> memref<1x1x1x128xi32, #tpu.memory_space<hbm>>
          %dma_start3A_36 = tpu.memref_squeeze %dma_start3A_35 : memref<1x1x1x128xi32, #tpu.memory_space<hbm>> -> memref<128xi32, #tpu.memory_space<hbm>>
          %dma_start3A_37 = arith.constant 0 : i32
          %dma_start3A_38 = tpu.memref_slice %arg3[%arg1, %mul3A_16, %run_scoped3A_17, %dma_start3A_37] : memref<16x158x2x128xi32, #tpu.memory_space<hbm>> -> memref<1x1x1x128xi32, #tpu.memory_space<hbm>>
          %dma_start3A_39 = tpu.memref_squeeze %dma_start3A_38 : memref<1x1x1x128xi32, #tpu.memory_space<hbm>> -> memref<128xi32, #tpu.memory_space<hbm>>
          tpu.enqueue_dma source(%dma_start3A_39 : memref<128xi32, #tpu.memory_space<hbm>>) target(%arg10 : memref<128xi32, #tpu.memory_space<vmem>>) target_semaphore(%run_scoped3A_33 : memref<!tpu.dma_semaphore, #tpu.memory_space<semaphore_mem>>)
          %dma_wait3A_40 = arith.constant 0 : i32
          %dma_wait3A_41 = tpu.memref_slice %arg3[%arg1, %mul3A_16, %run_scoped3A_17, %dma_wait3A_40] : memref<16x158x2x128xi32, #tpu.memory_space<hbm>> -> memref<1x1x1x128xi32, #tpu.memory_space<hbm>>
          %dma_wait3A_42 = tpu.memref_squeeze %dma_wait3A_41 : memref<1x1x1x128xi32, #tpu.memory_space<hbm>> -> memref<128xi32, #tpu.memory_space<hbm>>
          %dma_wait3A_43 = arith.constant 0 : i32
          %dma_wait3A_44 = tpu.memref_slice %arg3[%arg1, %mul3A_16, %run_scoped3A_17, %dma_wait3A_43] : memref<16x158x2x128xi32, #tpu.memory_space<hbm>> -> memref<1x1x1x128xi32, #tpu.memory_space<hbm>>
          %dma_wait3A_45 = tpu.memref_squeeze %dma_wait3A_44 : memref<1x1x1x128xi32, #tpu.memory_space<hbm>> -> memref<128xi32, #tpu.memory_space<hbm>>
          tpu.wait_dma2 semaphore(%run_scoped3A_33 : memref<!tpu.dma_semaphore, #tpu.memory_space<semaphore_mem>>) src(%dma_wait3A_45 : memref<128xi32, #tpu.memory_space<hbm>>) dst(%arg10 : memref<128xi32, #tpu.memory_space<vmem>>)
          tpu.yield
        }) : () -> ()
        %dma_start3A = arith.constant 0 : i32
        %dma_start3A_18 = arith.constant 0 : i32
        %dma_start3A_19 = tpu.memref_slice %arg5[%dma_start3A, %dma_start3A_18] : memref<10240x128xf32, #tpu.memory_space<hbm>> -> memref<10240x128xf32, #tpu.memory_space<hbm>>
        tpu.enqueue_indirect_dma source(%dma_start3A_19 : memref<10240x128xf32, #tpu.memory_space<hbm>>) target(%arg13 : memref<128x128xf32, #tpu.memory_space<vmem>>) offsets(%arg9 : memref<128xi32, #tpu.memory_space<vmem>>) semaphore(%arg15 : memref<!tpu.dma_semaphore, #tpu.memory_space<semaphore_mem>>)
        %add3A = arith.constant 1 : i32
        %add3A_20 = arith.addi %mul3A_16, %add3A : i32
        %run_scoped3A_21 = arith.constant 0 : i32
        "tpu.region"() ({
          %run_scoped3A_33 = tpu.sem_alloc : memref<!tpu.dma_semaphore, #tpu.memory_space<semaphore_mem>>
          %dma_start3A_34 = arith.constant 0 : i32
          %dma_start3A_35 = tpu.memref_slice %arg3[%arg1, %add3A_20, %run_scoped3A_21, %dma_start3A_34] : memref<16x158x2x128xi32, #tpu.memory_space<hbm>> -> memref<1x1x1x128xi32, #tpu.memory_space<hbm>>
          %dma_start3A_36 = tpu.memref_squeeze %dma_start3A_35 : memref<1x1x1x128xi32, #tpu.memory_space<hbm>> -> memref<128xi32, #tpu.memory_space<hbm>>
          %dma_start3A_37 = arith.constant 0 : i32
          %dma_start3A_38 = tpu.memref_slice %arg3[%arg1, %add3A_20, %run_scoped3A_21, %dma_start3A_37] : memref<16x158x2x128xi32, #tpu.memory_space<hbm>> -> memref<1x1x1x128xi32, #tpu.memory_space<hbm>>
          %dma_start3A_39 = tpu.memref_squeeze %dma_start3A_38 : memref<1x1x1x128xi32, #tpu.memory_space<hbm>> -> memref<128xi32, #tpu.memory_space<hbm>>
          tpu.enqueue_dma source(%dma_start3A_39 : memref<128xi32, #tpu.memory_space<hbm>>) target(%arg11 : memref<128xi32, #tpu.memory_space<vmem>>) target_semaphore(%run_scoped3A_33 : memref<!tpu.dma_semaphore, #tpu.memory_space<semaphore_mem>>)
          %dma_wait3A_40 = arith.constant 0 : i32
          %dma_wait3A_41 = tpu.memref_slice %arg3[%arg1, %add3A_20, %run_scoped3A_21, %dma_wait3A_40] : memref<16x158x2x128xi32, #tpu.memory_space<hbm>> -> memref<1x1x1x128xi32, #tpu.memory_space<hbm>>
          %dma_wait3A_42 = tpu.memref_squeeze %dma_wait3A_41 : memref<1x1x1x128xi32, #tpu.memory_space<hbm>> -> memref<128xi32, #tpu.memory_space<hbm>>
          %dma_wait3A_43 = arith.constant 0 : i32
          %dma_wait3A_44 = tpu.memref_slice %arg3[%arg1, %add3A_20, %run_scoped3A_21, %dma_wait3A_43] : memref<16x158x2x128xi32, #tpu.memory_space<hbm>> -> memref<1x1x1x128xi32, #tpu.memory_space<hbm>>
          %dma_wait3A_45 = tpu.memref_squeeze %dma_wait3A_44 : memref<1x1x1x128xi32, #tpu.memory_space<hbm>> -> memref<128xi32, #tpu.memory_space<hbm>>
          tpu.wait_dma2 semaphore(%run_scoped3A_33 : memref<!tpu.dma_semaphore, #tpu.memory_space<semaphore_mem>>) src(%dma_wait3A_45 : memref<128xi32, #tpu.memory_space<hbm>>) dst(%arg11 : memref<128xi32, #tpu.memory_space<vmem>>)
          tpu.yield
        }) : () -> ()
        %add3A_22 = arith.constant 1 : i32
        %add3A_23 = arith.addi %mul3A_16, %add3A_22 : i32
        %run_scoped3A_24 = arith.constant 1 : i32
        "tpu.region"() ({
          %run_scoped3A_33 = tpu.sem_alloc : memref<!tpu.dma_semaphore, #tpu.memory_space<semaphore_mem>>
          %dma_start3A_34 = arith.constant 0 : i32
          %dma_start3A_35 = tpu.memref_slice %arg3[%arg1, %add3A_23, %run_scoped3A_24, %dma_start3A_34] : memref<16x158x2x128xi32, #tpu.memory_space<hbm>> -> memref<1x1x1x128xi32, #tpu.memory_space<hbm>>
          %dma_start3A_36 = tpu.memref_squeeze %dma_start3A_35 : memref<1x1x1x128xi32, #tpu.memory_space<hbm>> -> memref<128xi32, #tpu.memory_space<hbm>>
          %dma_start3A_37 = arith.constant 0 : i32
          %dma_start3A_38 = tpu.memref_slice %arg3[%arg1, %add3A_23, %run_scoped3A_24, %dma_start3A_37] : memref<16x158x2x128xi32, #tpu.memory_space<hbm>> -> memref<1x1x1x128xi32, #tpu.memory_space<hbm>>
          %dma_start3A_39 = tpu.memref_squeeze %dma_start3A_38 : memref<1x1x1x128xi32, #tpu.memory_space<hbm>> -> memref<128xi32, #tpu.memory_space<hbm>>
          tpu.enqueue_dma source(%dma_start3A_39 : memref<128xi32, #tpu.memory_space<hbm>>) target(%arg12 : memref<128xi32, #tpu.memory_space<vmem>>) target_semaphore(%run_scoped3A_33 : memref<!tpu.dma_semaphore, #tpu.memory_space<semaphore_mem>>)
          %dma_wait3A_40 = arith.constant 0 : i32
          %dma_wait3A_41 = tpu.memref_slice %arg3[%arg1, %add3A_23, %run_scoped3A_24, %dma_wait3A_40] : memref<16x158x2x128xi32, #tpu.memory_space<hbm>> -> memref<1x1x1x128xi32, #tpu.memory_space<hbm>>
          %dma_wait3A_42 = tpu.memref_squeeze %dma_wait3A_41 : memref<1x1x1x128xi32, #tpu.memory_space<hbm>> -> memref<128xi32, #tpu.memory_space<hbm>>
          %dma_wait3A_43 = arith.constant 0 : i32
          %dma_wait3A_44 = tpu.memref_slice %arg3[%arg1, %add3A_23, %run_scoped3A_24, %dma_wait3A_43] : memref<16x158x2x128xi32, #tpu.memory_space<hbm>> -> memref<1x1x1x128xi32, #tpu.memory_space<hbm>>
          %dma_wait3A_45 = tpu.memref_squeeze %dma_wait3A_44 : memref<1x1x1x128xi32, #tpu.memory_space<hbm>> -> memref<128xi32, #tpu.memory_space<hbm>>
          tpu.wait_dma2 semaphore(%run_scoped3A_33 : memref<!tpu.dma_semaphore, #tpu.memory_space<semaphore_mem>>) src(%dma_wait3A_45 : memref<128xi32, #tpu.memory_space<hbm>>) dst(%arg12 : memref<128xi32, #tpu.memory_space<vmem>>)
          tpu.yield
        }) : () -> ()
        %dma_start3A_25 = arith.constant 0 : i32
        %dma_start3A_26 = arith.constant 0 : i32
        %dma_start3A_27 = tpu.memref_slice %arg5[%dma_start3A_25, %dma_start3A_26] : memref<10240x128xf32, #tpu.memory_space<hbm>> -> memref<10240x128xf32, #tpu.memory_space<hbm>>
        tpu.enqueue_indirect_dma source(%dma_start3A_27 : memref<10240x128xf32, #tpu.memory_space<hbm>>) target(%arg14 : memref<128x128xf32, #tpu.memory_space<vmem>>) offsets(%arg11 : memref<128xi32, #tpu.memory_space<vmem>>) semaphore(%arg16 : memref<!tpu.dma_semaphore, #tpu.memory_space<semaphore_mem>>)
        %dma_wait3A = arith.constant 0 : i32
        %dma_wait3A_28 = arith.constant 0 : i32
        %dma_wait3A_29 = tpu.memref_slice %arg5[%dma_wait3A, %dma_wait3A_28] : memref<10240x128xf32, #tpu.memory_space<hbm>> -> memref<10240x128xf32, #tpu.memory_space<hbm>>
        tpu.wait_indirect_dma semaphore(%arg15 : memref<!tpu.dma_semaphore, #tpu.memory_space<semaphore_mem>>) src(%dma_wait3A_29 : memref<10240x128xf32, #tpu.memory_space<hbm>>) dst(%arg13 : memref<128x128xf32, #tpu.memory_space<vmem>>)
        "tpu.region"() ({
          %run_scoped3A_33 = tpu.sem_alloc : memref<!tpu.dma_semaphore, #tpu.memory_space<semaphore_mem>>
          %dma_start3A_34 = arith.constant 0 : i32
          %dma_start3A_35 = arith.constant 0 : i32
          %dma_start3A_36 = tpu.memref_slice %arg8[%dma_start3A_34, %dma_start3A_35] : memref<10240x128xf32, #tpu.memory_space<vmem_shared>> -> memref<10240x128xf32, #tpu.memory_space<vmem_shared>>
          tpu.enqueue_indirect_dma source(%arg13 : memref<128x128xf32, #tpu.memory_space<vmem>>) target(%dma_start3A_36 : memref<10240x128xf32, #tpu.memory_space<vmem_shared>>) offsets(%arg10 : memref<128xi32, #tpu.memory_space<vmem>>) semaphore(%run_scoped3A_33 : memref<!tpu.dma_semaphore, #tpu.memory_space<semaphore_mem>>) {add = true}
          %dma_wait3A_37 = arith.constant 0 : i32
          %dma_wait3A_38 = arith.constant 0 : i32
          %dma_wait3A_39 = tpu.memref_slice %arg8[%dma_wait3A_37, %dma_wait3A_38] : memref<10240x128xf32, #tpu.memory_space<vmem_shared>> -> memref<10240x128xf32, #tpu.memory_space<vmem_shared>>
          tpu.wait_indirect_dma semaphore(%run_scoped3A_33 : memref<!tpu.dma_semaphore, #tpu.memory_space<semaphore_mem>>) src(%arg13 : memref<128x128xf32, #tpu.memory_space<vmem>>) dst(%dma_wait3A_39 : memref<10240x128xf32, #tpu.memory_space<vmem_shared>>)
          tpu.yield
        }) : () -> ()
        %dma_wait3A_30 = arith.constant 0 : i32
        %dma_wait3A_31 = arith.constant 0 : i32
        %dma_wait3A_32 = tpu.memref_slice %arg5[%dma_wait3A_30, %dma_wait3A_31] : memref<10240x128xf32, #tpu.memory_space<hbm>> -> memref<10240x128xf32, #tpu.memory_space<hbm>>
        tpu.wait_indirect_dma semaphore(%arg16 : memref<!tpu.dma_semaphore, #tpu.memory_space<semaphore_mem>>) src(%dma_wait3A_32 : memref<10240x128xf32, #tpu.memory_space<hbm>>) dst(%arg14 : memref<128x128xf32, #tpu.memory_space<vmem>>)
        "tpu.region"() ({
          %run_scoped3A_33 = tpu.sem_alloc : memref<!tpu.dma_semaphore, #tpu.memory_space<semaphore_mem>>
          %dma_start3A_34 = arith.constant 0 : i32
          %dma_start3A_35 = arith.constant 0 : i32
          %dma_start3A_36 = tpu.memref_slice %arg8[%dma_start3A_34, %dma_start3A_35] : memref<10240x128xf32, #tpu.memory_space<vmem_shared>> -> memref<10240x128xf32, #tpu.memory_space<vmem_shared>>
          tpu.enqueue_indirect_dma source(%arg14 : memref<128x128xf32, #tpu.memory_space<vmem>>) target(%dma_start3A_36 : memref<10240x128xf32, #tpu.memory_space<vmem_shared>>) offsets(%arg12 : memref<128xi32, #tpu.memory_space<vmem>>) semaphore(%run_scoped3A_33 : memref<!tpu.dma_semaphore, #tpu.memory_space<semaphore_mem>>) {add = true}
          %dma_wait3A_37 = arith.constant 0 : i32
          %dma_wait3A_38 = arith.constant 0 : i32
          %dma_wait3A_39 = tpu.memref_slice %arg8[%dma_wait3A_37, %dma_wait3A_38] : memref<10240x128xf32, #tpu.memory_space<vmem_shared>> -> memref<10240x128xf32, #tpu.memory_space<vmem_shared>>
          tpu.wait_indirect_dma semaphore(%run_scoped3A_33 : memref<!tpu.dma_semaphore, #tpu.memory_space<semaphore_mem>>) src(%arg14 : memref<128x128xf32, #tpu.memory_space<vmem>>) dst(%dma_wait3A_39 : memref<10240x128xf32, #tpu.memory_space<vmem_shared>>)
          tpu.yield
        }) : () -> ()
      }
      %scan3A_12 = arith.constant 79 : i32
      %barrier3A_13 = arith.constant 0 : index
      tpu.barrier barrier_id(%barrier3A_13)
      "tpu.region"() ({
        %run_scoped3A = tpu.sem_alloc : memref<!tpu.dma_semaphore, #tpu.memory_space<semaphore_mem>>
        %dma_start3A = arith.constant 0 : i32
        %dma_start3A_14 = tpu.memref_slice %arg7[%mul3A_7, %dma_start3A] : memref<10240x128xf32, #tpu.memory_space<hbm>> -> memref<640x128xf32, #tpu.memory_space<hbm>>
        %dma_start3A_15 = arith.constant 0 : i32
        %dma_start3A_16 = tpu.memref_slice %arg8[%mul3A_7, %dma_start3A_15] : memref<10240x128xf32, #tpu.memory_space<vmem_shared>> -> memref<640x128xf32, #tpu.memory_space<vmem_shared>>
        tpu.enqueue_dma source(%dma_start3A_16 : memref<640x128xf32, #tpu.memory_space<vmem_shared>>) target(%dma_start3A_14 : memref<640x128xf32, #tpu.memory_space<hbm>>) target_semaphore(%run_scoped3A : memref<!tpu.dma_semaphore, #tpu.memory_space<semaphore_mem>>)
        %dma_wait3A = arith.constant 0 : i32
        %dma_wait3A_17 = tpu.memref_slice %arg7[%mul3A_7, %dma_wait3A] : memref<10240x128xf32, #tpu.memory_space<hbm>> -> memref<640x128xf32, #tpu.memory_space<hbm>>
        %dma_wait3A_18 = arith.constant 0 : i32
        %dma_wait3A_19 = tpu.memref_slice %arg8[%mul3A_7, %dma_wait3A_18] : memref<10240x128xf32, #tpu.memory_space<vmem_shared>> -> memref<640x128xf32, #tpu.memory_space<vmem_shared>>
        tpu.wait_dma2 semaphore(%run_scoped3A : memref<!tpu.dma_semaphore, #tpu.memory_space<semaphore_mem>>) src(%dma_wait3A_19 : memref<640x128xf32, #tpu.memory_space<vmem_shared>>) dst(%dma_wait3A_17 : memref<640x128xf32, #tpu.memory_space<hbm>>)
        tpu.yield
      }) : () -> ()
    } else {
    }
    return
  }
}

module attributes {stable_mosaic.version = 14 : i64} {
  func.func @_tc1_body(%arg0: i32, %arg1: memref<1024x1xf32, #tpu.memory_space<vmem>>, %arg2: memref<1024x1xf32, #tpu.memory_space<vmem>>, %arg3: memref<1024x128xf32, #tpu.memory_space<vmem>>, %arg4: memref<1024x128xf32, #tpu.memory_space<vmem>>, %arg5: memref<128x128xf32, #tpu.memory_space<vmem>>, %arg6: memref<128x128xf32, #tpu.memory_space<vmem>>, %arg7: memref<1024x128xf32, #tpu.memory_space<vmem>>, %arg8: memref<1024x128xf32, #tpu.memory_space<vmem>>, %arg9: memref<1024x128xf32, #tpu.memory_space<vmem>>, %arg10: memref<1024x128xf32, #tpu.memory_space<vmem>>) attributes {dimension_semantics = [#tpu.dimension_semantics<arbitrary>], iteration_bounds = array<i64: 10>, scalar_prefetch = 0 : i64, scratch_operands = 0 : i64, tpu.core_type = #tpu.core_type<tc>, window_params = [{transform_indices = @transform_0, window_bounds = array<i64: 1024, 1>}, {transform_indices = @transform_1, window_bounds = array<i64: 1024, 1>}, {transform_indices = @transform_2, window_bounds = array<i64: 1024, 128>}, {transform_indices = @transform_3, window_bounds = array<i64: 1024, 128>}, {pipeline_mode = #tpu.pipeline_mode<synchronous>, transform_indices = @transform_4, window_bounds = array<i64: 128, 128>}, {pipeline_mode = #tpu.pipeline_mode<synchronous>, transform_indices = @transform_5, window_bounds = array<i64: 128, 128>}, {transform_indices = @transform_6, window_bounds = array<i64: 1024, 128>}, {transform_indices = @transform_7, window_bounds = array<i64: 1024, 128>}, {transform_indices = @transform_8, window_bounds = array<i64: 1024, 128>}, {transform_indices = @transform_9, window_bounds = array<i64: 1024, 128>}]} {
    %get3A = arith.constant 0 : index
    %get3A_0 = arith.constant 0 : index
    %get3A_1 = vector.load %arg1[%get3A, %get3A_0] : memref<1024x1xf32, #tpu.memory_space<vmem>>, vector<1024x1xf32>
    %rsqrt3A = math.rsqrt %get3A_1 : vector<1024x1xf32>
    %broadcast_in_dim3A = vector.shape_cast %rsqrt3A : vector<1024x1xf32> to vector<1024x1xf32>
    %broadcast_in_dim3A_2 = vector.broadcast %broadcast_in_dim3A : vector<1024x1xf32> to vector<1024x128xf32>
    %get3A_3 = arith.constant 0 : index
    %get3A_4 = arith.constant 0 : index
    %get3A_5 = vector.load %arg2[%get3A_3, %get3A_4] : memref<1024x1xf32, #tpu.memory_space<vmem>>, vector<1024x1xf32>
    %rsqrt3A_6 = math.rsqrt %get3A_5 : vector<1024x1xf32>
    %broadcast_in_dim3A_7 = vector.shape_cast %rsqrt3A_6 : vector<1024x1xf32> to vector<1024x1xf32>
    %broadcast_in_dim3A_8 = vector.broadcast %broadcast_in_dim3A_7 : vector<1024x1xf32> to vector<1024x128xf32>
    %swap3A = arith.constant 0 : index
    %swap3A_9 = arith.constant 0 : index
    %swap3A_10 = vector.load %arg7[%swap3A, %swap3A_9] : memref<1024x128xf32, #tpu.memory_space<vmem>>, vector<1024x128xf32>
    tpu.vector_store %arg7[%swap3A, %swap3A_9], %broadcast_in_dim3A_2 {strides = array<i32>} : memref<1024x128xf32, #tpu.memory_space<vmem>>, vector<1024x128xf32>,
    %swap3A_11 = arith.constant 0 : index
    %swap3A_12 = arith.constant 0 : index
    %swap3A_13 = vector.load %arg8[%swap3A_11, %swap3A_12] : memref<1024x128xf32, #tpu.memory_space<vmem>>, vector<1024x128xf32>
    tpu.vector_store %arg8[%swap3A_11, %swap3A_12], %broadcast_in_dim3A_8 {strides = array<i32>} : memref<1024x128xf32, #tpu.memory_space<vmem>>, vector<1024x128xf32>,
    %get3A_14 = arith.constant 0 : index
    %get3A_15 = arith.constant 0 : index
    %get3A_16 = vector.load %arg3[%get3A_14, %get3A_15] : memref<1024x128xf32, #tpu.memory_space<vmem>>, vector<1024x128xf32>
    %get3A_17 = arith.constant 0 : index
    %get3A_18 = arith.constant 0 : index
    %get3A_19 = vector.load %arg5[%get3A_17, %get3A_18] : memref<128x128xf32, #tpu.memory_space<vmem>>, vector<128x128xf32>
    %dot_general3A = arith.constant dense<0.000000e+00> : vector<1024x128xf32>
    %dot_general3A_20 = tpu.matmul %get3A_16, %get3A_19, %dot_general3A {dimension_numbers = #tpu.dot_dimension_numbers<[1], [0], [0], [1], [0, 0, 1, 1], [], []>, transpose_lhs_hint = false} : vector<1024x128xf32>, vector<128x128xf32>, vector<1024x128xf32> -> vector<1024x128xf32>
    %mul3A = arith.mulf %broadcast_in_dim3A_2, %dot_general3A_20 : vector<1024x128xf32>
    %swap3A_21 = arith.constant 0 : index
    %swap3A_22 = arith.constant 0 : index
    %swap3A_23 = vector.load %arg9[%swap3A_21, %swap3A_22] : memref<1024x128xf32, #tpu.memory_space<vmem>>, vector<1024x128xf32>
    tpu.vector_store %arg9[%swap3A_21, %swap3A_22], %mul3A {strides = array<i32>} : memref<1024x128xf32, #tpu.memory_space<vmem>>, vector<1024x128xf32>,
    %get3A_24 = arith.constant 0 : index
    %get3A_25 = arith.constant 0 : index
    %get3A_26 = vector.load %arg4[%get3A_24, %get3A_25] : memref<1024x128xf32, #tpu.memory_space<vmem>>, vector<1024x128xf32>
    %get3A_27 = arith.constant 0 : index
    %get3A_28 = arith.constant 0 : index
    %get3A_29 = vector.load %arg6[%get3A_27, %get3A_28] : memref<128x128xf32, #tpu.memory_space<vmem>>, vector<128x128xf32>
    %dot_general3A_30 = arith.constant dense<0.000000e+00> : vector<1024x128xf32>
    %dot_general3A_31 = tpu.matmul %get3A_26, %get3A_29, %dot_general3A_30 {dimension_numbers = #tpu.dot_dimension_numbers<[1], [0], [0], [1], [0, 0, 1, 1], [], []>, transpose_lhs_hint = false} : vector<1024x128xf32>, vector<128x128xf32>, vector<1024x128xf32> -> vector<1024x128xf32>
    %mul3A_32 = arith.mulf %broadcast_in_dim3A_8, %dot_general3A_31 : vector<1024x128xf32>
    %swap3A_33 = arith.constant 0 : index
    %swap3A_34 = arith.constant 0 : index
    %swap3A_35 = vector.load %arg10[%swap3A_33, %swap3A_34] : memref<1024x128xf32, #tpu.memory_space<vmem>>, vector<1024x128xf32>
    tpu.vector_store %arg10[%swap3A_33, %swap3A_34], %mul3A_32 {strides = array<i32>} : memref<1024x128xf32, #tpu.memory_space<vmem>>, vector<1024x128xf32>,
    return
  }
  func.func @transform_0(%arg0: i32) -> (i32, i32) {
    %c0_i32 = arith.constant 0 : i32
    %c0_i32_0 = arith.constant 0 : i32
    return %arg0, %c0_i32 : i32, i32
  }
  func.func @transform_1(%arg0: i32) -> (i32, i32) {
    %c0_i32 = arith.constant 0 : i32
    %c0_i32_0 = arith.constant 0 : i32
    return %arg0, %c0_i32 : i32, i32
  }
  func.func @transform_2(%arg0: i32) -> (i32, i32) {
    %c0_i32 = arith.constant 0 : i32
    %c0_i32_0 = arith.constant 0 : i32
    return %arg0, %c0_i32 : i32, i32
  }
  func.func @transform_3(%arg0: i32) -> (i32, i32) {
    %c0_i32 = arith.constant 0 : i32
    %c0_i32_0 = arith.constant 0 : i32
    return %arg0, %c0_i32 : i32, i32
  }
  func.func @transform_4(%arg0: i32) -> (i32, i32) {
    %c0_i32 = arith.constant 0 : i32
    %c0_i32_0 = arith.constant 0 : i32
    %c0_i32_1 = arith.constant 0 : i32
    return %c0_i32, %c0_i32_0 : i32, i32
  }
  func.func @transform_5(%arg0: i32) -> (i32, i32) {
    %c0_i32 = arith.constant 0 : i32
    %c0_i32_0 = arith.constant 0 : i32
    %c0_i32_1 = arith.constant 0 : i32
    return %c0_i32, %c0_i32_0 : i32, i32
  }
  func.func @transform_6(%arg0: i32) -> (i32, i32) {
    %c0_i32 = arith.constant 0 : i32
    %c0_i32_0 = arith.constant 0 : i32
    return %arg0, %c0_i32 : i32, i32
  }
  func.func @transform_7(%arg0: i32) -> (i32, i32) {
    %c0_i32 = arith.constant 0 : i32
    %c0_i32_0 = arith.constant 0 : i32
    return %arg0, %c0_i32 : i32, i32
  }
  func.func @transform_8(%arg0: i32) -> (i32, i32) {
    %c0_i32 = arith.constant 0 : i32
    %c0_i32_0 = arith.constant 0 : i32
    return %arg0, %c0_i32 : i32, i32
  }
  func.func @transform_9(%arg0: i32) -> (i32, i32) {
    %c0_i32 = arith.constant 0 : i32
    %c0_i32_0 = arith.constant 0 : i32
    return %arg0, %c0_i32 : i32, i32
  }
}

module attributes {stable_mosaic.version = 14 : i64} {
  func.func @_tc2_body(%arg0: i32, %arg1: memref<1024x128xf32, #tpu.memory_space<vmem>>, %arg2: memref<1024x128xf32, #tpu.memory_space<vmem>>, %arg3: memref<1024x128xf32, #tpu.memory_space<vmem>>, %arg4: memref<1024x128xf32, #tpu.memory_space<vmem>>, %arg5: memref<1x128xf32, #tpu.memory_space<vmem>>, %arg6: memref<1x128xf32, #tpu.memory_space<vmem>>, %arg7: memref<128x128xf32, #tpu.memory_space<vmem>>, %arg8: memref<1x128xf32, #tpu.memory_space<vmem>>, %arg9: memref<128x128xf32, #tpu.memory_space<vmem>>, %arg10: memref<1x128xf32, #tpu.memory_space<vmem>>, %arg11: memref<256x128xf32, #tpu.memory_space<vmem>>, %arg12: memref<1x128xf32, #tpu.memory_space<vmem>>, %arg13: memref<256x128xf32, #tpu.memory_space<vmem>>, %arg14: memref<1x128xf32, #tpu.memory_space<vmem>>, %arg15: memref<128x128xf32, #tpu.memory_space<vmem>>, %arg16: memref<128x128xf32, #tpu.memory_space<vmem>>, %arg17: memref<1024x128xf32, #tpu.memory_space<vmem>>, %arg18: memref<1024x128xf32, #tpu.memory_space<vmem>>, %arg19: memref<1024x128xf32, #tpu.memory_space<vmem>>) attributes {dimension_semantics = [#tpu.dimension_semantics<arbitrary>], iteration_bounds = array<i64: 10>, scalar_prefetch = 0 : i64, scratch_operands = 0 : i64, tpu.core_type = #tpu.core_type<tc>, window_params = [{transform_indices = @transform_0, window_bounds = array<i64: 1024, 128>}, {transform_indices = @transform_1, window_bounds = array<i64: 1024, 128>}, {transform_indices = @transform_2, window_bounds = array<i64: 1024, 128>}, {transform_indices = @transform_3, window_bounds = array<i64: 1024, 128>}, {pipeline_mode = #tpu.pipeline_mode<synchronous>, transform_indices = @transform_4, window_bounds = array<i64: 1, 128>}, {pipeline_mode = #tpu.pipeline_mode<synchronous>, transform_indices = @transform_5, window_bounds = array<i64: 1, 128>}, {pipeline_mode = #tpu.pipeline_mode<synchronous>, transform_indices = @transform_6, window_bounds = array<i64: 128, 128>}, {pipeline_mode = #tpu.pipeline_mode<synchronous>, transform_indices = @transform_7, window_bounds = array<i64: 1, 128>}, {pipeline_mode = #tpu.pipeline_mode<synchronous>, transform_indices = @transform_8, window_bounds = array<i64: 128, 128>}, {pipeline_mode = #tpu.pipeline_mode<synchronous>, transform_indices = @transform_9, window_bounds = array<i64: 1, 128>}, {pipeline_mode = #tpu.pipeline_mode<synchronous>, transform_indices = @transform_10, window_bounds = array<i64: 256, 128>}, {pipeline_mode = #tpu.pipeline_mode<synchronous>, transform_indices = @transform_11, window_bounds = array<i64: 1, 128>}, {pipeline_mode = #tpu.pipeline_mode<synchronous>, transform_indices = @transform_12, window_bounds = array<i64: 256, 128>}, {pipeline_mode = #tpu.pipeline_mode<synchronous>, transform_indices = @transform_13, window_bounds = array<i64: 1, 128>}, {pipeline_mode = #tpu.pipeline_mode<synchronous>, transform_indices = @transform_14, window_bounds = array<i64: 128, 128>}, {pipeline_mode = #tpu.pipeline_mode<synchronous>, transform_indices = @transform_15, window_bounds = array<i64: 128, 128>}, {transform_indices = @transform_16, window_bounds = array<i64: 1024, 128>}, {transform_indices = @transform_17, window_bounds = array<i64: 1024, 128>}, {transform_indices = @transform_18, window_bounds = array<i64: 1024, 128>}]} {
    %get3A = arith.constant 0 : index
    %get3A_0 = arith.constant 0 : index
    %get3A_1 = vector.load %arg3[%get3A, %get3A_0] : memref<1024x128xf32, #tpu.memory_space<vmem>>, vector<1024x128xf32>
    %get3A_2 = arith.constant 0 : index
    %get3A_3 = arith.constant 0 : index
    %get3A_4 = vector.load %arg4[%get3A_2, %get3A_3] : memref<1024x128xf32, #tpu.memory_space<vmem>>, vector<1024x128xf32>
    %get3A_5 = arith.constant 0 : index
    %get3A_6 = arith.constant 0 : index
    %get3A_7 = vector.load %arg1[%get3A_5, %get3A_6] : memref<1024x128xf32, #tpu.memory_space<vmem>>, vector<1024x128xf32>
    %mul3A = arith.mulf %get3A_1, %get3A_7 : vector<1024x128xf32>
    %get3A_8 = arith.constant 0 : index
    %get3A_9 = arith.constant 0 : index
    %get3A_10 = vector.load %arg5[%get3A_8, %get3A_9] : memref<1x128xf32, #tpu.memory_space<vmem>>, vector<1x128xf32>
    %add3A = vector.broadcast %get3A_10 : vector<1x128xf32> to vector<1024x128xf32>
    %add3A_11 = arith.addf %mul3A, %add3A : vector<1024x128xf32>
    %get3A_12 = arith.constant 0 : index
    %get3A_13 = arith.constant 0 : index
    %get3A_14 = vector.load %arg2[%get3A_12, %get3A_13] : memref<1024x128xf32, #tpu.memory_space<vmem>>, vector<1024x128xf32>
    %mul3A_15 = arith.mulf %get3A_4, %get3A_14 : vector<1024x128xf32>
    %get3A_16 = arith.constant 0 : index
    %get3A_17 = arith.constant 0 : index
    %get3A_18 = vector.load %arg6[%get3A_16, %get3A_17] : memref<1x128xf32, #tpu.memory_space<vmem>>, vector<1x128xf32>
    %add3A_19 = vector.broadcast %get3A_18 : vector<1x128xf32> to vector<1024x128xf32>
    %add3A_20 = arith.addf %mul3A_15, %add3A_19 : vector<1024x128xf32>
    %get3A_21 = arith.constant 0 : index
    %get3A_22 = arith.constant 0 : index
    %get3A_23 = vector.load %arg7[%get3A_21, %get3A_22] : memref<128x128xf32, #tpu.memory_space<vmem>>, vector<128x128xf32>
    %dot_general3A = arith.constant dense<0.000000e+00> : vector<1024x128xf32>
    %dot_general3A_24 = tpu.matmul %add3A_20, %get3A_23, %dot_general3A {dimension_numbers = #tpu.dot_dimension_numbers<[1], [0], [0], [1], [0, 0, 1, 1], [], []>, transpose_lhs_hint = false} : vector<1024x128xf32>, vector<128x128xf32>, vector<1024x128xf32> -> vector<1024x128xf32>
    %get3A_25 = arith.constant 0 : index
    %get3A_26 = arith.constant 0 : index
    %get3A_27 = vector.load %arg8[%get3A_25, %get3A_26] : memref<1x128xf32, #tpu.memory_space<vmem>>, vector<1x128xf32>
    %add3A_28 = vector.broadcast %get3A_27 : vector<1x128xf32> to vector<1024x128xf32>
    %add3A_29 = arith.addf %dot_general3A_24, %add3A_28 : vector<1024x128xf32>
    %get3A_30 = arith.constant 0 : index
    %get3A_31 = arith.constant 0 : index
    %get3A_32 = vector.load %arg9[%get3A_30, %get3A_31] : memref<128x128xf32, #tpu.memory_space<vmem>>, vector<128x128xf32>
    %dot_general3A_33 = arith.constant dense<0.000000e+00> : vector<1024x128xf32>
    %dot_general3A_34 = tpu.matmul %add3A_11, %get3A_32, %dot_general3A_33 {dimension_numbers = #tpu.dot_dimension_numbers<[1], [0], [0], [1], [0, 0, 1, 1], [], []>, transpose_lhs_hint = false} : vector<1024x128xf32>, vector<128x128xf32>, vector<1024x128xf32> -> vector<1024x128xf32>
    %get3A_35 = arith.constant 0 : index
    %get3A_36 = arith.constant 0 : index
    %get3A_37 = vector.load %arg10[%get3A_35, %get3A_36] : memref<1x128xf32, #tpu.memory_space<vmem>>, vector<1x128xf32>
    %add3A_38 = vector.broadcast %get3A_37 : vector<1x128xf32> to vector<1024x128xf32>
    %add3A_39 = arith.addf %dot_general3A_34, %add3A_38 : vector<1024x128xf32>
    %get3A_40 = arith.constant 0 : index
    %get3A_41 = arith.constant 0 : index
    %get3A_42 = vector.load %arg11[%get3A_40, %get3A_41] : memref<256x128xf32, #tpu.memory_space<vmem>>, vector<256x128xf32>
    %get3A_43 = arith.constant 0 : index
    %get3A_44 = arith.constant 0 : index
    %get3A_45 = vector.load %arg13[%get3A_43, %get3A_44] : memref<256x128xf32, #tpu.memory_space<vmem>>, vector<256x128xf32>
    %slice3A = vector.extract_strided_slice %get3A_42 {offsets = [0, 0], sizes = [128, 128], strides = [1, 1]} : vector<256x128xf32> to vector<128x128xf32>
    %dot_general3A_46 = arith.constant dense<0.000000e+00> : vector<1024x128xf32>
    %dot_general3A_47 = tpu.matmul %add3A_11, %slice3A, %dot_general3A_46 {dimension_numbers = #tpu.dot_dimension_numbers<[1], [0], [0], [1], [0, 0, 1, 1], [], []>, transpose_lhs_hint = false} : vector<1024x128xf32>, vector<128x128xf32>, vector<1024x128xf32> -> vector<1024x128xf32>
    %slice3A_48 = vector.extract_strided_slice %get3A_42 {offsets = [128, 0], sizes = [128, 128], strides = [1, 1]} : vector<256x128xf32> to vector<128x128xf32>
    %dot_general3A_49 = arith.constant dense<0.000000e+00> : vector<1024x128xf32>
    %dot_general3A_50 = tpu.matmul %add3A_29, %slice3A_48, %dot_general3A_49 {dimension_numbers = #tpu.dot_dimension_numbers<[1], [0], [0], [1], [0, 0, 1, 1], [], []>, transpose_lhs_hint = false} : vector<1024x128xf32>, vector<128x128xf32>, vector<1024x128xf32> -> vector<1024x128xf32>
    %add3A_51 = arith.addf %dot_general3A_47, %dot_general3A_50 : vector<1024x128xf32>
    %get3A_52 = arith.constant 0 : index
    %get3A_53 = arith.constant 0 : index
    %get3A_54 = vector.load %arg12[%get3A_52, %get3A_53] : memref<1x128xf32, #tpu.memory_space<vmem>>, vector<1x128xf32>
    %add3A_55 = vector.broadcast %get3A_54 : vector<1x128xf32> to vector<1024x128xf32>
    %add3A_56 = arith.addf %add3A_51, %add3A_55 : vector<1024x128xf32>
    %neg3A = arith.constant 0.000000e+00 : f32
    %neg3A_57 = vector.broadcast %neg3A : f32 to vector<1024x128xf32>
    %neg3A_58 = arith.subf %neg3A_57, %add3A_56 : vector<1024x128xf32>
    %exp3A = math.exp %neg3A_58 : vector<1024x128xf32>
    %add3A_59 = arith.constant 1.000000e+00 : f32
    %add3A_60 = vector.broadcast %add3A_59 : f32 to vector<1024x128xf32>
    %add3A_61 = arith.addf %add3A_60, %exp3A : vector<1024x128xf32>
    %div3A = arith.constant 1.000000e+00 : f32
    %div3A_62 = vector.broadcast %div3A : f32 to vector<1024x128xf32>
    %div3A_63 = arith.divf %div3A_62, %add3A_61 : vector<1024x128xf32>
    %slice3A_64 = vector.extract_strided_slice %get3A_45 {offsets = [0, 0], sizes = [128, 128], strides = [1, 1]} : vector<256x128xf32> to vector<128x128xf32>
    %dot_general3A_65 = arith.constant dense<0.000000e+00> : vector<1024x128xf32>
    %dot_general3A_66 = tpu.matmul %add3A_20, %slice3A_64, %dot_general3A_65 {dimension_numbers = #tpu.dot_dimension_numbers<[1], [0], [0], [1], [0, 0, 1, 1], [], []>, transpose_lhs_hint = false} : vector<1024x128xf32>, vector<128x128xf32>, vector<1024x128xf32> -> vector<1024x128xf32>
    %slice3A_67 = vector.extract_strided_slice %get3A_45 {offsets = [128, 0], sizes = [128, 128], strides = [1, 1]} : vector<256x128xf32> to vector<128x128xf32>
    %dot_general3A_68 = arith.constant dense<0.000000e+00> : vector<1024x128xf32>
    %dot_general3A_69 = tpu.matmul %add3A_39, %slice3A_67, %dot_general3A_68 {dimension_numbers = #tpu.dot_dimension_numbers<[1], [0], [0], [1], [0, 0, 1, 1], [], []>, transpose_lhs_hint = false} : vector<1024x128xf32>, vector<128x128xf32>, vector<1024x128xf32> -> vector<1024x128xf32>
    %add3A_70 = arith.addf %dot_general3A_66, %dot_general3A_69 : vector<1024x128xf32>
    %get3A_71 = arith.constant 0 : index
    %get3A_72 = arith.constant 0 : index
    %get3A_73 = vector.load %arg14[%get3A_71, %get3A_72] : memref<1x128xf32, #tpu.memory_space<vmem>>, vector<1x128xf32>
    %add3A_74 = vector.broadcast %get3A_73 : vector<1x128xf32> to vector<1024x128xf32>
    %add3A_75 = arith.addf %add3A_70, %add3A_74 : vector<1024x128xf32>
    %neg3A_76 = arith.constant 0.000000e+00 : f32
    %neg3A_77 = vector.broadcast %neg3A_76 : f32 to vector<1024x128xf32>
    %neg3A_78 = arith.subf %neg3A_77, %add3A_75 : vector<1024x128xf32>
    %exp3A_79 = math.exp %neg3A_78 : vector<1024x128xf32>
    %add3A_80 = arith.constant 1.000000e+00 : f32
    %add3A_81 = vector.broadcast %add3A_80 : f32 to vector<1024x128xf32>
    %add3A_82 = arith.addf %add3A_81, %exp3A_79 : vector<1024x128xf32>
    %div3A_83 = arith.constant 1.000000e+00 : f32
    %div3A_84 = vector.broadcast %div3A_83 : f32 to vector<1024x128xf32>
    %div3A_85 = arith.divf %div3A_84, %add3A_82 : vector<1024x128xf32>
    %mul3A_86 = arith.mulf %div3A_63, %add3A_29 : vector<1024x128xf32>
    %add3A_87 = arith.addf %mul3A_86, %add3A_11 : vector<1024x128xf32>
    %mul3A_88 = arith.mulf %div3A_85, %add3A_39 : vector<1024x128xf32>
    %add3A_89 = arith.addf %mul3A_88, %add3A_20 : vector<1024x128xf32>
    %get3A_90 = arith.constant 0 : index
    %get3A_91 = arith.constant 0 : index
    %get3A_92 = vector.load %arg15[%get3A_90, %get3A_91] : memref<128x128xf32, #tpu.memory_space<vmem>>, vector<128x128xf32>
    %dot_general3A_93 = arith.constant dense<0.000000e+00> : vector<1024x128xf32>
    %dot_general3A_94 = tpu.matmul %add3A_87, %get3A_92, %dot_general3A_93 {dimension_numbers = #tpu.dot_dimension_numbers<[1], [0], [0], [1], [0, 0, 1, 1], [], []>, transpose_lhs_hint = false} : vector<1024x128xf32>, vector<128x128xf32>, vector<1024x128xf32> -> vector<1024x128xf32>
    %mul3A_95 = arith.mulf %get3A_1, %dot_general3A_94 : vector<1024x128xf32>
    %swap3A = arith.constant 0 : index
    %swap3A_96 = arith.constant 0 : index
    %swap3A_97 = vector.load %arg17[%swap3A, %swap3A_96] : memref<1024x128xf32, #tpu.memory_space<vmem>>, vector<1024x128xf32>
    tpu.vector_store %arg17[%swap3A, %swap3A_96], %mul3A_95 {strides = array<i32>} : memref<1024x128xf32, #tpu.memory_space<vmem>>, vector<1024x128xf32>,
    %get3A_98 = arith.constant 0 : index
    %get3A_99 = arith.constant 0 : index
    %get3A_100 = vector.load %arg16[%get3A_98, %get3A_99] : memref<128x128xf32, #tpu.memory_space<vmem>>, vector<128x128xf32>
    %dot_general3A_101 = arith.constant dense<0.000000e+00> : vector<1024x128xf32>
    %dot_general3A_102 = tpu.matmul %add3A_89, %get3A_100, %dot_general3A_101 {dimension_numbers = #tpu.dot_dimension_numbers<[1], [0], [0], [1], [0, 0, 1, 1], [], []>, transpose_lhs_hint = false} : vector<1024x128xf32>, vector<128x128xf32>, vector<1024x128xf32> -> vector<1024x128xf32>
    %mul3A_103 = arith.mulf %get3A_4, %dot_general3A_102 : vector<1024x128xf32>
    %swap3A_104 = arith.constant 0 : index
    %swap3A_105 = arith.constant 0 : index
    %swap3A_106 = vector.load %arg18[%swap3A_104, %swap3A_105] : memref<1024x128xf32, #tpu.memory_space<vmem>>, vector<1024x128xf32>
    tpu.vector_store %arg18[%swap3A_104, %swap3A_105], %mul3A_103 {strides = array<i32>} : memref<1024x128xf32, #tpu.memory_space<vmem>>, vector<1024x128xf32>,
    %add3A_107 = arith.addf %add3A_11, %add3A_20 : vector<1024x128xf32>
    %swap3A_108 = arith.constant 0 : index
    %swap3A_109 = arith.constant 0 : index
    %swap3A_110 = vector.load %arg19[%swap3A_108, %swap3A_109] : memref<1024x128xf32, #tpu.memory_space<vmem>>, vector<1024x128xf32>
    tpu.vector_store %arg19[%swap3A_108, %swap3A_109], %add3A_107 {strides = array<i32>} : memref<1024x128xf32, #tpu.memory_space<vmem>>, vector<1024x128xf32>,
    return
  }
  func.func @transform_0(%arg0: i32) -> (i32, i32) {
    %c0_i32 = arith.constant 0 : i32
    %c0_i32_0 = arith.constant 0 : i32
    return %arg0, %c0_i32 : i32, i32
  }
  func.func @transform_1(%arg0: i32) -> (i32, i32) {
    %c0_i32 = arith.constant 0 : i32
    %c0_i32_0 = arith.constant 0 : i32
    return %arg0, %c0_i32 : i32, i32
  }
  func.func @transform_2(%arg0: i32) -> (i32, i32) {
    %c0_i32 = arith.constant 0 : i32
    %c0_i32_0 = arith.constant 0 : i32
    return %arg0, %c0_i32 : i32, i32
  }
  func.func @transform_3(%arg0: i32) -> (i32, i32) {
    %c0_i32 = arith.constant 0 : i32
    %c0_i32_0 = arith.constant 0 : i32
    return %arg0, %c0_i32 : i32, i32
  }
  func.func @transform_4(%arg0: i32) -> (i32, i32) {
    %c0_i32 = arith.constant 0 : i32
    %c0_i32_0 = arith.constant 0 : i32
    %c0_i32_1 = arith.constant 0 : i32
    return %c0_i32, %c0_i32_0 : i32, i32
  }
  func.func @transform_5(%arg0: i32) -> (i32, i32) {
    %c0_i32 = arith.constant 0 : i32
    %c0_i32_0 = arith.constant 0 : i32
    %c0_i32_1 = arith.constant 0 : i32
    return %c0_i32, %c0_i32_0 : i32, i32
  }
  func.func @transform_6(%arg0: i32) -> (i32, i32) {
    %c0_i32 = arith.constant 0 : i32
    %c0_i32_0 = arith.constant 0 : i32
    %c0_i32_1 = arith.constant 0 : i32
    return %c0_i32, %c0_i32_0 : i32, i32
  }
  func.func @transform_7(%arg0: i32) -> (i32, i32) {
    %c0_i32 = arith.constant 0 : i32
    %c0_i32_0 = arith.constant 0 : i32
    %c0_i32_1 = arith.constant 0 : i32
    return %c0_i32, %c0_i32_0 : i32, i32
  }
  func.func @transform_8(%arg0: i32) -> (i32, i32) {
    %c0_i32 = arith.constant 0 : i32
    %c0_i32_0 = arith.constant 0 : i32
    %c0_i32_1 = arith.constant 0 : i32
    return %c0_i32, %c0_i32_0 : i32, i32
  }
  func.func @transform_9(%arg0: i32) -> (i32, i32) {
    %c0_i32 = arith.constant 0 : i32
    %c0_i32_0 = arith.constant 0 : i32
    %c0_i32_1 = arith.constant 0 : i32
    return %c0_i32, %c0_i32_0 : i32, i32
  }
  func.func @transform_10(%arg0: i32) -> (i32, i32) {
    %c0_i32 = arith.constant 0 : i32
    %c0_i32_0 = arith.constant 0 : i32
    %c0_i32_1 = arith.constant 0 : i32
    return %c0_i32, %c0_i32_0 : i32, i32
  }
  func.func @transform_11(%arg0: i32) -> (i32, i32) {
    %c0_i32 = arith.constant 0 : i32
    %c0_i32_0 = arith.constant 0 : i32
    %c0_i32_1 = arith.constant 0 : i32
    return %c0_i32, %c0_i32_0 : i32, i32
  }
  func.func @transform_12(%arg0: i32) -> (i32, i32) {
    %c0_i32 = arith.constant 0 : i32
    %c0_i32_0 = arith.constant 0 : i32
    %c0_i32_1 = arith.constant 0 : i32
    return %c0_i32, %c0_i32_0 : i32, i32
  }
  func.func @transform_13(%arg0: i32) -> (i32, i32) {
    %c0_i32 = arith.constant 0 : i32
    %c0_i32_0 = arith.constant 0 : i32
    %c0_i32_1 = arith.constant 0 : i32
    return %c0_i32, %c0_i32_0 : i32, i32
  }
  func.func @transform_14(%arg0: i32) -> (i32, i32) {
    %c0_i32 = arith.constant 0 : i32
    %c0_i32_0 = arith.constant 0 : i32
    %c0_i32_1 = arith.constant 0 : i32
    return %c0_i32, %c0_i32_0 : i32, i32
  }
  func.func @transform_15(%arg0: i32) -> (i32, i32) {
    %c0_i32 = arith.constant 0 : i32
    %c0_i32_0 = arith.constant 0 : i32
    %c0_i32_1 = arith.constant 0 : i32
    return %c0_i32, %c0_i32_0 : i32, i32
  }
  func.func @transform_16(%arg0: i32) -> (i32, i32) {
    %c0_i32 = arith.constant 0 : i32
    %c0_i32_0 = arith.constant 0 : i32
    return %arg0, %c0_i32 : i32, i32
  }
  func.func @transform_17(%arg0: i32) -> (i32, i32) {
    %c0_i32 = arith.constant 0 : i32
    %c0_i32_0 = arith.constant 0 : i32
    return %arg0, %c0_i32 : i32, i32
  }
  func.func @transform_18(%arg0: i32) -> (i32, i32) {
    %c0_i32 = arith.constant 0 : i32
    %c0_i32_0 = arith.constant 0 : i32
    return %arg0, %c0_i32 : i32, i32
  }
}

module attributes {stable_mosaic.version = 14 : i64} {
  func.func @_tc3_body(%arg0: i32, %arg1: memref<1024x128xf32, #tpu.memory_space<vmem>>, %arg2: memref<1024x128xf32, #tpu.memory_space<vmem>>, %arg3: memref<1024x128xf32, #tpu.memory_space<vmem>>, %arg4: memref<1024x128xf32, #tpu.memory_space<vmem>>, %arg5: memref<1024x128xf32, #tpu.memory_space<vmem>>, %arg6: memref<1x128xf32, #tpu.memory_space<vmem>>, %arg7: memref<1x128xf32, #tpu.memory_space<vmem>>, %arg8: memref<1024x128xf32, #tpu.memory_space<vmem>>) attributes {dimension_semantics = [#tpu.dimension_semantics<arbitrary>], iteration_bounds = array<i64: 10>, scalar_prefetch = 0 : i64, scratch_operands = 0 : i64, tpu.core_type = #tpu.core_type<tc>, window_params = [{transform_indices = @transform_0, window_bounds = array<i64: 1024, 128>}, {transform_indices = @transform_1, window_bounds = array<i64: 1024, 128>}, {transform_indices = @transform_2, window_bounds = array<i64: 1024, 128>}, {transform_indices = @transform_3, window_bounds = array<i64: 1024, 128>}, {transform_indices = @transform_4, window_bounds = array<i64: 1024, 128>}, {pipeline_mode = #tpu.pipeline_mode<synchronous>, transform_indices = @transform_5, window_bounds = array<i64: 1, 128>}, {pipeline_mode = #tpu.pipeline_mode<synchronous>, transform_indices = @transform_6, window_bounds = array<i64: 1, 128>}, {transform_indices = @transform_7, window_bounds = array<i64: 1024, 128>}]} {
    %get3A = arith.constant 0 : index
    %get3A_0 = arith.constant 0 : index
    %get3A_1 = vector.load %arg1[%get3A, %get3A_0] : memref<1024x128xf32, #tpu.memory_space<vmem>>, vector<1024x128xf32>
    %get3A_2 = arith.constant 0 : index
    %get3A_3 = arith.constant 0 : index
    %get3A_4 = vector.load %arg4[%get3A_2, %get3A_3] : memref<1024x128xf32, #tpu.memory_space<vmem>>, vector<1024x128xf32>
    %get3A_5 = arith.constant 0 : index
    %get3A_6 = arith.constant 0 : index
    %get3A_7 = vector.load %arg2[%get3A_5, %get3A_6] : memref<1024x128xf32, #tpu.memory_space<vmem>>, vector<1024x128xf32>
    %mul3A = arith.mulf %get3A_4, %get3A_7 : vector<1024x128xf32>
    %add3A = arith.addf %get3A_1, %mul3A : vector<1024x128xf32>
    %get3A_8 = arith.constant 0 : index
    %get3A_9 = arith.constant 0 : index
    %get3A_10 = vector.load %arg6[%get3A_8, %get3A_9] : memref<1x128xf32, #tpu.memory_space<vmem>>, vector<1x128xf32>
    %add3A_11 = vector.broadcast %get3A_10 : vector<1x128xf32> to vector<1024x128xf32>
    %add3A_12 = arith.addf %add3A, %add3A_11 : vector<1024x128xf32>
    %get3A_13 = arith.constant 0 : index
    %get3A_14 = arith.constant 0 : index
    %get3A_15 = vector.load %arg5[%get3A_13, %get3A_14] : memref<1024x128xf32, #tpu.memory_space<vmem>>, vector<1024x128xf32>
    %get3A_16 = arith.constant 0 : index
    %get3A_17 = arith.constant 0 : index
    %get3A_18 = vector.load %arg3[%get3A_16, %get3A_17] : memref<1024x128xf32, #tpu.memory_space<vmem>>, vector<1024x128xf32>
    %mul3A_19 = arith.mulf %get3A_15, %get3A_18 : vector<1024x128xf32>
    %add3A_20 = arith.addf %add3A_12, %mul3A_19 : vector<1024x128xf32>
    %get3A_21 = arith.constant 0 : index
    %get3A_22 = arith.constant 0 : index
    %get3A_23 = vector.load %arg7[%get3A_21, %get3A_22] : memref<1x128xf32, #tpu.memory_space<vmem>>, vector<1x128xf32>
    %add3A_24 = vector.broadcast %get3A_23 : vector<1x128xf32> to vector<1024x128xf32>
    %add3A_25 = arith.addf %add3A_20, %add3A_24 : vector<1024x128xf32>
    %swap3A = arith.constant 0 : index
    %swap3A_26 = arith.constant 0 : index
    %swap3A_27 = vector.load %arg8[%swap3A, %swap3A_26] : memref<1024x128xf32, #tpu.memory_space<vmem>>, vector<1024x128xf32>
    tpu.vector_store %arg8[%swap3A, %swap3A_26], %add3A_25 {strides = array<i32>} : memref<1024x128xf32, #tpu.memory_space<vmem>>, vector<1024x128xf32>,
    return
  }
  func.func @transform_0(%arg0: i32) -> (i32, i32) {
    %c0_i32 = arith.constant 0 : i32
    %c0_i32_0 = arith.constant 0 : i32
    return %arg0, %c0_i32 : i32, i32
  }
  func.func @transform_1(%arg0: i32) -> (i32, i32) {
    %c0_i32 = arith.constant 0 : i32
    %c0_i32_0 = arith.constant 0 : i32
    return %arg0, %c0_i32 : i32, i32
  }
  func.func @transform_2(%arg0: i32) -> (i32, i32) {
    %c0_i32 = arith.constant 0 : i32
    %c0_i32_0 = arith.constant 0 : i32
    return %arg0, %c0_i32 : i32, i32
  }
  func.func @transform_3(%arg0: i32) -> (i32, i32) {
    %c0_i32 = arith.constant 0 : i32
    %c0_i32_0 = arith.constant 0 : i32
    return %arg0, %c0_i32 : i32, i32
  }
  func.func @transform_4(%arg0: i32) -> (i32, i32) {
    %c0_i32 = arith.constant 0 : i32
    %c0_i32_0 = arith.constant 0 : i32
    return %arg0, %c0_i32 : i32, i32
  }
  func.func @transform_5(%arg0: i32) -> (i32, i32) {
    %c0_i32 = arith.constant 0 : i32
    %c0_i32_0 = arith.constant 0 : i32
    %c0_i32_1 = arith.constant 0 : i32
    return %c0_i32, %c0_i32_0 : i32, i32
  }
  func.func @transform_6(%arg0: i32) -> (i32, i32) {
    %c0_i32 = arith.constant 0 : i32
    %c0_i32_0 = arith.constant 0 : i32
    %c0_i32_1 = arith.constant 0 : i32
    return %c0_i32, %c0_i32_0 : i32, i32
  }
  func.func @transform_7(%arg0: i32) -> (i32, i32) {
    %c0_i32 = arith.constant 0 : i32
    %c0_i32_0 = arith.constant 0 : i32
    return %arg0, %c0_i32 : i32, i32
  }
}

</mosaic_0001>

<sc_bundles>
// kernel: kernel.11.cloned.1.call-start
scs
__scs_entry_jumppad:
0x0: {  	(pc) =	sbr.rel $0x88, $3  }
0x1: {  	(tag) =	ssettag $0x0;
	lr =	simm.s32 $0x1  }
0x2: {  	[smem:$0x3F8D] =	sst lr;
	_ =	strace $0xD0000000  }
0x3: {  	_ = 	snop  }
0x4: {  	_ = 	snop  }
0x5: {  	_ = 	snop  }
0x6: {  	_ = 	snop  }
0x7: {  	_ = 	snop  }
__scs_overlays_trampoline_lowered:
0x8: {  	[smem:$0x3F9C] =	sst s0  }
0x9: {  	[smem:$0x3F9D] =	sst s1  }
0xa: {  	[smem:$0x3F9E] =	sst s2  }
0xb: {  	[smem:$0x3F9F] =	sst s3  }
0xc: {  	[smem:$0x3FA0] =	sst s4  }
0xd: {  	[smem:$0x3FA1] =	sst s5  }
0xe: {  	[smem:$0x3FA2] =	sst s6  }
0xf: {  	[smem:$0x3FA3] =	sst s7  }
0x10: {  	[smem:$0x3FA4] =	sst s8  }
0x11: {  	[smem:$0x3FA5] =	sst s9;
	s0 =	simm.s32 @!p0 $0x0  }
0x12: {  	s1 =	sld [smem:$0x3F8B];
	s0 =	simm.s32 @p0 $0x1  }
0x13: {  	[smem:$0x3FA6] =	sst s0;
	s0 =	simm.s32 @!p1 $0x0  }
0x14: {  	s2 =	sld [smem:$0x3F8A];
	s0 =	simm.s32 @p1 $0x1  }
0x15: {  	[smem:$0x3FA7] =	sst s0;
	s0 =	simm.s32 @!p2 $0x0  }
0x16: {  	s3 =	sld [smem:$0x3FDB];
	s0 =	simm.s32 @p2 $0x1  }
0x17: {  	s4 =	simm.s32 $0x1BF5;
	[smem:$0x3FA9] =	sst s0  }
0x18: {  	s0 =	sld [smem:$0x3F8C];
	_ =	swait.ge [sflag:s4], $0x0  }
0x19: {  	s7 =	sld [smem:$0x3F8D]  }
0x1a: {  	s8 =	sadd.s32 $0xFFFFE003, lr  }
0x1b: {  	s9 =	sadd.s32 $0xFFFFFEF7, lr;
	s5 =	simm.s32 $0xFFFFFFFF;
	p2 =	slt.u32 s8, $0xFFFFF086  }
0x1c: {  	p1 =	slt.u32 s9, $0xF7A;
	s5 =	simm.s32 @!p2 $0x0  }
0x1d: {  	s5 =	simm.s32 @p1 $0x1;
	p0 =	seq.s32 s7, s2  }
0x1e: {  	s7 =	smul.u32 @!p0 $0xF7A, s2;
	p2 =	seq.s32 @!p0 s5, $0x0  }
0x1f: {  	s9 =	smul.u32 $0xF7A, s1;
	s8 =	simm.s32 @!p0 $0x1BF5;
	p2 =	por !p2, p0  }
0x20: {  	[sflag:s8] =	ssyncset.s32 @!p0 $0xFFFFF086;
	s6 =	sadd.s32 @!p0 s3, s7;
	s7 =	simm.s32 @!p0 $0x108  }
0x21: {  	s3 =	sadd.s32 s3, s9;
	s6 =	sadd.s32 @!p0 $0x88, s6;
	s7 =	simm.s32 @p2 $0x1082  }
0x22: {  	[simem:s7], [sflag:s8] =	dma.local @!p0 [hbm:s6], $0xF7A  }
0x23: {  	s9 =	sor.u32 $0xD0000000, s2;
	s6 =	simm.s32 $0x108;
	_ =	swait.ge @!p0 [sflag:s8], $0x0  }
0x24: {  	s3 =	sadd.s32 $0x88, s3;
	s6 =	simm.s32 @!p1 $0x1082;
	[sflag:s4] =	ssyncset.s32 $0xFFFFF086  }
0x25: {  	[simem:s6], [sflag:s4] =	dma.local [hbm:s3], $0xF7A  }
0x26: {  	[smem:$0x3F8D] =	sst s1;
	(tag) =	ssettag s2;
	_ =	strace s9  }
0x27: {  	s1 =	sld [smem:$0x3F9D]  }
0x28: {  	s2 =	sld [smem:$0x3F9E]  }
0x29: {  	s4 =	sld [smem:$0x3FA0]  }
0x2a: {  	p0 =	seq.s32 s5, $0x0;
	s5 =	sld [smem:$0x3FA1]  }
0x2b: {  	s6 =	sld [smem:$0x3FA2]  }
0x2c: {  	s7 =	sld [smem:$0x3FA3]  }
0x2d: {  	s3 =	simm.s32 $0x108;
	s8 =	sld [smem:$0x3FA4]  }
0x2e: {  	s3 =	simm.s32 @!p0 $0x1082;
	s9 =	sld [smem:$0x3FA5]  }
0x2f: {  	lr =	sadd.s32 s0, s3;
	s0 =	sld [smem:$0x3F9C]  }
0x30: {  	s3 =	sld [smem:$0x3F9F]  }
0x31: {  	[smem:$0x3FA8] =	sst s10  }
0x32: {  	s10 =	sld [smem:$0x3FA6];
	_ =	sdelay $0x3  }
0x33: {  	p0 =	seq.s32 s10, $0x1;
	s10 =	sld [smem:$0x3FA8];
	_ =	sdelay $0x3  }
0x34: {  	[smem:$0x3FA8] =	sst s10  }
0x35: {  	s10 =	sld [smem:$0x3FA7];
	_ =	sdelay $0x3  }
0x36: {  	p1 =	seq.s32 s10, $0x1;
	s10 =	sld [smem:$0x3FA8];
	_ =	sdelay $0x3  }
0x37: {  	[smem:$0x3FA8] =	sst s10  }
0x38: {  	s10 =	sld [smem:$0x3FA9]  }
0x39: {  	_ = 	snop;
	(pc) =	sbr.ind lr, $3  }
0x3a: {  	_ = 	snop  }
0x3b: {  	_ = 	snop  }
0x3c: {  	p2 =	seq.s32 s10, $0x1;
	s10 =	sld [smem:$0x3FA8]  }
0x3d: {  	_ =	shalt  }
0x3e: {  	_ =	shalt  }
0x3f: {  	_ =	shalt  }
0x40: {  	_ =	shalt  }
0x41: {  	_ =	shalt  }
0x42: {  	_ =	shalt  }
0x43: {  	_ =	shalt  }
0x44: {  	_ =	shalt  }
0x45: {  	_ =	shalt  }
0x46: {  	_ =	shalt  }
0x47: {  	_ =	shalt  }
0x48: {  	_ =	shalt  }
0x49: {  	_ =	shalt  }
0x4a: {  	_ =	shalt  }
0x4b: {  	_ =	shalt  }
0x4c: {  	_ =	shalt  }
0x4d: {  	_ =	shalt  }
0x4e: {  	_ =	shalt  }
0x4f: {  	_ =	shalt  }
0x50: {  	_ =	shalt  }
0x51: {  	_ =	shalt  }
0x52: {  	_ =	shalt  }
0x53: {  	_ =	shalt  }
0x54: {  	_ =	shalt  }
0x55: {  	_ =	shalt  }
0x56: {  	_ =	shalt  }
0x57: {  	_ =	shalt  }
0x58: {  	_ =	shalt  }
0x59: {  	_ =	shalt  }
0x5a: {  	_ =	shalt  }
0x5b: {  	_ =	shalt  }
0x5c: {  	_ =	shalt  }
0x5d: {  	_ =	shalt  }
0x5e: {  	_ =	shalt  }
0x5f: {  	_ =	shalt  }
0x60: {  	_ =	shalt  }
0x61: {  	_ =	shalt  }
0x62: {  	_ =	shalt  }
0x63: {  	_ =	shalt  }
0x64: {  	_ =	shalt  }
0x65: {  	_ =	shalt  }
0x66: {  	_ =	shalt  }
0x67: {  	_ =	shalt  }
0x68: {  	_ =	shalt  }
0x69: {  	_ =	shalt  }
0x6a: {  	_ =	shalt  }
0x6b: {  	_ =	shalt  }
0x6c: {  	_ =	shalt  }
0x6d: {  	_ =	shalt  }
0x6e: {  	_ =	shalt  }
0x6f: {  	_ =	shalt  }
0x70: {  	_ =	shalt  }
0x71: {  	_ =	shalt  }
0x72: {  	_ =	shalt  }
0x73: {  	_ =	shalt  }
0x74: {  	_ =	shalt  }
0x75: {  	_ =	shalt  }
0x76: {  	_ =	shalt  }
0x77: {  	_ =	shalt  }
0x78: {  	_ =	shalt  }
0x79: {  	_ =	shalt  }
0x7a: {  	_ =	shalt  }
0x7b: {  	_ =	shalt  }
0x7c: {  	_ =	shalt  }
0x7d: {  	_ =	shalt  }
0x7e: {  	_ =	shalt  }
0x7f: {  	_ =	shalt  }
0x80: {  	_ =	shalt  }
0x81: {  	_ =	shalt  }
0x82: {  	_ =	shalt  }
0x83: {  	_ =	shalt  }
0x84: {  	_ =	shalt  }
0x85: {  	_ =	shalt  }
0x86: {  	_ =	shalt  }
0x87: {  	_ =	shalt  }
.Lfunc_end0:
.L_simem_size_0:
called_computation.1_lowered:
.L_overlay_start_0:
0x88: {  	s2 =	sld [smem:$0x3FD9]  }
0x89: {  	s3 =	sld [smem:$0x3FFE];
	_ =	sdelay $0x1  }
0x8a: {  	s1 =	srdreg.scid  }
0x8b: {  	s0 =	sand.u32 $0x1, s1  }
0x8c: {  	s17 =	sshll.u32 s0, $0xA;
	s2 =	sadd.s32 s3, s2  }
0x8d: {  	s2 =	sadd.s32 s2, s17  }
0x8e: {  	[smem:$0x3FB4] =	sst s2  }
0x8f: {  	_ = 	snop  }
0x90: {  	s2 =	sld [smem:$0x3FD0];
	(tm) =	ssettm $0x1  }
0x91: {  	s18 =	sld [smem:$0x3FFB];
	_ =	sdelay $0x3  }
0x92: {  	_ =	strace s18  }
0x93: {  	s3 =	sld [smem:$0x3FFC];
	_ =	sdelay $0x3  }
0x94: {  	_ =	strace s3  }
0x95: {  	s3 =	sld [smem:$0x3FFD];
	_ =	sdelay $0x3  }
0x96: {  	_ =	strace s3  }
0x97: {  	_ =	strace $0x8FFFFFFF  }
0x98: {  	s19 =	sld [smem:$0x3FDB];
	_ =	sdelay $0x1  }
0x99: {  	s4 =	simm.s32 $_scs_section_size  }
0x9a: {  	s5 =	simm.s32 $_size__tile_overlayer_lowered;
	s6 =	simm.s32 $_tile_overlayer_lowered  }
0x9b: {  	s22 =	simm.s32 $0x1BFF;
	s21 =	sshll.u32 s6, $0x1;
	s3 =	sadd.s32 s4, s19  }
0x9c: {  	s7 =	simm.s32 $0x0;
	s20 =	sshll.u32 s5, $0x1;
	s5 =	sadd.s32 s21, s3  }
0x9d: {  	[timem:s7], [sflag:s22] =	dma.local [hbm:s5], s20  }
0x9e: {  	_ =	swait.ge [sflag:s22], s20  }
0x9f: {  	s4 =	ssub.s32 $0x0, s20;
	[sflag:s22] =	ssyncset.done $0x0  }
0xa0: {  	[sflag:s22] =	ssyncadd.s32 s4;
	_ =	sdelay $0x1  }
0xa1: {  	s23 =	simm.s32 $0x1B8B  }
0xa2: {  	_ =	swait.ge [sflag:s23], $0x1  }
0xa3: {  	[sflag:s23] =	ssyncset.done $0x0  }
0xa4: {  	s25 =	simm.s32 $0x1B8E;
	s24 =	sld [smem:$0x3FFE];
	[sflag:s23] =	ssyncadd.s32 $0xFFFFFFFF  }
0xa5: {  	s26 =	simm.s32 $execute0_lowered;
	[smem:$0x3FD2] =	sst s25  }
0xa6: {  	s5 =	sshll.u32 s26, $0x1;
	_ =	strace $0x80000049;
	[dreg:$0x1] =	wrdreg $0xFFFFFFFF  }
0xa7: {  	s28 =	simm.s32 $_size_execute0_lowered;
	s3 =	sadd.s32 s3, s5;
	[dreg:$0x0] =	wrdreg $0x0  }
0xa8: {  	s5 =	sshll.u32 s28, $0x1;
	[dreg:$0x2] =	wrdreg s3  }
0xa9: {  	[dreg:$0x3] =	wrdreg s5  }
0xaa: {  	[dreg:$0x4] =	wrdreg $0xC0  }
0xab: {  	_ =	task [dreg:s7], $0x5FFFF  }
0xac: {  	[dreg:$0x1] =	wrdreg $0xFFFFFFFF  }
0xad: {  	[dreg:$0x0] =	wrdreg $0x60  }
0xae: {  	[dreg:$0x2] =	wrdreg s2  }
0xaf: {  	[dreg:$0x3] =	wrdreg s24  }
0xb0: {  	[dreg:$0x4] =	wrdreg $0x0  }
0xb1: {  	[dreg:$0x5] =	wrdreg $0x9  }
0xb2: {  	_ =	task.clear_ibuf [dreg:s7], $0x6FFFF;
	_ =	strace $0x90000049  }
0xb3: {  	s29 =	simm.s32 $0x9;
	_ =	strace $0x8000004B  }
0xb4: {  	_ =	swait.ge [sflag:s29], $0x1  }
0xb5: {  	[sflag:s29] =	ssyncadd.s32 $0xFFFFFFFF  }
0xb6: {  	_ =	strace $0x9000004B  }
0xb7: {  	_ =	sfence  }
0xb8: {  	s30 =	sld [smem:$0x0];
	_ =	sdelay $0x2  }
0xb9: {  	s31 =	sshll.u32 s1, $0xD;
	s1 =	sshrl.u32 s1, $0x2  }
0xba: {  	s3 =	sand.u32 $0x4000, s31;
	s1 =	sadd.s32 s1, s30  }
0xbb: {  	s0 =	sor.u32 s3, s0;
	s1 =	sshll.u32 s1, $0x11  }
0xbc: {  	s0 =	sor.u32 s1, s0  }
0xbd: {  	s0 =	sadd.s32 $0x8F2B, s0  }
0xbe: {  	[sflag:s0] =	ssyncadd.remote.s32 $0x1  }
0xbf: {  	_ =	sfence.sel $0xFFFF  }
0xc0: {  	[dreg:$0x0] =	wrdreg $0xFFFFFFFF;
	(pc) =	sbr.abs _section_cstart, $3  }
0xc1: {  	[dreg:$0x1] =	wrdreg $0xFFFFFFFF  }
0xc2: {  	_ =	task.clear_ibuf [dreg:s7], $0x2FFFF;
	_ =	strace $0x9FFFFFFF  }
0xc3: {  	(tm) =	ssettm $0x7FFFFFFF  }
tec
execute0_lowered:
.L_overlay_start_1:
0x0: {  	(tag) =	ssettag $0x1  }
0x1: {  	s0 =	rddreg [dreg:$0x0]  }
0x2: {  	s8 =	rddreg [dreg:$0x1]  }
0x3: {  	s2 =	rddreg [dreg:$0x2];
	s3 =	simm.s32 $0x0  }
0x4: {  	s1 =	stileid.u32;
	s5 =	srdreg.scid;
	s17 =	simm.s32 $0x3  }
0x5: {  	s18 =	simm.s32 $0x14000;
	s19 =	simm.s32 $0x14080;
	s20 =	simm.s32 $0x80  }
0x6: {  	s21 =	simm.s32 $0x14200;
	s22 =	simm.s32 $0x14100;
	s23 =	simm.s32 $0x14180  }
0x7: {  	s24 =	simm.s32 $0x18200;
	s25 =	simm.s32 $0x1;
	s26 =	simm.s32 $0x2  }
0x8: {  	s28 =	simm.s32 $0x0;
	[smem:$0x7FF] =	sst s3;
	s13 =	smul.u32 $0x13C0, s1  }
0x9: {  	s4 =	sadd.s32 $0x18C00, s8;
	s9 =	sand.u32 $0x1, s5;
	s11 =	smul.u32 $0x50000, s1  }
0xa: {  	s5 =	sadd.s32 $0x40C00, s8;
	s6 =	sadd.s32 $0xB8C00, s8;
	s7 =	smul.u32 $0x2800, s1  }
0xb: {  	_ =	strace $0x8000004A;
	s10 =	ssub.s32 $0x2, s9;
	p0 =	seq.s32 s9, $0x1  }
.Ltmp0:
0xc: {  	s14 =	sadd.s32 s13, s8;
	s12 =	sshrl.u32 s10, $0x1;
	(pc) =	sbr.rel .LBB2_1-.Ltmp0, $4  }
0xd: {  	s8 =	sadd.s32 $0xE0C00, s8;
	s31 =	sshrl.u32 s11, $0x2;
	s9 =	sadd.s32 s4, s7  }
0xe: {  	s13 =	sadd.s32 s13, s0;
	s12 =	ssub.s32 s10, s12;
	s16 =	sadd.s32 s31, s2  }
0xf: {  	s10 =	sadd.s32 s5, s7;
	s11 =	smax.u32 s12, $0x1;
	s12 =	sshll.u32 s1, $0x6  }
0x10: {  	s14 =	sadd.s32 $0x5000, s14;
	s16 =	sshrl.u32 s16, $0x3;
	s15 =	sor.u32 $0x1C03, s12  }
.LBB2_7:
0x11: {  	s0 =	sadd.s32 s29, s14;
	[sflag:s17] =	ssyncadd.s32 $0xFFFFC000  }
0x12: {  	[tilespmem:s18], [sflag:$0x3] =	stream.linear.gather [hbm4b:s0+s3], $0x80, $0x38;
	[tilespmem:$0x1C200] =	vst v63  }
0x13: {  	_ =	swait.ge [sflag:s17], $0x80  }
0x14: {  	[sflag:s17] =	ssyncset.done $0x0  }
0x15: {  	s1 =	sadd.s32 $0x10, s0;
	[sflag:s17] =	ssyncadd.s32 $0xFFFFFF80  }
0x16: {  	[tilespmem:s19], [sflag:$0x3] =	stream.linear.gather [hbm4b:s1+s3], $0x80, $0x38;
	[tilespmem:$0x1C200] =	vst v63  }
0x17: {  	_ =	swait.ge [sflag:s17], $0x80  }
0x18: {  	[sflag:s17] =	ssyncset.done $0x0  }
0x19: {  	[sflag:s17] =	ssyncadd.s32 $0xFFFFFF80  }
0x1a: {  	[tilespmem:s21], [sflag:$0x1] =	stream.indirect.gather [hbm4b:s5+s20], $0x80, s18, s20, $0xb8;
	[tilespmem:$0x1C200] =	vst v63  }
0x1b: {  	s31 =	sadd.s32 $0x20, s0  }
0x1c: {  	[tilespmem:s22], [sflag:$0x3] =	stream.linear.gather [hbm4b:s31+s3], $0x80, $0x38;
	[tilespmem:$0x1C200] =	vst v63  }
0x1d: {  	_ =	swait.ge [sflag:s17], $0x80  }
0x1e: {  	[sflag:s17] =	ssyncset.done $0x0  }
0x1f: {  	s0 =	sadd.s32 $0x30, s0;
	[sflag:s17] =	ssyncadd.s32 $0xFFFFFF80  }
0x20: {  	[tilespmem:s23], [sflag:$0x3] =	stream.linear.gather [hbm4b:s0+s3], $0x80, $0x38;
	[tilespmem:$0x1C200] =	vst v63  }
0x21: {  	_ =	swait.ge [sflag:s17], $0x80  }
0x22: {  	[sflag:s17] =	ssyncset.done $0x0  }
0x23: {  	[sflag:s17] =	ssyncadd.s32 $0xFFFFFF80  }
0x24: {  	[tilespmem:s24], [sflag:$0x2] =	stream.indirect.gather [hbm4b:s5+s20], $0x80, s22, s20, $0xb8;
	[tilespmem:$0x1C200] =	vst v63  }
0x25: {  	_ =	swait.ge [sflag:s25], $0x4000  }
0x26: {  	[sflag:s25] =	ssyncset.done $0x0  }
0x27: {  	[sflag:s25] =	ssyncadd.s32 $0xFFFFC000  }
0x28: {  	[spmem:s2] =	stream.indirect.scatter.add.f32 [tilespmem:s21], [sflag:$0x3], $0x80, s19, s20, $0xb8;
	[tilespmem:$0x1C200] =	vst v63  }
0x29: {  	_ =	swait.ge [sflag:s17], $0x4000  }
0x2a: {  	[sflag:s17] =	ssyncset.done $0x0  }
0x2b: {  	[sflag:s17] =	ssyncadd.s32 $0xFFFFC000  }
0x2c: {  	_ =	swait.ge [sflag:s26], $0x4000  }
0x2d: {  	[sflag:s26] =	ssyncset.done $0x0  }
0x2e: {  	[sflag:s26] =	ssyncadd.s32 $0xFFFFC000  }
0x2f: {  	[spmem:s2] =	stream.indirect.scatter.add.f32 [tilespmem:s24], [sflag:$0x3], $0x80, s23, s20, $0xb8;
	[tilespmem:$0x1C200] =	vst v63  }
0x30: {  	_ =	swait.ge [sflag:s17], $0x4000  }
0x31: {  	[sflag:s17] =	ssyncset.done $0x0  }
0x32: {  	s29 =	smov.u32 s15;
	s0 =	smov.u32 s8;
	[sflag:s17] =	ssyncadd.s32 $0xFFFFC000  }
.LBB2_8:
0x33: {  	s28 =	sadd.s32 $0x1, s28  }
0x34: {  	p1 =	sne.s32 s28, s11  }
.Ltmp1:
0x35: {  	s0 =	sadd.s32 s0, s7;
	[bflag:$0x0] =	sbarrier.arrive $0xFFFF;
	(pc) =	sbr.rel @!p1 .LBB2_9-.Ltmp1, $4  }
0x36: {  	[hbm:s0], [sflag:s29] =	dma.local [spmem:s16], $0x2800  }
0x37: {  	_ =	swait.ge [sflag:s17], $0x2800  }
0x38: {  	[sflag:s17] =	ssyncset.done $0x0  }
0x39: {  	[sflag:s17] =	ssyncadd.s32 $0xFFFFD800  }
.LBB2_1:
.Ltmp2:
0x3a: {  	(pc) =	sbr.rel @!p0 .LBB2_2-.Ltmp2, $1  }
0x3b: {  	_ =	sdelay $0x3  }
0x3c: {  	[spmem:s16], [sflag:s15] =	dma.local [hbm:s10], $0x2800  }
0x3d: {  	_ =	swait.ge [sflag:s17], $0x2800  }
0x3e: {  	[sflag:s17] =	ssyncset.done $0x0  }
0x3f: {  	[sflag:s17] =	ssyncadd.s32 $0xFFFFD800  }
0x40: {  	s0 =	sadd.s32 $0x0, s14;
	[bflag:$0x0] =	sbarrier.arrive $0xFFFF  }
0x41: {  	[tilespmem:s18], [sflag:$0x3] =	stream.linear.gather [hbm4b:s0+s3], $0x80, $0x38;
	[tilespmem:$0x1C200] =	vst v63  }
0x42: {  	_ =	swait.ge [sflag:s17], $0x80  }
0x43: {  	[sflag:s17] =	ssyncset.done $0x0  }
0x44: {  	s1 =	sadd.s32 $0x10, s0;
	[sflag:s17] =	ssyncadd.s32 $0xFFFFFF80  }
0x45: {  	[tilespmem:s19], [sflag:$0x3] =	stream.linear.gather [hbm4b:s1+s3], $0x80, $0x38;
	[tilespmem:$0x1C200] =	vst v63  }
0x46: {  	_ =	swait.ge [sflag:s17], $0x80  }
0x47: {  	[sflag:s17] =	ssyncset.done $0x0  }
0x48: {  	[sflag:s17] =	ssyncadd.s32 $0xFFFFFF80  }
0x49: {  	[tilespmem:s21], [sflag:$0x1] =	stream.indirect.gather [hbm4b:s5+s20], $0x80, s18, s20, $0xb8;
	[tilespmem:$0x1C200] =	vst v63  }
0x4a: {  	s31 =	sadd.s32 $0x20, s0  }
0x4b: {  	[tilespmem:s22], [sflag:$0x3] =	stream.linear.gather [hbm4b:s31+s3], $0x80, $0x38;
	[tilespmem:$0x1C200] =	vst v63  }
0x4c: {  	_ =	swait.ge [sflag:s17], $0x80  }
0x4d: {  	[sflag:s17] =	ssyncset.done $0x0  }
0x4e: {  	s0 =	sadd.s32 $0x30, s0;
	[sflag:s17] =	ssyncadd.s32 $0xFFFFFF80  }
0x4f: {  	[tilespmem:s23], [sflag:$0x3] =	stream.linear.gather [hbm4b:s0+s3], $0x80, $0x38;
	[tilespmem:$0x1C200] =	vst v63  }
0x50: {  	_ =	swait.ge [sflag:s17], $0x80  }
0x51: {  	[sflag:s17] =	ssyncset.done $0x0  }
0x52: {  	[sflag:s17] =	ssyncadd.s32 $0xFFFFFF80  }
0x53: {  	[tilespmem:s24], [sflag:$0x2] =	stream.indirect.gather [hbm4b:s5+s20], $0x80, s22, s20, $0xb8;
	[tilespmem:$0x1C200] =	vst v63  }
0x54: {  	_ =	swait.ge [sflag:s25], $0x4000  }
0x55: {  	[sflag:s25] =	ssyncset.done $0x0  }
0x56: {  	[sflag:s25] =	ssyncadd.s32 $0xFFFFC000  }
0x57: {  	[spmem:s2] =	stream.indirect.scatter.add.f32 [tilespmem:s21], [sflag:$0x3], $0x80, s19, s20, $0xb8;
	[tilespmem:$0x1C200] =	vst v63  }
0x58: {  	_ =	swait.ge [sflag:s17], $0x4000  }
0x59: {  	[sflag:s17] =	ssyncset.done $0x0  }
0x5a: {  	[sflag:s17] =	ssyncadd.s32 $0xFFFFC000  }
0x5b: {  	_ =	swait.ge [sflag:s26], $0x4000  }
0x5c: {  	[sflag:s26] =	ssyncset.done $0x0  }
0x5d: {  	[sflag:s26] =	ssyncadd.s32 $0xFFFFC000  }
0x5e: {  	[spmem:s2] =	stream.indirect.scatter.add.f32 [tilespmem:s24], [sflag:$0x3], $0x80, s23, s20, $0xb8;
	[tilespmem:$0x1C200] =	vst v63  }
0x5f: {  	_ =	swait.ge [sflag:s17], $0x4000  }
0x60: {  	s29 =	simm.s32 $0x40;
	s0 =	simm.s32 $0x80;
	[sflag:s17] =	ssyncset.done $0x0  }
.LBB2_6:
0x61: {  	s1 =	sadd.s32 s29, s14  }
0x62: {  	[sflag:s17] =	ssyncadd.s32 $0xFFFFC000;
	s29 =	smov.u32 s0;
	s30 =	sadd.s32 $0x40, s0  }
0x63: {  	[tilespmem:s18], [sflag:$0x3] =	stream.linear.gather [hbm4b:s1+s3], $0x80, $0x38;
	[tilespmem:$0x1C200] =	vst v63  }
0x64: {  	p1 =	sne.s32 s0, $0x1380;
	_ =	swait.ge [sflag:s17], $0x80  }
0x65: {  	[sflag:s17] =	ssyncset.done $0x0  }
0x66: {  	s0 =	sadd.s32 $0x10, s1;
	[sflag:s17] =	ssyncadd.s32 $0xFFFFFF80  }
0x67: {  	[tilespmem:s19], [sflag:$0x3] =	stream.linear.gather [hbm4b:s0+s3], $0x80, $0x38;
	[tilespmem:$0x1C200] =	vst v63  }
0x68: {  	_ =	swait.ge [sflag:s17], $0x80  }
0x69: {  	[sflag:s17] =	ssyncset.done $0x0  }
0x6a: {  	[sflag:s17] =	ssyncadd.s32 $0xFFFFFF80  }
0x6b: {  	[tilespmem:s21], [sflag:$0x1] =	stream.indirect.gather [hbm4b:s5+s20], $0x80, s18, s20, $0xb8;
	[tilespmem:$0x1C200] =	vst v63  }
0x6c: {  	s0 =	sadd.s32 $0x20, s1  }
0x6d: {  	[tilespmem:s22], [sflag:$0x3] =	stream.linear.gather [hbm4b:s0+s3], $0x80, $0x38;
	[tilespmem:$0x1C200] =	vst v63  }
0x6e: {  	_ =	swait.ge [sflag:s17], $0x80  }
0x6f: {  	[sflag:s17] =	ssyncset.done $0x0  }
0x70: {  	s0 =	sadd.s32 $0x30, s1;
	[sflag:s17] =	ssyncadd.s32 $0xFFFFFF80  }
0x71: {  	[tilespmem:s23], [sflag:$0x3] =	stream.linear.gather [hbm4b:s0+s3], $0x80, $0x38;
	[tilespmem:$0x1C200] =	vst v63  }
0x72: {  	_ =	swait.ge [sflag:s17], $0x80  }
0x73: {  	[sflag:s17] =	ssyncset.done $0x0  }
0x74: {  	[sflag:s17] =	ssyncadd.s32 $0xFFFFFF80  }
0x75: {  	[tilespmem:s24], [sflag:$0x2] =	stream.indirect.gather [hbm4b:s5+s20], $0x80, s22, s20, $0xb8;
	[tilespmem:$0x1C200] =	vst v63  }
0x76: {  	_ =	swait.ge [sflag:s25], $0x4000  }
0x77: {  	[sflag:s25] =	ssyncset.done $0x0  }
0x78: {  	[sflag:s25] =	ssyncadd.s32 $0xFFFFC000  }
0x79: {  	[spmem:s2] =	stream.indirect.scatter.add.f32 [tilespmem:s21], [sflag:$0x3], $0x80, s19, s20, $0xb8;
	[tilespmem:$0x1C200] =	vst v63  }
0x7a: {  	_ =	swait.ge [sflag:s17], $0x4000  }
0x7b: {  	[sflag:s17] =	ssyncset.done $0x0  }
0x7c: {  	[sflag:s17] =	ssyncadd.s32 $0xFFFFC000  }
0x7d: {  	_ =	swait.ge [sflag:s26], $0x4000  }
.Ltmp3:
0x7e: {  	[sflag:s26] =	ssyncset.done $0x0;
	(pc) =	sbr.rel @p1 .LBB2_6-.Ltmp3, $4  }
0x7f: {  	[sflag:s26] =	ssyncadd.s32 $0xFFFFC000  }
0x80: {  	[spmem:s2] =	stream.indirect.scatter.add.f32 [tilespmem:s24], [sflag:$0x3], $0x80, s23, s20, $0xb8;
	[tilespmem:$0x1C200] =	vst v63  }
0x81: {  	_ =	swait.ge [sflag:s17], $0x4000  }
0x82: {  	s0 =	smov.u32 s30;
	[sflag:s17] =	ssyncset.done $0x0  }
.Ltmp4:
0x83: {  	_ = 	snop;
	(pc) =	sbr.rel .LBB2_7-.Ltmp4, $1  }
0x84: {  	_ =	sdelay $0x3  }
.LBB2_2:
0x85: {  	s29 =	sor.u32 $0x1C03, s12  }
0x86: {  	[spmem:s16], [sflag:s29] =	dma.local [hbm:s9], $0x2800  }
0x87: {  	_ =	swait.ge [sflag:s17], $0x2800  }
0x88: {  	[sflag:s17] =	ssyncset.done $0x0  }
0x89: {  	[sflag:s17] =	ssyncadd.s32 $0xFFFFD800  }
0x8a: {  	s0 =	sadd.s32 $0x0, s13;
	[bflag:$0x0] =	sbarrier.arrive $0xFFFF  }
0x8b: {  	[tilespmem:s18], [sflag:$0x3] =	stream.linear.gather [hbm4b:s0+s3], $0x80, $0x38;
	[tilespmem:$0x1C200] =	vst v63  }
0x8c: {  	_ =	swait.ge [sflag:s17], $0x80  }
0x8d: {  	[sflag:s17] =	ssyncset.done $0x0  }
0x8e: {  	s30 =	sadd.s32 $0x10, s0;
	[sflag:s17] =	ssyncadd.s32 $0xFFFFFF80  }
0x8f: {  	[tilespmem:s19], [sflag:$0x3] =	stream.linear.gather [hbm4b:s30+s3], $0x80, $0x38;
	[tilespmem:$0x1C200] =	vst v63  }
0x90: {  	_ =	swait.ge [sflag:s17], $0x80  }
0x91: {  	[sflag:s17] =	ssyncset.done $0x0  }
0x92: {  	[sflag:s17] =	ssyncadd.s32 $0xFFFFFF80  }
0x93: {  	[tilespmem:s21], [sflag:$0x1] =	stream.indirect.gather [hbm4b:s4+s20], $0x80, s18, s20, $0xb8;
	[tilespmem:$0x1C200] =	vst v63  }
0x94: {  	s30 =	sadd.s32 $0x20, s0  }
0x95: {  	[tilespmem:s22], [sflag:$0x3] =	stream.linear.gather [hbm4b:s30+s3], $0x80, $0x38;
	[tilespmem:$0x1C200] =	vst v63  }
0x96: {  	_ =	swait.ge [sflag:s17], $0x80  }
0x97: {  	[sflag:s17] =	ssyncset.done $0x0  }
0x98: {  	s0 =	sadd.s32 $0x30, s0;
	[sflag:s17] =	ssyncadd.s32 $0xFFFFFF80  }
0x99: {  	[tilespmem:s23], [sflag:$0x3] =	stream.linear.gather [hbm4b:s0+s3], $0x80, $0x38;
	[tilespmem:$0x1C200] =	vst v63  }
0x9a: {  	_ =	swait.ge [sflag:s17], $0x80  }
0x9b: {  	[sflag:s17] =	ssyncset.done $0x0  }
0x9c: {  	[sflag:s17] =	ssyncadd.s32 $0xFFFFFF80  }
0x9d: {  	[tilespmem:s24], [sflag:$0x2] =	stream.indirect.gather [hbm4b:s4+s20], $0x80, s22, s20, $0xb8;
	[tilespmem:$0x1C200] =	vst v63  }
0x9e: {  	_ =	swait.ge [sflag:s25], $0x4000  }
0x9f: {  	[sflag:s25] =	ssyncset.done $0x0  }
0xa0: {  	[sflag:s25] =	ssyncadd.s32 $0xFFFFC000  }
0xa1: {  	[spmem:s2] =	stream.indirect.scatter.add.f32 [tilespmem:s21], [sflag:$0x3], $0x80, s19, s20, $0xb8;
	[tilespmem:$0x1C200] =	vst v63  }
0xa2: {  	_ =	swait.ge [sflag:s17], $0x4000  }
0xa3: {  	[sflag:s17] =	ssyncset.done $0x0  }
0xa4: {  	[sflag:s17] =	ssyncadd.s32 $0xFFFFC000  }
0xa5: {  	_ =	swait.ge [sflag:s26], $0x4000  }
0xa6: {  	[sflag:s26] =	ssyncset.done $0x0  }
0xa7: {  	[sflag:s26] =	ssyncadd.s32 $0xFFFFC000  }
0xa8: {  	[spmem:s2] =	stream.indirect.scatter.add.f32 [tilespmem:s24], [sflag:$0x3], $0x80, s23, s20, $0xb8;
	[tilespmem:$0x1C200] =	vst v63  }
0xa9: {  	_ =	swait.ge [sflag:s17], $0x4000  }
0xaa: {  	s31 =	simm.s32 $0x80;
	s30 =	simm.s32 $0x40;
	[sflag:s17] =	ssyncset.done $0x0  }
.LBB2_3:
0xab: {  	s1 =	sadd.s32 s30, s13  }
0xac: {  	[sflag:s17] =	ssyncadd.s32 $0xFFFFC000;
	s30 =	smov.u32 s31;
	s0 =	sadd.s32 $0x40, s31  }
0xad: {  	[tilespmem:s18], [sflag:$0x3] =	stream.linear.gather [hbm4b:s1+s3], $0x80, $0x38;
	[tilespmem:$0x1C200] =	vst v63  }
0xae: {  	p1 =	seq.s32 s31, $0x1380;
	_ =	swait.ge [sflag:s17], $0x80  }
0xaf: {  	[sflag:s17] =	ssyncset.done $0x0  }
0xb0: {  	s31 =	sadd.s32 $0x10, s1;
	[sflag:s17] =	ssyncadd.s32 $0xFFFFFF80  }
0xb1: {  	[tilespmem:s19], [sflag:$0x3] =	stream.linear.gather [hbm4b:s31+s3], $0x80, $0x38;
	[tilespmem:$0x1C200] =	vst v63  }
0xb2: {  	_ =	swait.ge [sflag:s17], $0x80  }
0xb3: {  	[sflag:s17] =	ssyncset.done $0x0  }
0xb4: {  	[sflag:s17] =	ssyncadd.s32 $0xFFFFFF80  }
0xb5: {  	[tilespmem:s21], [sflag:$0x1] =	stream.indirect.gather [hbm4b:s4+s20], $0x80, s18, s20, $0xb8;
	[tilespmem:$0x1C200] =	vst v63  }
0xb6: {  	s31 =	sadd.s32 $0x20, s1  }
0xb7: {  	[tilespmem:s22], [sflag:$0x3] =	stream.linear.gather [hbm4b:s31+s3], $0x80, $0x38;
	[tilespmem:$0x1C200] =	vst v63  }
0xb8: {  	_ =	swait.ge [sflag:s17], $0x80  }
0xb9: {  	[sflag:s17] =	ssyncset.done $0x0  }
0xba: {  	s1 =	sadd.s32 $0x30, s1;
	[sflag:s17] =	ssyncadd.s32 $0xFFFFFF80  }
0xbb: {  	[tilespmem:s23], [sflag:$0x3] =	stream.linear.gather [hbm4b:s1+s3], $0x80, $0x38;
	[tilespmem:$0x1C200] =	vst v63  }
0xbc: {  	_ =	swait.ge [sflag:s17], $0x80  }
0xbd: {  	[sflag:s17] =	ssyncset.done $0x0  }
0xbe: {  	[sflag:s17] =	ssyncadd.s32 $0xFFFFFF80  }
0xbf: {  	[tilespmem:s24], [sflag:$0x2] =	stream.indirect.gather [hbm4b:s4+s20], $0x80, s22, s20, $0xb8;
	[tilespmem:$0x1C200] =	vst v63  }
0xc0: {  	_ =	swait.ge [sflag:s25], $0x4000  }
0xc1: {  	[sflag:s25] =	ssyncset.done $0x0  }
0xc2: {  	[sflag:s25] =	ssyncadd.s32 $0xFFFFC000  }
0xc3: {  	[spmem:s2] =	stream.indirect.scatter.add.f32 [tilespmem:s21], [sflag:$0x3], $0x80, s19, s20, $0xb8;
	[tilespmem:$0x1C200] =	vst v63  }
0xc4: {  	_ =	swait.ge [sflag:s17], $0x4000  }
0xc5: {  	[sflag:s17] =	ssyncset.done $0x0  }
0xc6: {  	[sflag:s17] =	ssyncadd.s32 $0xFFFFC000  }
0xc7: {  	_ =	swait.ge [sflag:s26], $0x4000  }
.Ltmp5:
0xc8: {  	[sflag:s26] =	ssyncset.done $0x0;
	(pc) =	sbr.rel @!p1 .LBB2_3-.Ltmp5, $4  }
0xc9: {  	[sflag:s26] =	ssyncadd.s32 $0xFFFFC000  }
0xca: {  	[spmem:s2] =	stream.indirect.scatter.add.f32 [tilespmem:s24], [sflag:$0x3], $0x80, s23, s20, $0xb8;
	[tilespmem:$0x1C200] =	vst v63  }
0xcb: {  	_ =	swait.ge [sflag:s17], $0x4000  }
0xcc: {  	s31 =	smov.u32 s0;
	[sflag:s17] =	ssyncset.done $0x0  }
0xcd: {  	s0 =	sadd.s32 s30, s13;
	[sflag:s17] =	ssyncadd.s32 $0xFFFFC000  }
0xce: {  	[tilespmem:s18], [sflag:$0x3] =	stream.linear.gather [hbm4b:s0+s3], $0x80, $0x38;
	[tilespmem:$0x1C200] =	vst v63  }
0xcf: {  	_ =	swait.ge [sflag:s17], $0x80  }
0xd0: {  	[sflag:s17] =	ssyncset.done $0x0  }
0xd1: {  	s1 =	sadd.s32 $0x10, s0;
	[sflag:s17] =	ssyncadd.s32 $0xFFFFFF80  }
0xd2: {  	[tilespmem:s19], [sflag:$0x3] =	stream.linear.gather [hbm4b:s1+s3], $0x80, $0x38;
	[tilespmem:$0x1C200] =	vst v63  }
0xd3: {  	_ =	swait.ge [sflag:s17], $0x80  }
0xd4: {  	[sflag:s17] =	ssyncset.done $0x0  }
0xd5: {  	[sflag:s17] =	ssyncadd.s32 $0xFFFFFF80  }
0xd6: {  	[tilespmem:s21], [sflag:$0x1] =	stream.indirect.gather [hbm4b:s4+s20], $0x80, s18, s20, $0xb8;
	[tilespmem:$0x1C200] =	vst v63  }
0xd7: {  	s31 =	sadd.s32 $0x20, s0  }
0xd8: {  	[tilespmem:s22], [sflag:$0x3] =	stream.linear.gather [hbm4b:s31+s3], $0x80, $0x38;
	[tilespmem:$0x1C200] =	vst v63  }
0xd9: {  	_ =	swait.ge [sflag:s17], $0x80  }
0xda: {  	[sflag:s17] =	ssyncset.done $0x0  }
0xdb: {  	s0 =	sadd.s32 $0x30, s0;
	[sflag:s17] =	ssyncadd.s32 $0xFFFFFF80  }
0xdc: {  	[tilespmem:s23], [sflag:$0x3] =	stream.linear.gather [hbm4b:s0+s3], $0x80, $0x38;
	[tilespmem:$0x1C200] =	vst v63  }
0xdd: {  	_ =	swait.ge [sflag:s17], $0x80  }
0xde: {  	[sflag:s17] =	ssyncset.done $0x0  }
0xdf: {  	[sflag:s17] =	ssyncadd.s32 $0xFFFFFF80  }
0xe0: {  	[tilespmem:s24], [sflag:$0x2] =	stream.indirect.gather [hbm4b:s4+s20], $0x80, s22, s20, $0xb8;
	[tilespmem:$0x1C200] =	vst v63  }
0xe1: {  	_ =	swait.ge [sflag:s25], $0x4000  }
0xe2: {  	[sflag:s25] =	ssyncset.done $0x0  }
0xe3: {  	[sflag:s25] =	ssyncadd.s32 $0xFFFFC000  }
0xe4: {  	[spmem:s2] =	stream.indirect.scatter.add.f32 [tilespmem:s21], [sflag:$0x3], $0x80, s19, s20, $0xb8;
	[tilespmem:$0x1C200] =	vst v63  }
0xe5: {  	_ =	swait.ge [sflag:s17], $0x4000  }
0xe6: {  	[sflag:s17] =	ssyncset.done $0x0  }
0xe7: {  	[sflag:s17] =	ssyncadd.s32 $0xFFFFC000  }
0xe8: {  	_ =	swait.ge [sflag:s26], $0x4000  }
0xe9: {  	[sflag:s26] =	ssyncset.done $0x0  }
.Ltmp6:
0xea: {  	[sflag:s26] =	ssyncadd.s32 $0xFFFFC000;
	(pc) =	sbr.rel .LBB2_8-.Ltmp6, $4  }
0xeb: {  	[spmem:s2] =	stream.indirect.scatter.add.f32 [tilespmem:s24], [sflag:$0x3], $0x80, s23, s20, $0xb8;
	[tilespmem:$0x1C200] =	vst v63  }
0xec: {  	_ =	swait.ge [sflag:s17], $0x4000  }
0xed: {  	[sflag:s17] =	ssyncset.done $0x0  }
0xee: {  	s0 =	smov.u32 s6;
	[sflag:s17] =	ssyncadd.s32 $0xFFFFC000  }
.LBB2_9:
0xef: {  	_ =	sfence.sel $0x180000  }
0xf0: {  	[bflag:$0x0] =	sbarrier.arrive $0xFFFF  }
0xf1: {  	_ =	strace $0x9000004A  }
0xf2: {  	s0 =	stileid.u32;
	[bflag:$0x2] =	sbarrier.arrive $0xFFFF  }
0xf3: {  	p0 =	sne.s32 s0, $0x0;
	s0 =	rddreg [dreg:$0x3]  }
0xf4: {  	s0 =	sadd.s32 @!p0 $0x100000, s0  }
0xf5: {  	[sflag:s0] =	ssyncadd.tile.s32 @!p0 $0x1;
	_ =	shalt  }
.Lfunc_end2:
_tile_overlayer_lowered:
.L_overlay_start_2:
0xf6: {  	(tag) =	ssettag $0x2  }
0xf7: {  	s0 =	rddreg [dreg:$0x0];
	s2 =	stileid.u32  }
0xf8: {  	s1 =	rddreg [dreg:$0x1];
	p0 =	sne.s32 s2, $0x0  }
0xf9: {  	s3 =	rddreg [dreg:$0x2];
	[bflag:$0x3] =	sbarrier.arrive $0xFFFF;
	s2 =	simm.s32 @!p0 $0x1C03  }
0xfa: {  	[timem:s3], [sflag:s2] =	dma.local @!p0 [hbm:s0], s1  }
0xfb: {  	s0 =	simm.s32 @!p0 $0x3  }
0xfc: {  	_ =	swait.ge @!p0 [sflag:s0], s1  }
0xfd: {  	s1 =	ssub.s32 @!p0 $0x0, s1;
	[sflag:s0] =	ssyncset.done @!p0 $0x0  }
0xfe: {  	[sflag:s0] =	ssyncadd.s32 @!p0 s1  }
0xff: {  	[bflag:$0x3] =	sbarrier.arrive $0xFFFF  }
0x100: {  	_ =	shalt  }

// kernel: kernel.14.cloned.1.call-start
scs
__scs_entry_jumppad:
0x0: {  	(pc) =	sbr.rel $0x88, $3  }
0x1: {  	(tag) =	ssettag $0x0;
	lr =	simm.s32 $0x1  }
0x2: {  	[smem:$0x3F8D] =	sst lr;
	_ =	strace $0xD0000000  }
0x3: {  	_ = 	snop  }
0x4: {  	_ = 	snop  }
0x5: {  	_ = 	snop  }
0x6: {  	_ = 	snop  }
0x7: {  	_ = 	snop  }
__scs_overlays_trampoline_lowered:
0x8: {  	[smem:$0x3F9C] =	sst s0  }
0x9: {  	[smem:$0x3F9D] =	sst s1  }
0xa: {  	[smem:$0x3F9E] =	sst s2  }
0xb: {  	[smem:$0x3F9F] =	sst s3  }
0xc: {  	[smem:$0x3FA0] =	sst s4  }
0xd: {  	[smem:$0x3FA1] =	sst s5  }
0xe: {  	[smem:$0x3FA2] =	sst s6  }
0xf: {  	[smem:$0x3FA3] =	sst s7  }
0x10: {  	[smem:$0x3FA4] =	sst s8  }
0x11: {  	[smem:$0x3FA5] =	sst s9;
	s0 =	simm.s32 @!p0 $0x0  }
0x12: {  	s1 =	sld [smem:$0x3F8B];
	s0 =	simm.s32 @p0 $0x1  }
0x13: {  	[smem:$0x3FA6] =	sst s0;
	s0 =	simm.s32 @!p1 $0x0  }
0x14: {  	s2 =	sld [smem:$0x3F8A];
	s0 =	simm.s32 @p1 $0x1  }
0x15: {  	[smem:$0x3FA7] =	sst s0;
	s0 =	simm.s32 @!p2 $0x0  }
0x16: {  	s3 =	sld [smem:$0x3FDB];
	s0 =	simm.s32 @p2 $0x1  }
0x17: {  	s4 =	simm.s32 $0x1BF5;
	[smem:$0x3FA9] =	sst s0  }
0x18: {  	s0 =	sld [smem:$0x3F8C];
	_ =	swait.ge [sflag:s4], $0x0  }
0x19: {  	s7 =	sld [smem:$0x3F8D]  }
0x1a: {  	s8 =	sadd.s32 $0xFFFFE003, lr  }
0x1b: {  	s9 =	sadd.s32 $0xFFFFFEF7, lr;
	s5 =	simm.s32 $0xFFFFFFFF;
	p2 =	slt.u32 s8, $0xFFFFF086  }
0x1c: {  	p1 =	slt.u32 s9, $0xF7A;
	s5 =	simm.s32 @!p2 $0x0  }
0x1d: {  	s5 =	simm.s32 @p1 $0x1;
	p0 =	seq.s32 s7, s2  }
0x1e: {  	s7 =	smul.u32 @!p0 $0xF7A, s2;
	p2 =	seq.s32 @!p0 s5, $0x0  }
0x1f: {  	s9 =	smul.u32 $0xF7A, s1;
	s8 =	simm.s32 @!p0 $0x1BF5;
	p2 =	por !p2, p0  }
0x20: {  	[sflag:s8] =	ssyncset.s32 @!p0 $0xFFFFF086;
	s6 =	sadd.s32 @!p0 s3, s7;
	s7 =	simm.s32 @!p0 $0x108  }
0x21: {  	s3 =	sadd.s32 s3, s9;
	s6 =	sadd.s32 @!p0 $0x88, s6;
	s7 =	simm.s32 @p2 $0x1082  }
0x22: {  	[simem:s7], [sflag:s8] =	dma.local @!p0 [hbm:s6], $0xF7A  }
0x23: {  	s9 =	sor.u32 $0xD0000000, s2;
	s6 =	simm.s32 $0x108;
	_ =	swait.ge @!p0 [sflag:s8], $0x0  }
0x24: {  	s3 =	sadd.s32 $0x88, s3;
	s6 =	simm.s32 @!p1 $0x1082;
	[sflag:s4] =	ssyncset.s32 $0xFFFFF086  }
0x25: {  	[simem:s6], [sflag:s4] =	dma.local [hbm:s3], $0xF7A  }
0x26: {  	[smem:$0x3F8D] =	sst s1;
	(tag) =	ssettag s2;
	_ =	strace s9  }
0x27: {  	s1 =	sld [smem:$0x3F9D]  }
0x28: {  	s2 =	sld [smem:$0x3F9E]  }
0x29: {  	s4 =	sld [smem:$0x3FA0]  }
0x2a: {  	p0 =	seq.s32 s5, $0x0;
	s5 =	sld [smem:$0x3FA1]  }
0x2b: {  	s6 =	sld [smem:$0x3FA2]  }
0x2c: {  	s7 =	sld [smem:$0x3FA3]  }
0x2d: {  	s3 =	simm.s32 $0x108;
	s8 =	sld [smem:$0x3FA4]  }
0x2e: {  	s3 =	simm.s32 @!p0 $0x1082;
	s9 =	sld [smem:$0x3FA5]  }
0x2f: {  	lr =	sadd.s32 s0, s3;
	s0 =	sld [smem:$0x3F9C]  }
0x30: {  	s3 =	sld [smem:$0x3F9F]  }
0x31: {  	[smem:$0x3FA8] =	sst s10  }
0x32: {  	s10 =	sld [smem:$0x3FA6];
	_ =	sdelay $0x3  }
0x33: {  	p0 =	seq.s32 s10, $0x1;
	s10 =	sld [smem:$0x3FA8];
	_ =	sdelay $0x3  }
0x34: {  	[smem:$0x3FA8] =	sst s10  }
0x35: {  	s10 =	sld [smem:$0x3FA7];
	_ =	sdelay $0x3  }
0x36: {  	p1 =	seq.s32 s10, $0x1;
	s10 =	sld [smem:$0x3FA8];
	_ =	sdelay $0x3  }
0x37: {  	[smem:$0x3FA8] =	sst s10  }
0x38: {  	s10 =	sld [smem:$0x3FA9]  }
0x39: {  	_ = 	snop;
	(pc) =	sbr.ind lr, $3  }
0x3a: {  	_ = 	snop  }
0x3b: {  	_ = 	snop  }
0x3c: {  	p2 =	seq.s32 s10, $0x1;
	s10 =	sld [smem:$0x3FA8]  }
0x3d: {  	_ =	shalt  }
0x3e: {  	_ =	shalt  }
0x3f: {  	_ =	shalt  }
0x40: {  	_ =	shalt  }
0x41: {  	_ =	shalt  }
0x42: {  	_ =	shalt  }
0x43: {  	_ =	shalt  }
0x44: {  	_ =	shalt  }
0x45: {  	_ =	shalt  }
0x46: {  	_ =	shalt  }
0x47: {  	_ =	shalt  }
0x48: {  	_ =	shalt  }
0x49: {  	_ =	shalt  }
0x4a: {  	_ =	shalt  }
0x4b: {  	_ =	shalt  }
0x4c: {  	_ =	shalt  }
0x4d: {  	_ =	shalt  }
0x4e: {  	_ =	shalt  }
0x4f: {  	_ =	shalt  }
0x50: {  	_ =	shalt  }
0x51: {  	_ =	shalt  }
0x52: {  	_ =	shalt  }
0x53: {  	_ =	shalt  }
0x54: {  	_ =	shalt  }
0x55: {  	_ =	shalt  }
0x56: {  	_ =	shalt  }
0x57: {  	_ =	shalt  }
0x58: {  	_ =	shalt  }
0x59: {  	_ =	shalt  }
0x5a: {  	_ =	shalt  }
0x5b: {  	_ =	shalt  }
0x5c: {  	_ =	shalt  }
0x5d: {  	_ =	shalt  }
0x5e: {  	_ =	shalt  }
0x5f: {  	_ =	shalt  }
0x60: {  	_ =	shalt  }
0x61: {  	_ =	shalt  }
0x62: {  	_ =	shalt  }
0x63: {  	_ =	shalt  }
0x64: {  	_ =	shalt  }
0x65: {  	_ =	shalt  }
0x66: {  	_ =	shalt  }
0x67: {  	_ =	shalt  }
0x68: {  	_ =	shalt  }
0x69: {  	_ =	shalt  }
0x6a: {  	_ =	shalt  }
0x6b: {  	_ =	shalt  }
0x6c: {  	_ =	shalt  }
0x6d: {  	_ =	shalt  }
0x6e: {  	_ =	shalt  }
0x6f: {  	_ =	shalt  }
0x70: {  	_ =	shalt  }
0x71: {  	_ =	shalt  }
0x72: {  	_ =	shalt  }
0x73: {  	_ =	shalt  }
0x74: {  	_ =	shalt  }
0x75: {  	_ =	shalt  }
0x76: {  	_ =	shalt  }
0x77: {  	_ =	shalt  }
0x78: {  	_ =	shalt  }
0x79: {  	_ =	shalt  }
0x7a: {  	_ =	shalt  }
0x7b: {  	_ =	shalt  }
0x7c: {  	_ =	shalt  }
0x7d: {  	_ =	shalt  }
0x7e: {  	_ =	shalt  }
0x7f: {  	_ =	shalt  }
0x80: {  	_ =	shalt  }
0x81: {  	_ =	shalt  }
0x82: {  	_ =	shalt  }
0x83: {  	_ =	shalt  }
0x84: {  	_ =	shalt  }
0x85: {  	_ =	shalt  }
0x86: {  	_ =	shalt  }
0x87: {  	_ =	shalt  }
.Lfunc_end0:
.L_simem_size_0:
called_computation.2_lowered:
.L_overlay_start_0:
0x88: {  	s2 =	sld [smem:$0x3FD9]  }
0x89: {  	s3 =	sld [smem:$0x3FFE];
	_ =	sdelay $0x1  }
0x8a: {  	s1 =	srdreg.scid  }
0x8b: {  	s0 =	sand.u32 $0x1, s1  }
0x8c: {  	s17 =	sshll.u32 s0, $0xA;
	s2 =	sadd.s32 s3, s2  }
0x8d: {  	s2 =	sadd.s32 s2, s17  }
0x8e: {  	[smem:$0x3FB4] =	sst s2  }
0x8f: {  	_ = 	snop  }
0x90: {  	s2 =	sld [smem:$0x3FD0];
	(tm) =	ssettm $0x1  }
0x91: {  	s18 =	sld [smem:$0x3FFB];
	_ =	sdelay $0x3  }
0x92: {  	_ =	strace s18  }
0x93: {  	s3 =	sld [smem:$0x3FFC];
	_ =	sdelay $0x3  }
0x94: {  	_ =	strace s3  }
0x95: {  	s3 =	sld [smem:$0x3FFD];
	_ =	sdelay $0x3  }
0x96: {  	_ =	strace s3  }
0x97: {  	_ =	strace $0x8FFFFFFF  }
0x98: {  	s19 =	sld [smem:$0x3FDB];
	_ =	sdelay $0x1  }
0x99: {  	s4 =	simm.s32 $_scs_section_size  }
0x9a: {  	s5 =	simm.s32 $_size__tile_overlayer_lowered;
	s6 =	simm.s32 $_tile_overlayer_lowered  }
0x9b: {  	s22 =	simm.s32 $0x1BFF;
	s21 =	sshll.u32 s6, $0x1;
	s3 =	sadd.s32 s4, s19  }
0x9c: {  	s7 =	simm.s32 $0x0;
	s20 =	sshll.u32 s5, $0x1;
	s5 =	sadd.s32 s21, s3  }
0x9d: {  	[timem:s7], [sflag:s22] =	dma.local [hbm:s5], s20  }
0x9e: {  	_ =	swait.ge [sflag:s22], s20  }
0x9f: {  	s4 =	ssub.s32 $0x0, s20;
	[sflag:s22] =	ssyncset.done $0x0  }
0xa0: {  	[sflag:s22] =	ssyncadd.s32 s4;
	_ =	sdelay $0x1  }
0xa1: {  	s23 =	simm.s32 $0x1B8B  }
0xa2: {  	_ =	swait.ge [sflag:s23], $0x1  }
0xa3: {  	[sflag:s23] =	ssyncset.done $0x0  }
0xa4: {  	s25 =	simm.s32 $0x1B8E;
	s24 =	sld [smem:$0x3FFE];
	[sflag:s23] =	ssyncadd.s32 $0xFFFFFFFF  }
0xa5: {  	s26 =	simm.s32 $execute0_lowered;
	[smem:$0x3FD2] =	sst s25  }
0xa6: {  	s5 =	sshll.u32 s26, $0x1;
	_ =	strace $0x8000004C;
	[dreg:$0x1] =	wrdreg $0xFFFFFFFF  }
0xa7: {  	s28 =	simm.s32 $_size_execute0_lowered;
	s3 =	sadd.s32 s3, s5;
	[dreg:$0x0] =	wrdreg $0x0  }
0xa8: {  	s5 =	sshll.u32 s28, $0x1;
	[dreg:$0x2] =	wrdreg s3  }
0xa9: {  	[dreg:$0x3] =	wrdreg s5  }
0xaa: {  	[dreg:$0x4] =	wrdreg $0xC0  }
0xab: {  	_ =	task [dreg:s7], $0x5FFFF  }
0xac: {  	[dreg:$0x1] =	wrdreg $0xFFFFFFFF  }
0xad: {  	[dreg:$0x0] =	wrdreg $0x60  }
0xae: {  	[dreg:$0x2] =	wrdreg s2  }
0xaf: {  	[dreg:$0x3] =	wrdreg s24  }
0xb0: {  	[dreg:$0x4] =	wrdreg $0x0  }
0xb1: {  	[dreg:$0x5] =	wrdreg $0x9  }
0xb2: {  	_ =	task.clear_ibuf [dreg:s7], $0x6FFFF;
	_ =	strace $0x9000004C  }
0xb3: {  	s29 =	simm.s32 $0x9;
	_ =	strace $0x8000004E  }
0xb4: {  	_ =	swait.ge [sflag:s29], $0x1  }
0xb5: {  	[sflag:s29] =	ssyncadd.s32 $0xFFFFFFFF  }
0xb6: {  	_ =	strace $0x9000004E  }
0xb7: {  	_ =	sfence  }
0xb8: {  	s30 =	sld [smem:$0x0];
	_ =	sdelay $0x2  }
0xb9: {  	s31 =	sshll.u32 s1, $0xD;
	s1 =	sshrl.u32 s1, $0x2  }
0xba: {  	s3 =	sand.u32 $0x4000, s31;
	s1 =	sadd.s32 s1, s30  }
0xbb: {  	s0 =	sor.u32 s3, s0;
	s1 =	sshll.u32 s1, $0x11  }
0xbc: {  	s0 =	sor.u32 s1, s0  }
0xbd: {  	s0 =	sadd.s32 $0x8F2B, s0  }
0xbe: {  	[sflag:s0] =	ssyncadd.remote.s32 $0x1  }
0xbf: {  	_ =	sfence.sel $0xFFFF  }
0xc0: {  	[dreg:$0x0] =	wrdreg $0xFFFFFFFF;
	(pc) =	sbr.abs _section_cstart, $3  }
0xc1: {  	[dreg:$0x1] =	wrdreg $0xFFFFFFFF  }
0xc2: {  	_ =	task.clear_ibuf [dreg:s7], $0x2FFFF;
	_ =	strace $0x9FFFFFFF  }
0xc3: {  	(tm) =	ssettm $0x7FFFFFFF  }
tec
execute0_lowered:
.L_overlay_start_1:
0x0: {  	(tag) =	ssettag $0x1  }
0x1: {  	s0 =	rddreg [dreg:$0x0]  }
0x2: {  	s8 =	rddreg [dreg:$0x1]  }
0x3: {  	s2 =	rddreg [dreg:$0x2];
	s3 =	simm.s32 $0x0  }
0x4: {  	s1 =	stileid.u32;
	s5 =	srdreg.scid;
	s17 =	simm.s32 $0x3  }
0x5: {  	s18 =	simm.s32 $0x14000;
	s19 =	simm.s32 $0x14080;
	s20 =	simm.s32 $0x80  }
0x6: {  	s21 =	simm.s32 $0x14200;
	s22 =	simm.s32 $0x14100;
	s23 =	simm.s32 $0x14180  }
0x7: {  	s24 =	simm.s32 $0x18200;
	s25 =	simm.s32 $0x1;
	s26 =	simm.s32 $0x2  }
0x8: {  	s28 =	simm.s32 $0x0;
	[smem:$0x7FF] =	sst s3;
	s13 =	smul.u32 $0x13C0, s1  }
0x9: {  	s4 =	sadd.s32 $0x18C00, s8;
	s9 =	sand.u32 $0x1, s5;
	s11 =	smul.u32 $0x50000, s1  }
0xa: {  	s5 =	sadd.s32 $0x40C00, s8;
	s6 =	sadd.s32 $0xB8C00, s8;
	s7 =	smul.u32 $0x2800, s1  }
0xb: {  	_ =	strace $0x8000004D;
	s10 =	ssub.s32 $0x2, s9;
	p0 =	seq.s32 s9, $0x1  }
.Ltmp0:
0xc: {  	s14 =	sadd.s32 s13, s8;
	s12 =	sshrl.u32 s10, $0x1;
	(pc) =	sbr.rel .LBB2_1-.Ltmp0, $4  }
0xd: {  	s8 =	sadd.s32 $0xE0C00, s8;
	s31 =	sshrl.u32 s11, $0x2;
	s9 =	sadd.s32 s4, s7  }
0xe: {  	s13 =	sadd.s32 s13, s0;
	s12 =	ssub.s32 s10, s12;
	s16 =	sadd.s32 s31, s2  }
0xf: {  	s10 =	sadd.s32 s5, s7;
	s11 =	smax.u32 s12, $0x1;
	s12 =	sshll.u32 s1, $0x6  }
0x10: {  	s14 =	sadd.s32 $0x5000, s14;
	s16 =	sshrl.u32 s16, $0x3;
	s15 =	sor.u32 $0x1C03, s12  }
.LBB2_7:
0x11: {  	s0 =	sadd.s32 s29, s14;
	[sflag:s17] =	ssyncadd.s32 $0xFFFFC000  }
0x12: {  	[tilespmem:s18], [sflag:$0x3] =	stream.linear.gather [hbm4b:s0+s3], $0x80, $0x38;
	[tilespmem:$0x1C200] =	vst v63  }
0x13: {  	_ =	swait.ge [sflag:s17], $0x80  }
0x14: {  	[sflag:s17] =	ssyncset.done $0x0  }
0x15: {  	s1 =	sadd.s32 $0x10, s0;
	[sflag:s17] =	ssyncadd.s32 $0xFFFFFF80  }
0x16: {  	[tilespmem:s19], [sflag:$0x3] =	stream.linear.gather [hbm4b:s1+s3], $0x80, $0x38;
	[tilespmem:$0x1C200] =	vst v63  }
0x17: {  	_ =	swait.ge [sflag:s17], $0x80  }
0x18: {  	[sflag:s17] =	ssyncset.done $0x0  }
0x19: {  	[sflag:s17] =	ssyncadd.s32 $0xFFFFFF80  }
0x1a: {  	[tilespmem:s21], [sflag:$0x1] =	stream.indirect.gather [hbm4b:s5+s20], $0x80, s18, s20, $0xb8;
	[tilespmem:$0x1C200] =	vst v63  }
0x1b: {  	s31 =	sadd.s32 $0x20, s0  }
0x1c: {  	[tilespmem:s22], [sflag:$0x3] =	stream.linear.gather [hbm4b:s31+s3], $0x80, $0x38;
	[tilespmem:$0x1C200] =	vst v63  }
0x1d: {  	_ =	swait.ge [sflag:s17], $0x80  }
0x1e: {  	[sflag:s17] =	ssyncset.done $0x0  }
0x1f: {  	s0 =	sadd.s32 $0x30, s0;
	[sflag:s17] =	ssyncadd.s32 $0xFFFFFF80  }
0x20: {  	[tilespmem:s23], [sflag:$0x3] =	stream.linear.gather [hbm4b:s0+s3], $0x80, $0x38;
	[tilespmem:$0x1C200] =	vst v63  }
0x21: {  	_ =	swait.ge [sflag:s17], $0x80  }
0x22: {  	[sflag:s17] =	ssyncset.done $0x0  }
0x23: {  	[sflag:s17] =	ssyncadd.s32 $0xFFFFFF80  }
0x24: {  	[tilespmem:s24], [sflag:$0x2] =	stream.indirect.gather [hbm4b:s5+s20], $0x80, s22, s20, $0xb8;
	[tilespmem:$0x1C200] =	vst v63  }
0x25: {  	_ =	swait.ge [sflag:s25], $0x4000  }
0x26: {  	[sflag:s25] =	ssyncset.done $0x0  }
0x27: {  	[sflag:s25] =	ssyncadd.s32 $0xFFFFC000  }
0x28: {  	[spmem:s2] =	stream.indirect.scatter.add.f32 [tilespmem:s21], [sflag:$0x3], $0x80, s19, s20, $0xb8;
	[tilespmem:$0x1C200] =	vst v63  }
0x29: {  	_ =	swait.ge [sflag:s17], $0x4000  }
0x2a: {  	[sflag:s17] =	ssyncset.done $0x0  }
0x2b: {  	[sflag:s17] =	ssyncadd.s32 $0xFFFFC000  }
0x2c: {  	_ =	swait.ge [sflag:s26], $0x4000  }
0x2d: {  	[sflag:s26] =	ssyncset.done $0x0  }
0x2e: {  	[sflag:s26] =	ssyncadd.s32 $0xFFFFC000  }
0x2f: {  	[spmem:s2] =	stream.indirect.scatter.add.f32 [tilespmem:s24], [sflag:$0x3], $0x80, s23, s20, $0xb8;
	[tilespmem:$0x1C200] =	vst v63  }
0x30: {  	_ =	swait.ge [sflag:s17], $0x4000  }
0x31: {  	[sflag:s17] =	ssyncset.done $0x0  }
0x32: {  	s29 =	smov.u32 s15;
	s0 =	smov.u32 s8;
	[sflag:s17] =	ssyncadd.s32 $0xFFFFC000  }
.LBB2_8:
0x33: {  	s28 =	sadd.s32 $0x1, s28  }
0x34: {  	p1 =	sne.s32 s28, s11  }
.Ltmp1:
0x35: {  	s0 =	sadd.s32 s0, s7;
	[bflag:$0x0] =	sbarrier.arrive $0xFFFF;
	(pc) =	sbr.rel @!p1 .LBB2_9-.Ltmp1, $4  }
0x36: {  	[hbm:s0], [sflag:s29] =	dma.local [spmem:s16], $0x2800  }
0x37: {  	_ =	swait.ge [sflag:s17], $0x2800  }
0x38: {  	[sflag:s17] =	ssyncset.done $0x0  }
0x39: {  	[sflag:s17] =	ssyncadd.s32 $0xFFFFD800  }
.LBB2_1:
.Ltmp2:
0x3a: {  	(pc) =	sbr.rel @!p0 .LBB2_2-.Ltmp2, $1  }
0x3b: {  	_ =	sdelay $0x3  }
0x3c: {  	[spmem:s16], [sflag:s15] =	dma.local [hbm:s10], $0x2800  }
0x3d: {  	_ =	swait.ge [sflag:s17], $0x2800  }
0x3e: {  	[sflag:s17] =	ssyncset.done $0x0  }
0x3f: {  	[sflag:s17] =	ssyncadd.s32 $0xFFFFD800  }
0x40: {  	s0 =	sadd.s32 $0x0, s14;
	[bflag:$0x0] =	sbarrier.arrive $0xFFFF  }
0x41: {  	[tilespmem:s18], [sflag:$0x3] =	stream.linear.gather [hbm4b:s0+s3], $0x80, $0x38;
	[tilespmem:$0x1C200] =	vst v63  }
0x42: {  	_ =	swait.ge [sflag:s17], $0x80  }
0x43: {  	[sflag:s17] =	ssyncset.done $0x0  }
0x44: {  	s1 =	sadd.s32 $0x10, s0;
	[sflag:s17] =	ssyncadd.s32 $0xFFFFFF80  }
0x45: {  	[tilespmem:s19], [sflag:$0x3] =	stream.linear.gather [hbm4b:s1+s3], $0x80, $0x38;
	[tilespmem:$0x1C200] =	vst v63  }
0x46: {  	_ =	swait.ge [sflag:s17], $0x80  }
0x47: {  	[sflag:s17] =	ssyncset.done $0x0  }
0x48: {  	[sflag:s17] =	ssyncadd.s32 $0xFFFFFF80  }
0x49: {  	[tilespmem:s21], [sflag:$0x1] =	stream.indirect.gather [hbm4b:s5+s20], $0x80, s18, s20, $0xb8;
	[tilespmem:$0x1C200] =	vst v63  }
0x4a: {  	s31 =	sadd.s32 $0x20, s0  }
0x4b: {  	[tilespmem:s22], [sflag:$0x3] =	stream.linear.gather [hbm4b:s31+s3], $0x80, $0x38;
	[tilespmem:$0x1C200] =	vst v63  }
0x4c: {  	_ =	swait.ge [sflag:s17], $0x80  }
0x4d: {  	[sflag:s17] =	ssyncset.done $0x0  }
0x4e: {  	s0 =	sadd.s32 $0x30, s0;
	[sflag:s17] =	ssyncadd.s32 $0xFFFFFF80  }
0x4f: {  	[tilespmem:s23], [sflag:$0x3] =	stream.linear.gather [hbm4b:s0+s3], $0x80, $0x38;
	[tilespmem:$0x1C200] =	vst v63  }
0x50: {  	_ =	swait.ge [sflag:s17], $0x80  }
0x51: {  	[sflag:s17] =	ssyncset.done $0x0  }
0x52: {  	[sflag:s17] =	ssyncadd.s32 $0xFFFFFF80  }
0x53: {  	[tilespmem:s24], [sflag:$0x2] =	stream.indirect.gather [hbm4b:s5+s20], $0x80, s22, s20, $0xb8;
	[tilespmem:$0x1C200] =	vst v63  }
0x54: {  	_ =	swait.ge [sflag:s25], $0x4000  }
0x55: {  	[sflag:s25] =	ssyncset.done $0x0  }
0x56: {  	[sflag:s25] =	ssyncadd.s32 $0xFFFFC000  }
0x57: {  	[spmem:s2] =	stream.indirect.scatter.add.f32 [tilespmem:s21], [sflag:$0x3], $0x80, s19, s20, $0xb8;
	[tilespmem:$0x1C200] =	vst v63  }
0x58: {  	_ =	swait.ge [sflag:s17], $0x4000  }
0x59: {  	[sflag:s17] =	ssyncset.done $0x0  }
0x5a: {  	[sflag:s17] =	ssyncadd.s32 $0xFFFFC000  }
0x5b: {  	_ =	swait.ge [sflag:s26], $0x4000  }
0x5c: {  	[sflag:s26] =	ssyncset.done $0x0  }
0x5d: {  	[sflag:s26] =	ssyncadd.s32 $0xFFFFC000  }
0x5e: {  	[spmem:s2] =	stream.indirect.scatter.add.f32 [tilespmem:s24], [sflag:$0x3], $0x80, s23, s20, $0xb8;
	[tilespmem:$0x1C200] =	vst v63  }
0x5f: {  	_ =	swait.ge [sflag:s17], $0x4000  }
0x60: {  	s29 =	simm.s32 $0x40;
	s0 =	simm.s32 $0x80;
	[sflag:s17] =	ssyncset.done $0x0  }
.LBB2_6:
0x61: {  	s1 =	sadd.s32 s29, s14  }
0x62: {  	[sflag:s17] =	ssyncadd.s32 $0xFFFFC000;
	s29 =	smov.u32 s0;
	s30 =	sadd.s32 $0x40, s0  }
0x63: {  	[tilespmem:s18], [sflag:$0x3] =	stream.linear.gather [hbm4b:s1+s3], $0x80, $0x38;
	[tilespmem:$0x1C200] =	vst v63  }
0x64: {  	p1 =	sne.s32 s0, $0x1380;
	_ =	swait.ge [sflag:s17], $0x80  }
0x65: {  	[sflag:s17] =	ssyncset.done $0x0  }
0x66: {  	s0 =	sadd.s32 $0x10, s1;
	[sflag:s17] =	ssyncadd.s32 $0xFFFFFF80  }
0x67: {  	[tilespmem:s19], [sflag:$0x3] =	stream.linear.gather [hbm4b:s0+s3], $0x80, $0x38;
	[tilespmem:$0x1C200] =	vst v63  }
0x68: {  	_ =	swait.ge [sflag:s17], $0x80  }
0x69: {  	[sflag:s17] =	ssyncset.done $0x0  }
0x6a: {  	[sflag:s17] =	ssyncadd.s32 $0xFFFFFF80  }
0x6b: {  	[tilespmem:s21], [sflag:$0x1] =	stream.indirect.gather [hbm4b:s5+s20], $0x80, s18, s20, $0xb8;
	[tilespmem:$0x1C200] =	vst v63  }
0x6c: {  	s0 =	sadd.s32 $0x20, s1  }
0x6d: {  	[tilespmem:s22], [sflag:$0x3] =	stream.linear.gather [hbm4b:s0+s3], $0x80, $0x38;
	[tilespmem:$0x1C200] =	vst v63  }
0x6e: {  	_ =	swait.ge [sflag:s17], $0x80  }
0x6f: {  	[sflag:s17] =	ssyncset.done $0x0  }
0x70: {  	s0 =	sadd.s32 $0x30, s1;
	[sflag:s17] =	ssyncadd.s32 $0xFFFFFF80  }
0x71: {  	[tilespmem:s23], [sflag:$0x3] =	stream.linear.gather [hbm4b:s0+s3], $0x80, $0x38;
	[tilespmem:$0x1C200] =	vst v63  }
0x72: {  	_ =	swait.ge [sflag:s17], $0x80  }
0x73: {  	[sflag:s17] =	ssyncset.done $0x0  }
0x74: {  	[sflag:s17] =	ssyncadd.s32 $0xFFFFFF80  }
0x75: {  	[tilespmem:s24], [sflag:$0x2] =	stream.indirect.gather [hbm4b:s5+s20], $0x80, s22, s20, $0xb8;
	[tilespmem:$0x1C200] =	vst v63  }
0x76: {  	_ =	swait.ge [sflag:s25], $0x4000  }
0x77: {  	[sflag:s25] =	ssyncset.done $0x0  }
0x78: {  	[sflag:s25] =	ssyncadd.s32 $0xFFFFC000  }
0x79: {  	[spmem:s2] =	stream.indirect.scatter.add.f32 [tilespmem:s21], [sflag:$0x3], $0x80, s19, s20, $0xb8;
	[tilespmem:$0x1C200] =	vst v63  }
0x7a: {  	_ =	swait.ge [sflag:s17], $0x4000  }
0x7b: {  	[sflag:s17] =	ssyncset.done $0x0  }
0x7c: {  	[sflag:s17] =	ssyncadd.s32 $0xFFFFC000  }
0x7d: {  	_ =	swait.ge [sflag:s26], $0x4000  }
.Ltmp3:
0x7e: {  	[sflag:s26] =	ssyncset.done $0x0;
	(pc) =	sbr.rel @p1 .LBB2_6-.Ltmp3, $4  }
0x7f: {  	[sflag:s26] =	ssyncadd.s32 $0xFFFFC000  }
0x80: {  	[spmem:s2] =	stream.indirect.scatter.add.f32 [tilespmem:s24], [sflag:$0x3], $0x80, s23, s20, $0xb8;
	[tilespmem:$0x1C200] =	vst v63  }
0x81: {  	_ =	swait.ge [sflag:s17], $0x4000  }
0x82: {  	s0 =	smov.u32 s30;
	[sflag:s17] =	ssyncset.done $0x0  }
.Ltmp4:
0x83: {  	_ = 	snop;
	(pc) =	sbr.rel .LBB2_7-.Ltmp4, $1  }
0x84: {  	_ =	sdelay $0x3  }
.LBB2_2:
0x85: {  	s29 =	sor.u32 $0x1C03, s12  }
0x86: {  	[spmem:s16], [sflag:s29] =	dma.local [hbm:s9], $0x2800  }
0x87: {  	_ =	swait.ge [sflag:s17], $0x2800  }
0x88: {  	[sflag:s17] =	ssyncset.done $0x0  }
0x89: {  	[sflag:s17] =	ssyncadd.s32 $0xFFFFD800  }
0x8a: {  	s0 =	sadd.s32 $0x0, s13;
	[bflag:$0x0] =	sbarrier.arrive $0xFFFF  }
0x8b: {  	[tilespmem:s18], [sflag:$0x3] =	stream.linear.gather [hbm4b:s0+s3], $0x80, $0x38;
	[tilespmem:$0x1C200] =	vst v63  }
0x8c: {  	_ =	swait.ge [sflag:s17], $0x80  }
0x8d: {  	[sflag:s17] =	ssyncset.done $0x0  }
0x8e: {  	s30 =	sadd.s32 $0x10, s0;
	[sflag:s17] =	ssyncadd.s32 $0xFFFFFF80  }
0x8f: {  	[tilespmem:s19], [sflag:$0x3] =	stream.linear.gather [hbm4b:s30+s3], $0x80, $0x38;
	[tilespmem:$0x1C200] =	vst v63  }
0x90: {  	_ =	swait.ge [sflag:s17], $0x80  }
0x91: {  	[sflag:s17] =	ssyncset.done $0x0  }
0x92: {  	[sflag:s17] =	ssyncadd.s32 $0xFFFFFF80  }
0x93: {  	[tilespmem:s21], [sflag:$0x1] =	stream.indirect.gather [hbm4b:s4+s20], $0x80, s18, s20, $0xb8;
	[tilespmem:$0x1C200] =	vst v63  }
0x94: {  	s30 =	sadd.s32 $0x20, s0  }
0x95: {  	[tilespmem:s22], [sflag:$0x3] =	stream.linear.gather [hbm4b:s30+s3], $0x80, $0x38;
	[tilespmem:$0x1C200] =	vst v63  }
0x96: {  	_ =	swait.ge [sflag:s17], $0x80  }
0x97: {  	[sflag:s17] =	ssyncset.done $0x0  }
0x98: {  	s0 =	sadd.s32 $0x30, s0;
	[sflag:s17] =	ssyncadd.s32 $0xFFFFFF80  }
0x99: {  	[tilespmem:s23], [sflag:$0x3] =	stream.linear.gather [hbm4b:s0+s3], $0x80, $0x38;
	[tilespmem:$0x1C200] =	vst v63  }
0x9a: {  	_ =	swait.ge [sflag:s17], $0x80  }
0x9b: {  	[sflag:s17] =	ssyncset.done $0x0  }
0x9c: {  	[sflag:s17] =	ssyncadd.s32 $0xFFFFFF80  }
0x9d: {  	[tilespmem:s24], [sflag:$0x2] =	stream.indirect.gather [hbm4b:s4+s20], $0x80, s22, s20, $0xb8;
	[tilespmem:$0x1C200] =	vst v63  }
0x9e: {  	_ =	swait.ge [sflag:s25], $0x4000  }
0x9f: {  	[sflag:s25] =	ssyncset.done $0x0  }
0xa0: {  	[sflag:s25] =	ssyncadd.s32 $0xFFFFC000  }
0xa1: {  	[spmem:s2] =	stream.indirect.scatter.add.f32 [tilespmem:s21], [sflag:$0x3], $0x80, s19, s20, $0xb8;
	[tilespmem:$0x1C200] =	vst v63  }
0xa2: {  	_ =	swait.ge [sflag:s17], $0x4000  }
0xa3: {  	[sflag:s17] =	ssyncset.done $0x0  }
0xa4: {  	[sflag:s17] =	ssyncadd.s32 $0xFFFFC000  }
0xa5: {  	_ =	swait.ge [sflag:s26], $0x4000  }
0xa6: {  	[sflag:s26] =	ssyncset.done $0x0  }
0xa7: {  	[sflag:s26] =	ssyncadd.s32 $0xFFFFC000  }
0xa8: {  	[spmem:s2] =	stream.indirect.scatter.add.f32 [tilespmem:s24], [sflag:$0x3], $0x80, s23, s20, $0xb8;
	[tilespmem:$0x1C200] =	vst v63  }
0xa9: {  	_ =	swait.ge [sflag:s17], $0x4000  }
0xaa: {  	s31 =	simm.s32 $0x80;
	s30 =	simm.s32 $0x40;
	[sflag:s17] =	ssyncset.done $0x0  }
.LBB2_3:
0xab: {  	s1 =	sadd.s32 s30, s13  }
0xac: {  	[sflag:s17] =	ssyncadd.s32 $0xFFFFC000;
	s30 =	smov.u32 s31;
	s0 =	sadd.s32 $0x40, s31  }
0xad: {  	[tilespmem:s18], [sflag:$0x3] =	stream.linear.gather [hbm4b:s1+s3], $0x80, $0x38;
	[tilespmem:$0x1C200] =	vst v63  }
0xae: {  	p1 =	seq.s32 s31, $0x1380;
	_ =	swait.ge [sflag:s17], $0x80  }
0xaf: {  	[sflag:s17] =	ssyncset.done $0x0  }
0xb0: {  	s31 =	sadd.s32 $0x10, s1;
	[sflag:s17] =	ssyncadd.s32 $0xFFFFFF80  }
0xb1: {  	[tilespmem:s19], [sflag:$0x3] =	stream.linear.gather [hbm4b:s31+s3], $0x80, $0x38;
	[tilespmem:$0x1C200] =	vst v63  }
0xb2: {  	_ =	swait.ge [sflag:s17], $0x80  }
0xb3: {  	[sflag:s17] =	ssyncset.done $0x0  }
0xb4: {  	[sflag:s17] =	ssyncadd.s32 $0xFFFFFF80  }
0xb5: {  	[tilespmem:s21], [sflag:$0x1] =	stream.indirect.gather [hbm4b:s4+s20], $0x80, s18, s20, $0xb8;
	[tilespmem:$0x1C200] =	vst v63  }
0xb6: {  	s31 =	sadd.s32 $0x20, s1  }
0xb7: {  	[tilespmem:s22], [sflag:$0x3] =	stream.linear.gather [hbm4b:s31+s3], $0x80, $0x38;
	[tilespmem:$0x1C200] =	vst v63  }
0xb8: {  	_ =	swait.ge [sflag:s17], $0x80  }
0xb9: {  	[sflag:s17] =	ssyncset.done $0x0  }
0xba: {  	s1 =	sadd.s32 $0x30, s1;
	[sflag:s17] =	ssyncadd.s32 $0xFFFFFF80  }
0xbb: {  	[tilespmem:s23], [sflag:$0x3] =	stream.linear.gather [hbm4b:s1+s3], $0x80, $0x38;
	[tilespmem:$0x1C200] =	vst v63  }
0xbc: {  	_ =	swait.ge [sflag:s17], $0x80  }
0xbd: {  	[sflag:s17] =	ssyncset.done $0x0  }
0xbe: {  	[sflag:s17] =	ssyncadd.s32 $0xFFFFFF80  }
0xbf: {  	[tilespmem:s24], [sflag:$0x2] =	stream.indirect.gather [hbm4b:s4+s20], $0x80, s22, s20, $0xb8;
	[tilespmem:$0x1C200] =	vst v63  }
0xc0: {  	_ =	swait.ge [sflag:s25], $0x4000  }
0xc1: {  	[sflag:s25] =	ssyncset.done $0x0  }
0xc2: {  	[sflag:s25] =	ssyncadd.s32 $0xFFFFC000  }
0xc3: {  	[spmem:s2] =	stream.indirect.scatter.add.f32 [tilespmem:s21], [sflag:$0x3], $0x80, s19, s20, $0xb8;
	[tilespmem:$0x1C200] =	vst v63  }
0xc4: {  	_ =	swait.ge [sflag:s17], $0x4000  }
0xc5: {  	[sflag:s17] =	ssyncset.done $0x0  }
0xc6: {  	[sflag:s17] =	ssyncadd.s32 $0xFFFFC000  }
0xc7: {  	_ =	swait.ge [sflag:s26], $0x4000  }
.Ltmp5:
0xc8: {  	[sflag:s26] =	ssyncset.done $0x0;
	(pc) =	sbr.rel @!p1 .LBB2_3-.Ltmp5, $4  }
0xc9: {  	[sflag:s26] =	ssyncadd.s32 $0xFFFFC000  }
0xca: {  	[spmem:s2] =	stream.indirect.scatter.add.f32 [tilespmem:s24], [sflag:$0x3], $0x80, s23, s20, $0xb8;
	[tilespmem:$0x1C200] =	vst v63  }
0xcb: {  	_ =	swait.ge [sflag:s17], $0x4000  }
0xcc: {  	s31 =	smov.u32 s0;
	[sflag:s17] =	ssyncset.done $0x0  }
0xcd: {  	s0 =	sadd.s32 s30, s13;
	[sflag:s17] =	ssyncadd.s32 $0xFFFFC000  }
0xce: {  	[tilespmem:s18], [sflag:$0x3] =	stream.linear.gather [hbm4b:s0+s3], $0x80, $0x38;
	[tilespmem:$0x1C200] =	vst v63  }
0xcf: {  	_ =	swait.ge [sflag:s17], $0x80  }
0xd0: {  	[sflag:s17] =	ssyncset.done $0x0  }
0xd1: {  	s1 =	sadd.s32 $0x10, s0;
	[sflag:s17] =	ssyncadd.s32 $0xFFFFFF80  }
0xd2: {  	[tilespmem:s19], [sflag:$0x3] =	stream.linear.gather [hbm4b:s1+s3], $0x80, $0x38;
	[tilespmem:$0x1C200] =	vst v63  }
0xd3: {  	_ =	swait.ge [sflag:s17], $0x80  }
0xd4: {  	[sflag:s17] =	ssyncset.done $0x0  }
0xd5: {  	[sflag:s17] =	ssyncadd.s32 $0xFFFFFF80  }
0xd6: {  	[tilespmem:s21], [sflag:$0x1] =	stream.indirect.gather [hbm4b:s4+s20], $0x80, s18, s20, $0xb8;
	[tilespmem:$0x1C200] =	vst v63  }
0xd7: {  	s31 =	sadd.s32 $0x20, s0  }
0xd8: {  	[tilespmem:s22], [sflag:$0x3] =	stream.linear.gather [hbm4b:s31+s3], $0x80, $0x38;
	[tilespmem:$0x1C200] =	vst v63  }
0xd9: {  	_ =	swait.ge [sflag:s17], $0x80  }
0xda: {  	[sflag:s17] =	ssyncset.done $0x0  }
0xdb: {  	s0 =	sadd.s32 $0x30, s0;
	[sflag:s17] =	ssyncadd.s32 $0xFFFFFF80  }
0xdc: {  	[tilespmem:s23], [sflag:$0x3] =	stream.linear.gather [hbm4b:s0+s3], $0x80, $0x38;
	[tilespmem:$0x1C200] =	vst v63  }
0xdd: {  	_ =	swait.ge [sflag:s17], $0x80  }
0xde: {  	[sflag:s17] =	ssyncset.done $0x0  }
0xdf: {  	[sflag:s17] =	ssyncadd.s32 $0xFFFFFF80  }
0xe0: {  	[tilespmem:s24], [sflag:$0x2] =	stream.indirect.gather [hbm4b:s4+s20], $0x80, s22, s20, $0xb8;
	[tilespmem:$0x1C200] =	vst v63  }
0xe1: {  	_ =	swait.ge [sflag:s25], $0x4000  }
0xe2: {  	[sflag:s25] =	ssyncset.done $0x0  }
0xe3: {  	[sflag:s25] =	ssyncadd.s32 $0xFFFFC000  }
0xe4: {  	[spmem:s2] =	stream.indirect.scatter.add.f32 [tilespmem:s21], [sflag:$0x3], $0x80, s19, s20, $0xb8;
	[tilespmem:$0x1C200] =	vst v63  }
0xe5: {  	_ =	swait.ge [sflag:s17], $0x4000  }
0xe6: {  	[sflag:s17] =	ssyncset.done $0x0  }
0xe7: {  	[sflag:s17] =	ssyncadd.s32 $0xFFFFC000  }
0xe8: {  	_ =	swait.ge [sflag:s26], $0x4000  }
0xe9: {  	[sflag:s26] =	ssyncset.done $0x0  }
.Ltmp6:
0xea: {  	[sflag:s26] =	ssyncadd.s32 $0xFFFFC000;
	(pc) =	sbr.rel .LBB2_8-.Ltmp6, $4  }
0xeb: {  	[spmem:s2] =	stream.indirect.scatter.add.f32 [tilespmem:s24], [sflag:$0x3], $0x80, s23, s20, $0xb8;
	[tilespmem:$0x1C200] =	vst v63  }
0xec: {  	_ =	swait.ge [sflag:s17], $0x4000  }
0xed: {  	[sflag:s17] =	ssyncset.done $0x0  }
0xee: {  	s0 =	smov.u32 s6;
	[sflag:s17] =	ssyncadd.s32 $0xFFFFC000  }
.LBB2_9:
0xef: {  	_ =	sfence.sel $0x180000  }
0xf0: {  	[bflag:$0x0] =	sbarrier.arrive $0xFFFF  }
0xf1: {  	_ =	strace $0x9000004D  }
0xf2: {  	s0 =	stileid.u32;
	[bflag:$0x2] =	sbarrier.arrive $0xFFFF  }
0xf3: {  	p0 =	sne.s32 s0, $0x0;
	s0 =	rddreg [dreg:$0x3]  }
0xf4: {  	s0 =	sadd.s32 @!p0 $0x100000, s0  }
0xf5: {  	[sflag:s0] =	ssyncadd.tile.s32 @!p0 $0x1;
	_ =	shalt  }
.Lfunc_end2:
_tile_overlayer_lowered:
.L_overlay_start_2:
0xf6: {  	(tag) =	ssettag $0x2  }
0xf7: {  	s0 =	rddreg [dreg:$0x0];
	s2 =	stileid.u32  }
0xf8: {  	s1 =	rddreg [dreg:$0x1];
	p0 =	sne.s32 s2, $0x0  }
0xf9: {  	s3 =	rddreg [dreg:$0x2];
	[bflag:$0x3] =	sbarrier.arrive $0xFFFF;
	s2 =	simm.s32 @!p0 $0x1C03  }
0xfa: {  	[timem:s3], [sflag:s2] =	dma.local @!p0 [hbm:s0], s1  }
0xfb: {  	s0 =	simm.s32 @!p0 $0x3  }
0xfc: {  	_ =	swait.ge @!p0 [sflag:s0], s1  }
0xfd: {  	s1 =	ssub.s32 @!p0 $0x0, s1;
	[sflag:s0] =	ssyncset.done @!p0 $0x0  }
0xfe: {  	[sflag:s0] =	ssyncadd.s32 @!p0 s1  }
0xff: {  	[bflag:$0x3] =	sbarrier.arrive $0xFFFF  }
0x100: {  	_ =	shalt  }

// kernel: kernel.8.cloned.1.call-start
scs
__scs_entry_jumppad:
0x0: {  	(pc) =	sbr.rel $0x88, $3  }
0x1: {  	(tag) =	ssettag $0x0;
	lr =	simm.s32 $0x1  }
0x2: {  	[smem:$0x3F8D] =	sst lr;
	_ =	strace $0xD0000000  }
0x3: {  	_ = 	snop  }
0x4: {  	_ = 	snop  }
0x5: {  	_ = 	snop  }
0x6: {  	_ = 	snop  }
0x7: {  	_ = 	snop  }
__scs_overlays_trampoline_lowered:
0x8: {  	[smem:$0x3F9C] =	sst s0  }
0x9: {  	[smem:$0x3F9D] =	sst s1  }
0xa: {  	[smem:$0x3F9E] =	sst s2  }
0xb: {  	[smem:$0x3F9F] =	sst s3  }
0xc: {  	[smem:$0x3FA0] =	sst s4  }
0xd: {  	[smem:$0x3FA1] =	sst s5  }
0xe: {  	[smem:$0x3FA2] =	sst s6  }
0xf: {  	[smem:$0x3FA3] =	sst s7  }
0x10: {  	[smem:$0x3FA4] =	sst s8  }
0x11: {  	[smem:$0x3FA5] =	sst s9;
	s0 =	simm.s32 @!p0 $0x0  }
0x12: {  	s1 =	sld [smem:$0x3F8B];
	s0 =	simm.s32 @p0 $0x1  }
0x13: {  	[smem:$0x3FA6] =	sst s0;
	s0 =	simm.s32 @!p1 $0x0  }
0x14: {  	s2 =	sld [smem:$0x3F8A];
	s0 =	simm.s32 @p1 $0x1  }
0x15: {  	[smem:$0x3FA7] =	sst s0;
	s0 =	simm.s32 @!p2 $0x0  }
0x16: {  	s3 =	sld [smem:$0x3FDB];
	s0 =	simm.s32 @p2 $0x1  }
0x17: {  	s4 =	simm.s32 $0x1BF5;
	[smem:$0x3FA9] =	sst s0  }
0x18: {  	s0 =	sld [smem:$0x3F8C];
	_ =	swait.ge [sflag:s4], $0x0  }
0x19: {  	s7 =	sld [smem:$0x3F8D]  }
0x1a: {  	s8 =	sadd.s32 $0xFFFFE003, lr  }
0x1b: {  	s9 =	sadd.s32 $0xFFFFFEF7, lr;
	s5 =	simm.s32 $0xFFFFFFFF;
	p2 =	slt.u32 s8, $0xFFFFF086  }
0x1c: {  	p1 =	slt.u32 s9, $0xF7A;
	s5 =	simm.s32 @!p2 $0x0  }
0x1d: {  	s5 =	simm.s32 @p1 $0x1;
	p0 =	seq.s32 s7, s2  }
0x1e: {  	s7 =	smul.u32 @!p0 $0xF7A, s2;
	p2 =	seq.s32 @!p0 s5, $0x0  }
0x1f: {  	s9 =	smul.u32 $0xF7A, s1;
	s8 =	simm.s32 @!p0 $0x1BF5;
	p2 =	por !p2, p0  }
0x20: {  	[sflag:s8] =	ssyncset.s32 @!p0 $0xFFFFF086;
	s6 =	sadd.s32 @!p0 s3, s7;
	s7 =	simm.s32 @!p0 $0x108  }
0x21: {  	s3 =	sadd.s32 s3, s9;
	s6 =	sadd.s32 @!p0 $0x88, s6;
	s7 =	simm.s32 @p2 $0x1082  }
0x22: {  	[simem:s7], [sflag:s8] =	dma.local @!p0 [hbm:s6], $0xF7A  }
0x23: {  	s9 =	sor.u32 $0xD0000000, s2;
	s6 =	simm.s32 $0x108;
	_ =	swait.ge @!p0 [sflag:s8], $0x0  }
0x24: {  	s3 =	sadd.s32 $0x88, s3;
	s6 =	simm.s32 @!p1 $0x1082;
	[sflag:s4] =	ssyncset.s32 $0xFFFFF086  }
0x25: {  	[simem:s6], [sflag:s4] =	dma.local [hbm:s3], $0xF7A  }
0x26: {  	[smem:$0x3F8D] =	sst s1;
	(tag) =	ssettag s2;
	_ =	strace s9  }
0x27: {  	s1 =	sld [smem:$0x3F9D]  }
0x28: {  	s2 =	sld [smem:$0x3F9E]  }
0x29: {  	s4 =	sld [smem:$0x3FA0]  }
0x2a: {  	p0 =	seq.s32 s5, $0x0;
	s5 =	sld [smem:$0x3FA1]  }
0x2b: {  	s6 =	sld [smem:$0x3FA2]  }
0x2c: {  	s7 =	sld [smem:$0x3FA3]  }
0x2d: {  	s3 =	simm.s32 $0x108;
	s8 =	sld [smem:$0x3FA4]  }
0x2e: {  	s3 =	simm.s32 @!p0 $0x1082;
	s9 =	sld [smem:$0x3FA5]  }
0x2f: {  	lr =	sadd.s32 s0, s3;
	s0 =	sld [smem:$0x3F9C]  }
0x30: {  	s3 =	sld [smem:$0x3F9F]  }
0x31: {  	[smem:$0x3FA8] =	sst s10  }
0x32: {  	s10 =	sld [smem:$0x3FA6];
	_ =	sdelay $0x3  }
0x33: {  	p0 =	seq.s32 s10, $0x1;
	s10 =	sld [smem:$0x3FA8];
	_ =	sdelay $0x3  }
0x34: {  	[smem:$0x3FA8] =	sst s10  }
0x35: {  	s10 =	sld [smem:$0x3FA7];
	_ =	sdelay $0x3  }
0x36: {  	p1 =	seq.s32 s10, $0x1;
	s10 =	sld [smem:$0x3FA8];
	_ =	sdelay $0x3  }
0x37: {  	[smem:$0x3FA8] =	sst s10  }
0x38: {  	s10 =	sld [smem:$0x3FA9]  }
0x39: {  	_ = 	snop;
	(pc) =	sbr.ind lr, $3  }
0x3a: {  	_ = 	snop  }
0x3b: {  	_ = 	snop  }
0x3c: {  	p2 =	seq.s32 s10, $0x1;
	s10 =	sld [smem:$0x3FA8]  }
0x3d: {  	_ =	shalt  }
0x3e: {  	_ =	shalt  }
0x3f: {  	_ =	shalt  }
0x40: {  	_ =	shalt  }
0x41: {  	_ =	shalt  }
0x42: {  	_ =	shalt  }
0x43: {  	_ =	shalt  }
0x44: {  	_ =	shalt  }
0x45: {  	_ =	shalt  }
0x46: {  	_ =	shalt  }
0x47: {  	_ =	shalt  }
0x48: {  	_ =	shalt  }
0x49: {  	_ =	shalt  }
0x4a: {  	_ =	shalt  }
0x4b: {  	_ =	shalt  }
0x4c: {  	_ =	shalt  }
0x4d: {  	_ =	shalt  }
0x4e: {  	_ =	shalt  }
0x4f: {  	_ =	shalt  }
0x50: {  	_ =	shalt  }
0x51: {  	_ =	shalt  }
0x52: {  	_ =	shalt  }
0x53: {  	_ =	shalt  }
0x54: {  	_ =	shalt  }
0x55: {  	_ =	shalt  }
0x56: {  	_ =	shalt  }
0x57: {  	_ =	shalt  }
0x58: {  	_ =	shalt  }
0x59: {  	_ =	shalt  }
0x5a: {  	_ =	shalt  }
0x5b: {  	_ =	shalt  }
0x5c: {  	_ =	shalt  }
0x5d: {  	_ =	shalt  }
0x5e: {  	_ =	shalt  }
0x5f: {  	_ =	shalt  }
0x60: {  	_ =	shalt  }
0x61: {  	_ =	shalt  }
0x62: {  	_ =	shalt  }
0x63: {  	_ =	shalt  }
0x64: {  	_ =	shalt  }
0x65: {  	_ =	shalt  }
0x66: {  	_ =	shalt  }
0x67: {  	_ =	shalt  }
0x68: {  	_ =	shalt  }
0x69: {  	_ =	shalt  }
0x6a: {  	_ =	shalt  }
0x6b: {  	_ =	shalt  }
0x6c: {  	_ =	shalt  }
0x6d: {  	_ =	shalt  }
0x6e: {  	_ =	shalt  }
0x6f: {  	_ =	shalt  }
0x70: {  	_ =	shalt  }
0x71: {  	_ =	shalt  }
0x72: {  	_ =	shalt  }
0x73: {  	_ =	shalt  }
0x74: {  	_ =	shalt  }
0x75: {  	_ =	shalt  }
0x76: {  	_ =	shalt  }
0x77: {  	_ =	shalt  }
0x78: {  	_ =	shalt  }
0x79: {  	_ =	shalt  }
0x7a: {  	_ =	shalt  }
0x7b: {  	_ =	shalt  }
0x7c: {  	_ =	shalt  }
0x7d: {  	_ =	shalt  }
0x7e: {  	_ =	shalt  }
0x7f: {  	_ =	shalt  }
0x80: {  	_ =	shalt  }
0x81: {  	_ =	shalt  }
0x82: {  	_ =	shalt  }
0x83: {  	_ =	shalt  }
0x84: {  	_ =	shalt  }
0x85: {  	_ =	shalt  }
0x86: {  	_ =	shalt  }
0x87: {  	_ =	shalt  }
.Lfunc_end0:
.L_simem_size_0:
called_computation_lowered:
.L_overlay_start_0:
0x88: {  	s2 =	sld [smem:$0x3FD9]  }
0x89: {  	s3 =	sld [smem:$0x3FFE];
	_ =	sdelay $0x1  }
0x8a: {  	s1 =	srdreg.scid  }
0x8b: {  	s0 =	sand.u32 $0x1, s1  }
0x8c: {  	s17 =	sshll.u32 s0, $0xA;
	s2 =	sadd.s32 s3, s2  }
0x8d: {  	s2 =	sadd.s32 s2, s17  }
0x8e: {  	[smem:$0x3FB4] =	sst s2  }
0x8f: {  	_ = 	snop  }
0x90: {  	s2 =	sld [smem:$0x3FD0];
	(tm) =	ssettm $0x1  }
0x91: {  	s18 =	sld [smem:$0x3FFB];
	_ =	sdelay $0x3  }
0x92: {  	_ =	strace s18  }
0x93: {  	s3 =	sld [smem:$0x3FFC];
	_ =	sdelay $0x3  }
0x94: {  	_ =	strace s3  }
0x95: {  	s3 =	sld [smem:$0x3FFD];
	_ =	sdelay $0x3  }
0x96: {  	_ =	strace s3  }
0x97: {  	_ =	strace $0x8FFFFFFF  }
0x98: {  	s19 =	sld [smem:$0x3FDB];
	_ =	sdelay $0x1  }
0x99: {  	s4 =	simm.s32 $_scs_section_size  }
0x9a: {  	s5 =	simm.s32 $_size__tile_overlayer_lowered;
	s6 =	simm.s32 $_tile_overlayer_lowered  }
0x9b: {  	s22 =	simm.s32 $0x1BFF;
	s21 =	sshll.u32 s6, $0x1;
	s3 =	sadd.s32 s4, s19  }
0x9c: {  	s7 =	simm.s32 $0x0;
	s20 =	sshll.u32 s5, $0x1;
	s5 =	sadd.s32 s21, s3  }
0x9d: {  	[timem:s7], [sflag:s22] =	dma.local [hbm:s5], s20  }
0x9e: {  	_ =	swait.ge [sflag:s22], s20  }
0x9f: {  	s4 =	ssub.s32 $0x0, s20;
	[sflag:s22] =	ssyncset.done $0x0  }
0xa0: {  	[sflag:s22] =	ssyncadd.s32 s4;
	_ =	sdelay $0x1  }
0xa1: {  	s23 =	simm.s32 $0x1B8B  }
0xa2: {  	_ =	swait.ge [sflag:s23], $0x1  }
0xa3: {  	[sflag:s23] =	ssyncset.done $0x0  }
0xa4: {  	s25 =	simm.s32 $0x1B8E;
	s24 =	sld [smem:$0x3FFE];
	[sflag:s23] =	ssyncadd.s32 $0xFFFFFFFF  }
0xa5: {  	s26 =	simm.s32 $execute0_lowered;
	[smem:$0x3FD2] =	sst s25  }
0xa6: {  	s5 =	sshll.u32 s26, $0x1;
	_ =	strace $0x80000046;
	[dreg:$0x1] =	wrdreg $0xFFFFFFFF  }
0xa7: {  	s28 =	simm.s32 $_size_execute0_lowered;
	s3 =	sadd.s32 s3, s5;
	[dreg:$0x0] =	wrdreg $0x0  }
0xa8: {  	s5 =	sshll.u32 s28, $0x1;
	[dreg:$0x2] =	wrdreg s3  }
0xa9: {  	[dreg:$0x3] =	wrdreg s5  }
0xaa: {  	[dreg:$0x4] =	wrdreg $0xC0  }
0xab: {  	_ =	task [dreg:s7], $0x5FFFF  }
0xac: {  	[dreg:$0x1] =	wrdreg $0xFFFFFFFF  }
0xad: {  	[dreg:$0x0] =	wrdreg $0x60  }
0xae: {  	[dreg:$0x2] =	wrdreg s2  }
0xaf: {  	[dreg:$0x3] =	wrdreg s24  }
0xb0: {  	[dreg:$0x4] =	wrdreg $0x0  }
0xb1: {  	[dreg:$0x5] =	wrdreg $0x9  }
0xb2: {  	_ =	task.clear_ibuf [dreg:s7], $0x6FFFF;
	_ =	strace $0x90000046  }
0xb3: {  	s29 =	simm.s32 $0x9;
	_ =	strace $0x80000048  }
0xb4: {  	_ =	swait.ge [sflag:s29], $0x1  }
0xb5: {  	[sflag:s29] =	ssyncadd.s32 $0xFFFFFFFF  }
0xb6: {  	_ =	strace $0x90000048  }
0xb7: {  	_ =	sfence  }
0xb8: {  	s30 =	sld [smem:$0x0];
	_ =	sdelay $0x2  }
0xb9: {  	s31 =	sshll.u32 s1, $0xD;
	s1 =	sshrl.u32 s1, $0x2  }
0xba: {  	s3 =	sand.u32 $0x4000, s31;
	s1 =	sadd.s32 s1, s30  }
0xbb: {  	s0 =	sor.u32 s3, s0;
	s1 =	sshll.u32 s1, $0x11  }
0xbc: {  	s0 =	sor.u32 s1, s0  }
0xbd: {  	s0 =	sadd.s32 $0x8F2B, s0  }
0xbe: {  	[sflag:s0] =	ssyncadd.remote.s32 $0x1  }
0xbf: {  	_ =	sfence.sel $0xFFFF  }
0xc0: {  	[dreg:$0x0] =	wrdreg $0xFFFFFFFF;
	(pc) =	sbr.abs _section_cstart, $3  }
0xc1: {  	[dreg:$0x1] =	wrdreg $0xFFFFFFFF  }
0xc2: {  	_ =	task.clear_ibuf [dreg:s7], $0x2FFFF;
	_ =	strace $0x9FFFFFFF  }
0xc3: {  	(tm) =	ssettm $0x7FFFFFFF  }
tec
execute0_lowered:
.L_overlay_start_1:
0x0: {  	(tag) =	ssettag $0x1  }
0x1: {  	s11 =	rddreg [dreg:$0x0]  }
0x2: {  	s6 =	rddreg [dreg:$0x1]  }
0x3: {  	s2 =	rddreg [dreg:$0x2]  }
0x4: {  	s1 =	stileid.u32;
	s0 =	rddreg [dreg:$0x3];
	s3 =	simm.s32 $0x0  }
0x5: {  	s5 =	srdreg.scid;
	s15 =	simm.s32 $0x300;
	s16 =	simm.s32 $0x280  }
0x6: {  	s17 =	simm.s32 $0x80;
	s18 =	simm.s32 $0x0;
	s12 =	smul.u32 $0x13C0, s1  }
0x7: {  	[smem:$0x7FF] =	sst s3;
	s4 =	sadd.s32 $0x18C00, s6;
	s8 =	sand.u32 $0x1, s5  }
0x8: {  	s7 =	smul.u32 $0x50000, s1;
	s5 =	sadd.s32 $0x40C00, s6;
	s31 =	sshll.u32 s1, $0x6  }
0x9: {  	_ =	strace $0x80000047;
	s9 =	ssub.s32 $0x2, s8;
	p0 =	seq.s32 s8, $0x1  }
.Ltmp0:
0xa: {  	s13 =	sadd.s32 s12, s6;
	s6 =	sadd.s32 $0x68C00, s6;
	(pc) =	sbr.rel .LBB2_1-.Ltmp0, $4  }
0xb: {  	s10 =	sshrl.u32 s9, $0x1;
	s14 =	sshrl.u32 s7, $0x2;
	s7 =	smul.u32 $0x2800, s1  }
0xc: {  	s11 =	sadd.s32 s12, s11;
	s9 =	ssub.s32 s9, s10;
	s14 =	sadd.s32 s14, s2  }
0xd: {  	s10 =	sor.u32 $0x1C01, s31;
	s12 =	sadd.s32 $0x5000, s13;
	s8 =	sadd.s32 s4, s7  }
0xe: {  	s9 =	smax.u32 s9, $0x1;
	s13 =	sshrl.u32 s14, $0x3;
	s14 =	simm.s32 $0x1  }
.LBB2_7:
0xf: {  	s19 =	sadd.s32 s19, s12;
	[sflag:s14] =	ssyncadd.s32 $0xFFFFFF80  }
0x10: {  	[tilespmem:s16], [sflag:$0x1] =	stream.linear.gather [hbm4b:s19+s3], $0x80, $0x38;
	[tilespmem:$0x4300] =	vst v63  }
0x11: {  	_ =	swait.ge [sflag:s14], $0x80  }
0x12: {  	[sflag:s14] =	ssyncset.done $0x0  }
0x13: {  	[sflag:s14] =	ssyncadd.s32 $0xFFFFFF80  }
0x14: {  	[spmem:s2] =	stream.indirect.scatter.add.f32 [tilespmem:s15], [sflag:$0x1], $0x1, s16, s17, $0xb8;
	[tilespmem:$0x4300] =	vst v63  }
0x15: {  	_ =	swait.ge [sflag:s14], $0x80  }
0x16: {  	[sflag:s14] =	ssyncset.done $0x0  }
0x17: {  	s19 =	smov.u32 s6;
	[sflag:s14] =	ssyncadd.s32 $0xFFFFFF80  }
.LBB2_8:
0x18: {  	s18 =	sadd.s32 $0x1, s18  }
0x19: {  	p1 =	sne.s32 s18, s9  }
.Ltmp1:
0x1a: {  	s19 =	sadd.s32 s19, s7;
	[bflag:$0x0] =	sbarrier.arrive $0xFFFF;
	(pc) =	sbr.rel @!p1 .LBB2_9-.Ltmp1, $4  }
0x1b: {  	[hbm:s19], [sflag:s10] =	dma.local [spmem:s13], $0x2800  }
0x1c: {  	_ =	swait.ge [sflag:s14], $0x2800  }
0x1d: {  	[sflag:s14] =	ssyncset.done $0x0  }
0x1e: {  	[sflag:s14] =	ssyncadd.s32 $0xFFFFD800  }
.LBB2_1:
0x1f: {  	[spmem:s13], [sflag:s10] =	dma.local [hbm:s8], $0x2800  }
0x20: {  	_ =	swait.ge [sflag:s14], $0x2800  }
0x21: {  	[sflag:s14] =	ssyncset.done $0x0  }
0x22: {  	[sflag:s14] =	ssyncadd.s32 $0xFFFFD800  }
0x23: {  	[tilespmem:s15], [sflag:$0x1] =	stream.linear.gather [hbm4b:s4+s3], $0x4000, $0x38;
	[tilespmem:$0x4300] =	vst v63  }
.Ltmp2:
0x24: {  	_ =	swait.ge [sflag:s14], $0x4000;
	(pc) =	sbr.rel @!p0 .LBB2_2-.Ltmp2, $3  }
0x25: {  	[sflag:s14] =	ssyncset.done $0x0  }
0x26: {  	[sflag:s14] =	ssyncadd.s32 $0xFFFFC000  }
0x27: {  	[bflag:$0x0] =	sbarrier.arrive $0xFFFF;
	_ =	sdelay $0x1  }
0x28: {  	s19 =	sadd.s32 $0x10, s12  }
0x29: {  	[tilespmem:s16], [sflag:$0x1] =	stream.linear.gather [hbm4b:s19+s3], $0x80, $0x38;
	[tilespmem:$0x4300] =	vst v63  }
0x2a: {  	_ =	swait.ge [sflag:s14], $0x80  }
0x2b: {  	[sflag:s14] =	ssyncset.done $0x0  }
0x2c: {  	[sflag:s14] =	ssyncadd.s32 $0xFFFFFF80  }
0x2d: {  	[spmem:s2] =	stream.indirect.scatter.add.f32 [tilespmem:s15], [sflag:$0x1], $0x1, s16, s17, $0xb8;
	[tilespmem:$0x4300] =	vst v63  }
0x2e: {  	_ =	swait.ge [sflag:s14], $0x80  }
0x2f: {  	s20 =	simm.s32 $0x50;
	s19 =	simm.s32 $0x30;
	[sflag:s14] =	ssyncset.done $0x0  }
.LBB2_6:
0x30: {  	s21 =	sadd.s32 s19, s12  }
0x31: {  	[sflag:s14] =	ssyncadd.s32 $0xFFFFFF80;
	s19 =	smov.u32 s20;
	s22 =	sadd.s32 $0x20, s20  }
0x32: {  	[tilespmem:s16], [sflag:$0x1] =	stream.linear.gather [hbm4b:s21+s3], $0x80, $0x38;
	[tilespmem:$0x4300] =	vst v63  }
0x33: {  	p1 =	sne.s32 s20, $0x13B0;
	_ =	swait.ge [sflag:s14], $0x80  }
.Ltmp3:
0x34: {  	[sflag:s14] =	ssyncset.done $0x0;
	(pc) =	sbr.rel @p1 .LBB2_6-.Ltmp3, $4  }
0x35: {  	[sflag:s14] =	ssyncadd.s32 $0xFFFFFF80  }
0x36: {  	[spmem:s2] =	stream.indirect.scatter.add.f32 [tilespmem:s15], [sflag:$0x1], $0x1, s16, s17, $0xb8;
	[tilespmem:$0x4300] =	vst v63  }
0x37: {  	_ =	swait.ge [sflag:s14], $0x80  }
0x38: {  	s20 =	smov.u32 s22;
	[sflag:s14] =	ssyncset.done $0x0  }
.Ltmp4:
0x39: {  	_ = 	snop;
	(pc) =	sbr.rel .LBB2_7-.Ltmp4, $1  }
0x3a: {  	_ =	sdelay $0x3  }
.LBB2_2:
0x3b: {  	s19 =	sadd.s32 $0x10, s11  }
0x3c: {  	[tilespmem:s16], [sflag:$0x1] =	stream.linear.gather [hbm4b:s19+s3], $0x80, $0x38;
	[tilespmem:$0x4300] =	vst v63  }
0x3d: {  	_ =	swait.ge [sflag:s14], $0x80  }
0x3e: {  	[sflag:s14] =	ssyncset.done $0x0  }
0x3f: {  	[sflag:s14] =	ssyncadd.s32 $0xFFFFFF80  }
0x40: {  	[spmem:s2] =	stream.indirect.scatter.add.f32 [tilespmem:s15], [sflag:$0x1], $0x1, s16, s17, $0xb8;
	[tilespmem:$0x4300] =	vst v63  }
0x41: {  	_ =	swait.ge [sflag:s14], $0x80  }
0x42: {  	s20 =	simm.s32 $0x50;
	s19 =	simm.s32 $0x30;
	[sflag:s14] =	ssyncset.done $0x0  }
.LBB2_3:
0x43: {  	s21 =	sadd.s32 s19, s11  }
0x44: {  	[sflag:s14] =	ssyncadd.s32 $0xFFFFFF80;
	s19 =	smov.u32 s20;
	s22 =	sadd.s32 $0x20, s20  }
0x45: {  	[tilespmem:s16], [sflag:$0x1] =	stream.linear.gather [hbm4b:s21+s3], $0x80, $0x38;
	[tilespmem:$0x4300] =	vst v63  }
0x46: {  	p1 =	seq.s32 s20, $0x13B0;
	_ =	swait.ge [sflag:s14], $0x80  }
.Ltmp5:
0x47: {  	[sflag:s14] =	ssyncset.done $0x0;
	(pc) =	sbr.rel @!p1 .LBB2_3-.Ltmp5, $4  }
0x48: {  	[sflag:s14] =	ssyncadd.s32 $0xFFFFFF80  }
0x49: {  	[spmem:s2] =	stream.indirect.scatter.add.f32 [tilespmem:s15], [sflag:$0x1], $0x1, s16, s17, $0xb8;
	[tilespmem:$0x4300] =	vst v63  }
0x4a: {  	_ =	swait.ge [sflag:s14], $0x80  }
0x4b: {  	s20 =	smov.u32 s22;
	[sflag:s14] =	ssyncset.done $0x0  }
0x4c: {  	s19 =	sadd.s32 s19, s11;
	[sflag:s14] =	ssyncadd.s32 $0xFFFFFF80  }
0x4d: {  	[tilespmem:s16], [sflag:$0x1] =	stream.linear.gather [hbm4b:s19+s3], $0x80, $0x38;
	[tilespmem:$0x4300] =	vst v63  }
0x4e: {  	_ =	swait.ge [sflag:s14], $0x80  }
0x4f: {  	[sflag:s14] =	ssyncset.done $0x0  }
.Ltmp6:
0x50: {  	[sflag:s14] =	ssyncadd.s32 $0xFFFFFF80;
	(pc) =	sbr.rel .LBB2_8-.Ltmp6, $4  }
0x51: {  	[spmem:s2] =	stream.indirect.scatter.add.f32 [tilespmem:s15], [sflag:$0x1], $0x1, s16, s17, $0xb8;
	[tilespmem:$0x4300] =	vst v63  }
0x52: {  	_ =	swait.ge [sflag:s14], $0x80  }
0x53: {  	[sflag:s14] =	ssyncset.done $0x0  }
0x54: {  	s19 =	smov.u32 s5;
	[sflag:s14] =	ssyncadd.s32 $0xFFFFFF80  }
.LBB2_9:
0x55: {  	_ =	sfence.sel $0x180000  }
0x56: {  	[bflag:$0x0] =	sbarrier.arrive $0xFFFF  }
0x57: {  	p0 =	sne.s32 s1, $0x0;
	_ =	strace $0x90000047  }
0x58: {  	s0 =	sadd.s32 @!p0 $0x100000, s0;
	[bflag:$0x2] =	sbarrier.arrive $0xFFFF  }
0x59: {  	[sflag:s0] =	ssyncadd.tile.s32 @!p0 $0x1;
	_ =	shalt  }
.Lfunc_end2:
_tile_overlayer_lowered:
.L_overlay_start_2:
0x5a: {  	(tag) =	ssettag $0x2  }
0x5b: {  	s0 =	rddreg [dreg:$0x0];
	s2 =	stileid.u32  }
0x5c: {  	s1 =	rddreg [dreg:$0x1];
	p0 =	sne.s32 s2, $0x0  }
0x5d: {  	s3 =	rddreg [dreg:$0x2];
	[bflag:$0x3] =	sbarrier.arrive $0xFFFF;
	s2 =	simm.s32 @!p0 $0x1C01  }
0x5e: {  	[timem:s3], [sflag:s2] =	dma.local @!p0 [hbm:s0], s1  }
0x5f: {  	s0 =	simm.s32 @!p0 $0x1  }
0x60: {  	_ =	swait.ge @!p0 [sflag:s0], s1  }
0x61: {  	s1 =	ssub.s32 @!p0 $0x0, s1;
	[sflag:s0] =	ssyncset.done @!p0 $0x0  }
0x62: {  	[sflag:s0] =	ssyncadd.s32 @!p0 s1  }
0x63: {  	[bflag:$0x3] =	sbarrier.arrive $0xFFFF  }
0x64: {  	_ =	shalt  }

</sc_bundles>
